<compile_context>
chip_gen: v7x
topology: tpu7x:2x2x1
jax: 0.10.2.dev20260603
libtpu: 0.0.44.dev20260713+nightly
codegen_flags: <defaults>
</compile_context>

<pallas_src>
import functools

import jax
import jax.numpy as jnp
from jax import lax
from jax.experimental import pallas as pl
from jax.experimental.pallas import tpu as pltpu
from jax.experimental.pallas import tpu_sc as plsc

B, L, V, D = 4096, 50, 100000, 128
NC, NS = 2, 16
NW = NC * NS
SEG_PER_SIDE = B // NW
PAIR_PER_SIDE = SEG_PER_SIDE // 2
L2 = 2 * L
NBUF = 4
NCOL = D // 16
INV_L = 1.0 / L

_MESH = plsc.VectorSubcoreMesh(
    core_axis_name="c", subcore_axis_name="s", num_cores=NC, num_subcores=NS)


@functools.partial(
    pl.kernel,
    out_type=(jax.ShapeDtypeStruct((B, D), jnp.float32),
              jax.ShapeDtypeStruct((B, D), jnp.float32)),
    mesh=_MESH,
    scratch_types=[
        pltpu.VMEM((2 * PAIR_PER_SIDE, L2), jnp.int32),
        pltpu.VMEM((NBUF, L2, D), jnp.float32),
        pltpu.VMEM((2 * SEG_PER_SIDE, D), jnp.float32),
        pltpu.SemaphoreType.DMA((NBUF,)),
        pltpu.SemaphoreType.DMA,
    ],
)
def _sc_embed_mean(ids_hbm, table_hbm, vp_hbm, vh_hbm,
                   idx_v, rows_v, out_v, sems, out_sem):
    wid = lax.axis_index("s") * NC + lax.axis_index("c")
    base = wid * SEG_PER_SIDE
    pair_base = wid * PAIR_PER_SIDE
    npair = 2 * PAIR_PER_SIDE

    pltpu.sync_copy(ids_hbm.at[pl.ds(pair_base, PAIR_PER_SIDE)],
                    idx_v.at[pl.ds(0, PAIR_PER_SIDE)])
    pltpu.sync_copy(ids_hbm.at[pl.ds(B // 2 + pair_base, PAIR_PER_SIDE)],
                    idx_v.at[pl.ds(PAIR_PER_SIDE, PAIR_PER_SIDE)])
    for b in range(NBUF):
        pltpu.async_copy(table_hbm.at[idx_v.at[b]], rows_v.at[b],
                         sems.at[b])

    def outer(g2, carry):
        for b in range(NBUF):
            g = g2 * NBUF + b
            pltpu.make_async_copy(table_hbm.at[idx_v.at[0]],
                                  rows_v.at[b], sems.at[b]).wait()

            zeros = tuple(jnp.zeros((16,), jnp.float32)
                          for _ in range(NCOL))

            def acc_body(l, accs):
                a, bb = accs
                a = tuple(a[c] + rows_v[b, l, pl.ds(16 * c, 16)]
                          for c in range(NCOL))
                bb = tuple(bb[c] + rows_v[b, l + L, pl.ds(16 * c, 16)]
                           for c in range(NCOL))
                return (a, bb)

            acc_a, acc_b = plsc.parallel_loop(
                0, L, unroll=4, carry=(zeros, zeros))(acc_body)
            for c in range(NCOL):
                out_v[2 * g, pl.ds(16 * c, 16)] = acc_a[c] * INV_L
                out_v[2 * g + 1, pl.ds(16 * c, 16)] = acc_b[c] * INV_L

            nxt = g + NBUF

            @pl.when(nxt < npair)
            def _():
                pltpu.async_copy(table_hbm.at[idx_v.at[nxt]],
                                 rows_v.at[b], sems.at[b])

        @pl.when(g2 == PAIR_PER_SIDE // NBUF - 1)
        def _():
            pltpu.async_copy(out_v.at[pl.ds(0, SEG_PER_SIDE)],
                             vp_hbm.at[pl.ds(base, SEG_PER_SIDE)], out_sem)
        return carry

    lax.fori_loop(0, npair // NBUF, outer, 0)
    pltpu.sync_copy(out_v.at[pl.ds(SEG_PER_SIDE, SEG_PER_SIDE)],
                    vh_hbm.at[pl.ds(base, SEG_PER_SIDE)])
    pltpu.make_async_copy(out_v.at[pl.ds(0, SEG_PER_SIDE)],
                          vp_hbm.at[pl.ds(base, SEG_PER_SIDE)],
                          out_sem).wait()


_SQRT_HALF = 0.7071067811865476
_BM = 2048


def _tc_mlp_body(vp_ref, vh_ref, w1_ref, b1_ref, w2_ref, b2_ref, h0_ref):
    w1 = w1_ref[...]
    b1 = b1_ref[...]
    w2 = w2_ref[...]
    b2 = b2_ref[...]

    def mlp(v):
        h = jnp.dot(v, w1, preferred_element_type=jnp.float32) + b1
        h = 0.5 * h * (1.0 + lax.erf(h * _SQRT_HALF))
        return jnp.dot(h, w2, preferred_element_type=jnp.float32)

    h0_ref[...] = mlp(vp_ref[...]) + mlp(vh_ref[...]) + 2.0 * b2


def _tc_mlp(v_p, v_h, W1, b1, W2, b2):
    return pl.pallas_call(
        _tc_mlp_body,
        grid=(B // _BM,),
        in_specs=[
            pl.BlockSpec((_BM, D), lambda i: (i, 0)),
            pl.BlockSpec((_BM, D), lambda i: (i, 0)),
            pl.BlockSpec((D, 2 * D), lambda i: (0, 0)),
            pl.BlockSpec((1, 2 * D), lambda i: (0, 0)),
            pl.BlockSpec((2 * D, D), lambda i: (0, 0)),
            pl.BlockSpec((1, D), lambda i: (0, 0)),
        ],
        out_specs=pl.BlockSpec((_BM, D), lambda i: (i, 0)),
        out_shape=jax.ShapeDtypeStruct((B, D), jnp.float32),
    )(v_p, v_h, W1, b1.reshape(1, -1), W2, b2.reshape(1, -1))


def kernel(prem_ids, hyp_ids, table, W1, b1, W2, b2, add_noise=0):
    del add_noise
    ids = jnp.concatenate(
        [prem_ids.astype(jnp.int32).reshape(B // 2, L2),
         hyp_ids.astype(jnp.int32).reshape(B // 2, L2)], axis=0)
    v_p, v_h = _sc_embed_mean(ids, table)
    h0 = _tc_mlp(v_p, v_h, W1, b1, W2, b2)
    return (h0, v_p, v_h)

# --- scband reference (transcript-rebuilt; emitter-appended) ---
"""Pipeline reference for scband-snliencoder-56753697849344 (READ-ONLY COPY).

The authoritative reference and input builder live on the scoring server;
editing this copy changes nothing except your own understanding.
"""

import jax, jax.numpy as jnp
import numpy as np

B, L, V, D = 4096, 50, 100000, 128

def setup_inputs(seed: int = 0) -> dict:
    key = jax.random.key(seed)
    ks = jax.random.split(key, 8)
    prem_ids = jax.random.randint(ks[0], (B, L), 0, V)
    hyp_ids = jax.random.randint(ks[1], (B, L), 0, V)
    table = jax.random.normal(ks[2], (V, D), dtype=jnp.float32)
    W1 = jax.random.normal(ks[3], (D, 2 * D), dtype=jnp.float32) * 0.05
    b1 = jnp.zeros((2 * D,), dtype=jnp.float32)
    W2 = jax.random.normal(ks[4], (2 * D, D), dtype=jnp.float32) * 0.05
    b2 = jnp.zeros((D,), dtype=jnp.float32)
    return {"prem_ids": prem_ids, "hyp_ids": hyp_ids, "table": table,
            "W1": W1, "b1": b1, "W2": W2, "b2": b2, "add_noise": 0}

def reference(prem_ids, hyp_ids, table, W1, b1, W2, b2, add_noise=0):
    # encode_sentence: embedding gather + mean over sequence dim
    v_p = jnp.mean(jnp.take(table, prem_ids, axis=0), axis=1)  # [B, D]
    v_h = jnp.mean(jnp.take(table, hyp_ids, axis=0), axis=1)   # [B, D]
    def mlp(v):
        h = v @ W1 + b1
        h = jax.nn.gelu(h, approximate=False)  # torch nn.GELU default = exact erf
        return h @ W2 + b2
    s_p = mlp(v_p)
    s_h = mlp(v_h)
    h0 = s_p + s_h
    # add_noise disabled (add_noise=0) -> no symmetry-breaking noise term
    return (h0, v_p, v_h)

if __name__ == "__main__":
    import jax
    _d = setup_inputs()
    print(jax.jit(kernel)(*tuple(_d.values())))

</pallas_src>

<mosaic_0001>
#map = affine_map<(d0, d1) -> (0, 0)>
module attributes {stable_mosaic.version = 14 : i64} {
  func.func @_sc_embed_mean(%arg0: i32, %arg1: i32, %arg2: memref<4096x100xi32, #tpu.memory_space<hbm>>, %arg3: memref<100000x128xf32, #tpu.memory_space<hbm>>, %arg4: memref<4096x128xf32, #tpu.memory_space<hbm>>, %arg5: memref<4096x128xf32, #tpu.memory_space<hbm>>, %arg6: memref<128x100xi32, #tpu.memory_space<vmem>>, %arg7: memref<4x100x128xf32, #tpu.memory_space<vmem>>, %arg8: memref<256x128xf32, #tpu.memory_space<vmem>>, %arg9: memref<4x!tpu.dma_semaphore, #tpu.memory_space<semaphore_mem>>, %arg10: memref<!tpu.dma_semaphore, #tpu.memory_space<semaphore_mem>>) attributes {dimension_semantics = [#tpu.dimension_semantics<core_parallel>, #tpu.dimension_semantics<subcore_parallel>], iteration_bounds = array<i64: 2, 16>, scalar_prefetch = 0 : i64, scratch_operands = 5 : i64, tpu.core_type = #tpu.core_type<sc_vector_subcore>, window_params = [{transform_indices = #map}, {transform_indices = #map}, {transform_indices = #map}, {transform_indices = #map}]} {
    %mul3A = arith.constant 2 : i32
    %mul3A_0 = arith.muli %arg1, %mul3A : i32
    %add3A = arith.addi %mul3A_0, %arg0 : i32
    %mul3A_1 = arith.constant 128 : i32
    %mul3A_2 = arith.muli %add3A, %mul3A_1 : i32
    %mul3A_3 = arith.constant 64 : i32
    %mul3A_4 = arith.muli %add3A, %mul3A_3 : i32
    "tpu.region"() ({
      %run_scoped3A = tpu.sem_alloc : memref<!tpu.dma_semaphore, #tpu.memory_space<semaphore_mem>>
      %dma_start3A_80 = arith.constant 0 : i32
      %dma_start3A_81 = arith.constant 0 : i32
      %dma_start3A_82 = tpu.memref_slice %arg6[%dma_start3A_80, %dma_start3A_81] : memref<128x100xi32, #tpu.memory_space<vmem>> -> memref<64x100xi32, #tpu.memory_space<vmem>>
      %dma_start3A_83 = arith.constant 0 : i32
      %dma_start3A_84 = tpu.memref_slice %arg2[%mul3A_4, %dma_start3A_83] : memref<4096x100xi32, #tpu.memory_space<hbm>> -> memref<64x100xi32, #tpu.memory_space<hbm>>
      %dma_start3A_85 = arith.constant 0 : i32
      %dma_start3A_86 = arith.constant 0 : i32
      %dma_start3A_87 = tpu.memref_slice %arg6[%dma_start3A_85, %dma_start3A_86] : memref<128x100xi32, #tpu.memory_space<vmem>> -> memref<64x100xi32, #tpu.memory_space<vmem>>
      %dma_start3A_88 = arith.constant 0 : i32
      %dma_start3A_89 = tpu.memref_slice %arg2[%mul3A_4, %dma_start3A_88] : memref<4096x100xi32, #tpu.memory_space<hbm>> -> memref<64x100xi32, #tpu.memory_space<hbm>>
      tpu.enqueue_dma source(%dma_start3A_89 : memref<64x100xi32, #tpu.memory_space<hbm>>) target(%dma_start3A_87 : memref<64x100xi32, #tpu.memory_space<vmem>>) target_semaphore(%run_scoped3A : memref<!tpu.dma_semaphore, #tpu.memory_space<semaphore_mem>>)
      %dma_wait3A_90 = arith.constant 0 : i32
      %dma_wait3A_91 = arith.constant 0 : i32
      %dma_wait3A_92 = tpu.memref_slice %arg6[%dma_wait3A_90, %dma_wait3A_91] : memref<128x100xi32, #tpu.memory_space<vmem>> -> memref<64x100xi32, #tpu.memory_space<vmem>>
      %dma_wait3A_93 = arith.constant 0 : i32
      %dma_wait3A_94 = tpu.memref_slice %arg2[%mul3A_4, %dma_wait3A_93] : memref<4096x100xi32, #tpu.memory_space<hbm>> -> memref<64x100xi32, #tpu.memory_space<hbm>>
      %dma_wait3A_95 = arith.constant 0 : i32
      %dma_wait3A_96 = arith.constant 0 : i32
      %dma_wait3A_97 = tpu.memref_slice %arg6[%dma_wait3A_95, %dma_wait3A_96] : memref<128x100xi32, #tpu.memory_space<vmem>> -> memref<64x100xi32, #tpu.memory_space<vmem>>
      %dma_wait3A_98 = arith.constant 0 : i32
      %dma_wait3A_99 = tpu.memref_slice %arg2[%mul3A_4, %dma_wait3A_98] : memref<4096x100xi32, #tpu.memory_space<hbm>> -> memref<64x100xi32, #tpu.memory_space<hbm>>
      tpu.wait_dma2 semaphore(%run_scoped3A : memref<!tpu.dma_semaphore, #tpu.memory_space<semaphore_mem>>) src(%dma_wait3A_99 : memref<64x100xi32, #tpu.memory_space<hbm>>) dst(%dma_wait3A_97 : memref<64x100xi32, #tpu.memory_space<vmem>>)
      tpu.yield
    }) : () -> ()
    %add3A_5 = arith.constant 2048 : i32
    %add3A_6 = arith.addi %add3A_5, %mul3A_4 : i32
    "tpu.region"() ({
      %run_scoped3A = tpu.sem_alloc : memref<!tpu.dma_semaphore, #tpu.memory_space<semaphore_mem>>
      %dma_start3A_80 = arith.constant 64 : i32
      %dma_start3A_81 = arith.constant 0 : i32
      %dma_start3A_82 = tpu.memref_slice %arg6[%dma_start3A_80, %dma_start3A_81] : memref<128x100xi32, #tpu.memory_space<vmem>> -> memref<64x100xi32, #tpu.memory_space<vmem>>
      %dma_start3A_83 = arith.constant 0 : i32
      %dma_start3A_84 = tpu.memref_slice %arg2[%add3A_6, %dma_start3A_83] : memref<4096x100xi32, #tpu.memory_space<hbm>> -> memref<64x100xi32, #tpu.memory_space<hbm>>
      %dma_start3A_85 = arith.constant 64 : i32
      %dma_start3A_86 = arith.constant 0 : i32
      %dma_start3A_87 = tpu.memref_slice %arg6[%dma_start3A_85, %dma_start3A_86] : memref<128x100xi32, #tpu.memory_space<vmem>> -> memref<64x100xi32, #tpu.memory_space<vmem>>
      %dma_start3A_88 = arith.constant 0 : i32
      %dma_start3A_89 = tpu.memref_slice %arg2[%add3A_6, %dma_start3A_88] : memref<4096x100xi32, #tpu.memory_space<hbm>> -> memref<64x100xi32, #tpu.memory_space<hbm>>
      tpu.enqueue_dma source(%dma_start3A_89 : memref<64x100xi32, #tpu.memory_space<hbm>>) target(%dma_start3A_87 : memref<64x100xi32, #tpu.memory_space<vmem>>) target_semaphore(%run_scoped3A : memref<!tpu.dma_semaphore, #tpu.memory_space<semaphore_mem>>)
      %dma_wait3A_90 = arith.constant 64 : i32
      %dma_wait3A_91 = arith.constant 0 : i32
      %dma_wait3A_92 = tpu.memref_slice %arg6[%dma_wait3A_90, %dma_wait3A_91] : memref<128x100xi32, #tpu.memory_space<vmem>> -> memref<64x100xi32, #tpu.memory_space<vmem>>
      %dma_wait3A_93 = arith.constant 0 : i32
      %dma_wait3A_94 = tpu.memref_slice %arg2[%add3A_6, %dma_wait3A_93] : memref<4096x100xi32, #tpu.memory_space<hbm>> -> memref<64x100xi32, #tpu.memory_space<hbm>>
      %dma_wait3A_95 = arith.constant 64 : i32
      %dma_wait3A_96 = arith.constant 0 : i32
      %dma_wait3A_97 = tpu.memref_slice %arg6[%dma_wait3A_95, %dma_wait3A_96] : memref<128x100xi32, #tpu.memory_space<vmem>> -> memref<64x100xi32, #tpu.memory_space<vmem>>
      %dma_wait3A_98 = arith.constant 0 : i32
      %dma_wait3A_99 = tpu.memref_slice %arg2[%add3A_6, %dma_wait3A_98] : memref<4096x100xi32, #tpu.memory_space<hbm>> -> memref<64x100xi32, #tpu.memory_space<hbm>>
      tpu.wait_dma2 semaphore(%run_scoped3A : memref<!tpu.dma_semaphore, #tpu.memory_space<semaphore_mem>>) src(%dma_wait3A_99 : memref<64x100xi32, #tpu.memory_space<hbm>>) dst(%dma_wait3A_97 : memref<64x100xi32, #tpu.memory_space<vmem>>)
      tpu.yield
    }) : () -> ()
    %dma_start3A = arith.constant 0 : i32
    %dma_start3A_7 = arith.constant 0 : i32
    %dma_start3A_8 = arith.constant 0 : i32
    %dma_start3A_9 = arith.constant 0 : i32
    %dma_start3A_10 = arith.constant 0 : i32
    %dma_start3A_11 = tpu.memref_slice %arg7[%dma_start3A_7, %dma_start3A_9, %dma_start3A_10] : memref<4x100x128xf32, #tpu.memory_space<vmem>> -> memref<1x100x128xf32, #tpu.memory_space<vmem>>
    %dma_start3A_12 = tpu.memref_squeeze %dma_start3A_11 : memref<1x100x128xf32, #tpu.memory_space<vmem>> -> memref<100x128xf32, #tpu.memory_space<vmem>>
    %dma_start3A_13 = arith.constant 0 : i32
    %dma_start3A_14 = tpu.memref_slice %arg6[%dma_start3A, %dma_start3A_13] : memref<128x100xi32, #tpu.memory_space<vmem>> -> memref<1x100xi32, #tpu.memory_space<vmem>>
    %dma_start3A_15 = tpu.memref_squeeze %dma_start3A_14 : memref<1x100xi32, #tpu.memory_space<vmem>> -> memref<100xi32, #tpu.memory_space<vmem>>
    %dma_start3A_16 = arith.constant 0 : i32
    %dma_start3A_17 = arith.constant 0 : i32
    %dma_start3A_18 = tpu.memref_slice %arg3[%dma_start3A_16, %dma_start3A_17] : memref<100000x128xf32, #tpu.memory_space<hbm>> -> memref<100000x128xf32, #tpu.memory_space<hbm>>
    %dma_start3A_19 = tpu.memref_slice %arg9[%dma_start3A_8] : memref<4x!tpu.dma_semaphore, #tpu.memory_space<semaphore_mem>> -> memref<1x!tpu.dma_semaphore, #tpu.memory_space<semaphore_mem>>
    %dma_start3A_20 = tpu.memref_squeeze %dma_start3A_19 : memref<1x!tpu.dma_semaphore, #tpu.memory_space<semaphore_mem>> -> memref<!tpu.dma_semaphore, #tpu.memory_space<semaphore_mem>>
    tpu.enqueue_indirect_dma source(%dma_start3A_18 : memref<100000x128xf32, #tpu.memory_space<hbm>>) target(%dma_start3A_12 : memref<100x128xf32, #tpu.memory_space<vmem>>) offsets(%dma_start3A_15 : memref<100xi32, #tpu.memory_space<vmem>>) semaphore(%dma_start3A_20 : memref<!tpu.dma_semaphore, #tpu.memory_space<semaphore_mem>>)
    %dma_start3A_21 = arith.constant 1 : i32
    %dma_start3A_22 = arith.constant 1 : i32
    %dma_start3A_23 = arith.constant 1 : i32
    %dma_start3A_24 = arith.constant 0 : i32
    %dma_start3A_25 = arith.constant 0 : i32
    %dma_start3A_26 = tpu.memref_slice %arg7[%dma_start3A_22, %dma_start3A_24, %dma_start3A_25] : memref<4x100x128xf32, #tpu.memory_space<vmem>> -> memref<1x100x128xf32, #tpu.memory_space<vmem>>
    %dma_start3A_27 = tpu.memref_squeeze %dma_start3A_26 : memref<1x100x128xf32, #tpu.memory_space<vmem>> -> memref<100x128xf32, #tpu.memory_space<vmem>>
    %dma_start3A_28 = arith.constant 0 : i32
    %dma_start3A_29 = tpu.memref_slice %arg6[%dma_start3A_21, %dma_start3A_28] : memref<128x100xi32, #tpu.memory_space<vmem>> -> memref<1x100xi32, #tpu.memory_space<vmem>>
    %dma_start3A_30 = tpu.memref_squeeze %dma_start3A_29 : memref<1x100xi32, #tpu.memory_space<vmem>> -> memref<100xi32, #tpu.memory_space<vmem>>
    %dma_start3A_31 = arith.constant 0 : i32
    %dma_start3A_32 = arith.constant 0 : i32
    %dma_start3A_33 = tpu.memref_slice %arg3[%dma_start3A_31, %dma_start3A_32] : memref<100000x128xf32, #tpu.memory_space<hbm>> -> memref<100000x128xf32, #tpu.memory_space<hbm>>
    %dma_start3A_34 = tpu.memref_slice %arg9[%dma_start3A_23] : memref<4x!tpu.dma_semaphore, #tpu.memory_space<semaphore_mem>> -> memref<1x!tpu.dma_semaphore, #tpu.memory_space<semaphore_mem>>
    %dma_start3A_35 = tpu.memref_squeeze %dma_start3A_34 : memref<1x!tpu.dma_semaphore, #tpu.memory_space<semaphore_mem>> -> memref<!tpu.dma_semaphore, #tpu.memory_space<semaphore_mem>>
    tpu.enqueue_indirect_dma source(%dma_start3A_33 : memref<100000x128xf32, #tpu.memory_space<hbm>>) target(%dma_start3A_27 : memref<100x128xf32, #tpu.memory_space<vmem>>) offsets(%dma_start3A_30 : memref<100xi32, #tpu.memory_space<vmem>>) semaphore(%dma_start3A_35 : memref<!tpu.dma_semaphore, #tpu.memory_space<semaphore_mem>>)
    %dma_start3A_36 = arith.constant 2 : i32
    %dma_start3A_37 = arith.constant 2 : i32
    %dma_start3A_38 = arith.constant 2 : i32
    %dma_start3A_39 = arith.constant 0 : i32
    %dma_start3A_40 = arith.constant 0 : i32
    %dma_start3A_41 = tpu.memref_slice %arg7[%dma_start3A_37, %dma_start3A_39, %dma_start3A_40] : memref<4x100x128xf32, #tpu.memory_space<vmem>> -> memref<1x100x128xf32, #tpu.memory_space<vmem>>
    %dma_start3A_42 = tpu.memref_squeeze %dma_start3A_41 : memref<1x100x128xf32, #tpu.memory_space<vmem>> -> memref<100x128xf32, #tpu.memory_space<vmem>>
    %dma_start3A_43 = arith.constant 0 : i32
    %dma_start3A_44 = tpu.memref_slice %arg6[%dma_start3A_36, %dma_start3A_43] : memref<128x100xi32, #tpu.memory_space<vmem>> -> memref<1x100xi32, #tpu.memory_space<vmem>>
    %dma_start3A_45 = tpu.memref_squeeze %dma_start3A_44 : memref<1x100xi32, #tpu.memory_space<vmem>> -> memref<100xi32, #tpu.memory_space<vmem>>
    %dma_start3A_46 = arith.constant 0 : i32
    %dma_start3A_47 = arith.constant 0 : i32
    %dma_start3A_48 = tpu.memref_slice %arg3[%dma_start3A_46, %dma_start3A_47] : memref<100000x128xf32, #tpu.memory_space<hbm>> -> memref<100000x128xf32, #tpu.memory_space<hbm>>
    %dma_start3A_49 = tpu.memref_slice %arg9[%dma_start3A_38] : memref<4x!tpu.dma_semaphore, #tpu.memory_space<semaphore_mem>> -> memref<1x!tpu.dma_semaphore, #tpu.memory_space<semaphore_mem>>
    %dma_start3A_50 = tpu.memref_squeeze %dma_start3A_49 : memref<1x!tpu.dma_semaphore, #tpu.memory_space<semaphore_mem>> -> memref<!tpu.dma_semaphore, #tpu.memory_space<semaphore_mem>>
    tpu.enqueue_indirect_dma source(%dma_start3A_48 : memref<100000x128xf32, #tpu.memory_space<hbm>>) target(%dma_start3A_42 : memref<100x128xf32, #tpu.memory_space<vmem>>) offsets(%dma_start3A_45 : memref<100xi32, #tpu.memory_space<vmem>>) semaphore(%dma_start3A_50 : memref<!tpu.dma_semaphore, #tpu.memory_space<semaphore_mem>>)
    %dma_start3A_51 = arith.constant 3 : i32
    %dma_start3A_52 = arith.constant 3 : i32
    %dma_start3A_53 = arith.constant 3 : i32
    %dma_start3A_54 = arith.constant 0 : i32
    %dma_start3A_55 = arith.constant 0 : i32
    %dma_start3A_56 = tpu.memref_slice %arg7[%dma_start3A_52, %dma_start3A_54, %dma_start3A_55] : memref<4x100x128xf32, #tpu.memory_space<vmem>> -> memref<1x100x128xf32, #tpu.memory_space<vmem>>
    %dma_start3A_57 = tpu.memref_squeeze %dma_start3A_56 : memref<1x100x128xf32, #tpu.memory_space<vmem>> -> memref<100x128xf32, #tpu.memory_space<vmem>>
    %dma_start3A_58 = arith.constant 0 : i32
    %dma_start3A_59 = tpu.memref_slice %arg6[%dma_start3A_51, %dma_start3A_58] : memref<128x100xi32, #tpu.memory_space<vmem>> -> memref<1x100xi32, #tpu.memory_space<vmem>>
    %dma_start3A_60 = tpu.memref_squeeze %dma_start3A_59 : memref<1x100xi32, #tpu.memory_space<vmem>> -> memref<100xi32, #tpu.memory_space<vmem>>
    %dma_start3A_61 = arith.constant 0 : i32
    %dma_start3A_62 = arith.constant 0 : i32
    %dma_start3A_63 = tpu.memref_slice %arg3[%dma_start3A_61, %dma_start3A_62] : memref<100000x128xf32, #tpu.memory_space<hbm>> -> memref<100000x128xf32, #tpu.memory_space<hbm>>
    %dma_start3A_64 = tpu.memref_slice %arg9[%dma_start3A_53] : memref<4x!tpu.dma_semaphore, #tpu.memory_space<semaphore_mem>> -> memref<1x!tpu.dma_semaphore, #tpu.memory_space<semaphore_mem>>
    %dma_start3A_65 = tpu.memref_squeeze %dma_start3A_64 : memref<1x!tpu.dma_semaphore, #tpu.memory_space<semaphore_mem>> -> memref<!tpu.dma_semaphore, #tpu.memory_space<semaphore_mem>>
    tpu.enqueue_indirect_dma source(%dma_start3A_63 : memref<100000x128xf32, #tpu.memory_space<hbm>>) target(%dma_start3A_57 : memref<100x128xf32, #tpu.memory_space<vmem>>) offsets(%dma_start3A_60 : memref<100xi32, #tpu.memory_space<vmem>>) semaphore(%dma_start3A_65 : memref<!tpu.dma_semaphore, #tpu.memory_space<semaphore_mem>>)
    %scan3A = arith.constant 0 : i32
    %scan3A_66 = arith.constant 0 : i32
    %scan3A_67 = arith.constant 32 : i32
    %scan3A_68 = arith.addi %scan3A_66, %scan3A_67 : i32
    %scan3A_69 = arith.constant 1 : i32
    scf.for %scan3A_80 = %scan3A_66 to %scan3A_68 step %scan3A_69  : i32 {
      %mul3A_81 = arith.constant 4 : i32
      %mul3A_82 = arith.muli %scan3A_80, %mul3A_81 : i32
      %add3A_83 = arith.constant 0 : i32
      %add3A_84 = arith.addi %mul3A_82, %add3A_83 : i32
      %dma_wait3A_85 = arith.constant 0 : i32
      %dma_wait3A_86 = arith.constant 0 : i32
      %dma_wait3A_87 = arith.constant 0 : i32
      %dma_wait3A_88 = arith.constant 0 : i32
      %dma_wait3A_89 = arith.constant 0 : i32
      %dma_wait3A_90 = tpu.memref_slice %arg7[%dma_wait3A_86, %dma_wait3A_88, %dma_wait3A_89] : memref<4x100x128xf32, #tpu.memory_space<vmem>> -> memref<1x100x128xf32, #tpu.memory_space<vmem>>
      %dma_wait3A_91 = tpu.memref_squeeze %dma_wait3A_90 : memref<1x100x128xf32, #tpu.memory_space<vmem>> -> memref<100x128xf32, #tpu.memory_space<vmem>>
      %dma_wait3A_92 = arith.constant 0 : i32
      %dma_wait3A_93 = tpu.memref_slice %arg6[%dma_wait3A_85, %dma_wait3A_92] : memref<128x100xi32, #tpu.memory_space<vmem>> -> memref<1x100xi32, #tpu.memory_space<vmem>>
      %dma_wait3A_94 = tpu.memref_squeeze %dma_wait3A_93 : memref<1x100xi32, #tpu.memory_space<vmem>> -> memref<100xi32, #tpu.memory_space<vmem>>
      %dma_wait3A_95 = arith.constant 0 : i32
      %dma_wait3A_96 = arith.constant 0 : i32
      %dma_wait3A_97 = tpu.memref_slice %arg3[%dma_wait3A_95, %dma_wait3A_96] : memref<100000x128xf32, #tpu.memory_space<hbm>> -> memref<100000x128xf32, #tpu.memory_space<hbm>>
      %dma_wait3A_98 = tpu.memref_slice %arg9[%dma_wait3A_87] : memref<4x!tpu.dma_semaphore, #tpu.memory_space<semaphore_mem>> -> memref<1x!tpu.dma_semaphore, #tpu.memory_space<semaphore_mem>>
      %dma_wait3A_99 = tpu.memref_squeeze %dma_wait3A_98 : memref<1x!tpu.dma_semaphore, #tpu.memory_space<semaphore_mem>> -> memref<!tpu.dma_semaphore, #tpu.memory_space<semaphore_mem>>
      tpu.wait_indirect_dma semaphore(%dma_wait3A_99 : memref<!tpu.dma_semaphore, #tpu.memory_space<semaphore_mem>>) src(%dma_wait3A_97 : memref<100000x128xf32, #tpu.memory_space<hbm>>) dst(%dma_wait3A_91 : memref<100x128xf32, #tpu.memory_space<vmem>>)
      %broadcast_in_dim3A = arith.constant 0.000000e+00 : f32
      %broadcast_in_dim3A_100 = vector.broadcast %broadcast_in_dim3A : f32 to vector<16xf32>
      %broadcast_in_dim3A_101 = arith.constant 0.000000e+00 : f32
      %broadcast_in_dim3A_102 = vector.broadcast %broadcast_in_dim3A_101 : f32 to vector<16xf32>
      %broadcast_in_dim3A_103 = arith.constant 0.000000e+00 : f32
      %broadcast_in_dim3A_104 = vector.broadcast %broadcast_in_dim3A_103 : f32 to vector<16xf32>
      %broadcast_in_dim3A_105 = arith.constant 0.000000e+00 : f32
      %broadcast_in_dim3A_106 = vector.broadcast %broadcast_in_dim3A_105 : f32 to vector<16xf32>
      %broadcast_in_dim3A_107 = arith.constant 0.000000e+00 : f32
      %broadcast_in_dim3A_108 = vector.broadcast %broadcast_in_dim3A_107 : f32 to vector<16xf32>
      %broadcast_in_dim3A_109 = arith.constant 0.000000e+00 : f32
      %broadcast_in_dim3A_110 = vector.broadcast %broadcast_in_dim3A_109 : f32 to vector<16xf32>
      %broadcast_in_dim3A_111 = arith.constant 0.000000e+00 : f32
      %broadcast_in_dim3A_112 = vector.broadcast %broadcast_in_dim3A_111 : f32 to vector<16xf32>
      %broadcast_in_dim3A_113 = arith.constant 0.000000e+00 : f32
      %broadcast_in_dim3A_114 = vector.broadcast %broadcast_in_dim3A_113 : f32 to vector<16xf32>
      %parallel_loop3A = arith.constant 0 : i32
      %parallel_loop3A_115 = arith.constant 50 : i32
      %parallel_loop3A_116 = arith.constant 1 : i32
      %parallel_loop3A_117:16 = scf.for %parallel_loop3A_967 = %parallel_loop3A to %parallel_loop3A_115 step %parallel_loop3A_116 iter_args(%parallel_loop3A_968 = %broadcast_in_dim3A_100, %parallel_loop3A_969 = %broadcast_in_dim3A_102, %parallel_loop3A_970 = %broadcast_in_dim3A_104, %parallel_loop3A_971 = %broadcast_in_dim3A_106, %parallel_loop3A_972 = %broadcast_in_dim3A_108, %parallel_loop3A_973 = %broadcast_in_dim3A_110, %parallel_loop3A_974 = %broadcast_in_dim3A_112, %parallel_loop3A_975 = %broadcast_in_dim3A_114, %parallel_loop3A_976 = %broadcast_in_dim3A_100, %parallel_loop3A_977 = %broadcast_in_dim3A_102, %parallel_loop3A_978 = %broadcast_in_dim3A_104, %parallel_loop3A_979 = %broadcast_in_dim3A_106, %parallel_loop3A_980 = %broadcast_in_dim3A_108, %parallel_loop3A_981 = %broadcast_in_dim3A_110, %parallel_loop3A_982 = %broadcast_in_dim3A_112, %parallel_loop3A_983 = %broadcast_in_dim3A_114) -> (vector<16xf32>, vector<16xf32>, vector<16xf32>, vector<16xf32>, vector<16xf32>, vector<16xf32>, vector<16xf32>, vector<16xf32>, vector<16xf32>, vector<16xf32>, vector<16xf32>, vector<16xf32>, vector<16xf32>, vector<16xf32>, vector<16xf32>, vector<16xf32>)  : i32 {
        %parallel_loop3A_984 = arith.constant 0 : i32
        %parallel_loop3A_985 = arith.index_cast %parallel_loop3A_984 : i32 to index
        %parallel_loop3A_986 = arith.index_cast %parallel_loop3A_967 : i32 to index
        %parallel_loop3A_987 = arith.constant 0 : index
        %parallel_loop3A_988 = tpu.vector_load %arg7[%parallel_loop3A_985, %parallel_loop3A_986, %parallel_loop3A_987] {strides = array<i32>} : memref<4x100x128xf32, #tpu.memory_space<vmem>>, vector<1x1x16xf32>,
        %parallel_loop3A_989 = vector.shape_cast %parallel_loop3A_988 : vector<1x1x16xf32> to vector<16xf32>
        %parallel_loop3A_990 = arith.addf %parallel_loop3A_968, %parallel_loop3A_989 : vector<16xf32>
        %parallel_loop3A_991 = arith.constant 0 : i32
        %parallel_loop3A_992 = arith.index_cast %parallel_loop3A_991 : i32 to index
        %parallel_loop3A_993 = arith.index_cast %parallel_loop3A_967 : i32 to index
        %parallel_loop3A_994 = arith.constant 16 : index
        %parallel_loop3A_995 = tpu.vector_load %arg7[%parallel_loop3A_992, %parallel_loop3A_993, %parallel_loop3A_994] {strides = array<i32>} : memref<4x100x128xf32, #tpu.memory_space<vmem>>, vector<1x1x16xf32>,
        %parallel_loop3A_996 = vector.shape_cast %parallel_loop3A_995 : vector<1x1x16xf32> to vector<16xf32>
        %parallel_loop3A_997 = arith.addf %parallel_loop3A_969, %parallel_loop3A_996 : vector<16xf32>
        %parallel_loop3A_998 = arith.constant 0 : i32
        %parallel_loop3A_999 = arith.index_cast %parallel_loop3A_998 : i32 to index
        %parallel_loop3A_1000 = arith.index_cast %parallel_loop3A_967 : i32 to index
        %parallel_loop3A_1001 = arith.constant 32 : index
        %parallel_loop3A_1002 = tpu.vector_load %arg7[%parallel_loop3A_999, %parallel_loop3A_1000, %parallel_loop3A_1001] {strides = array<i32>} : memref<4x100x128xf32, #tpu.memory_space<vmem>>, vector<1x1x16xf32>,
        %parallel_loop3A_1003 = vector.shape_cast %parallel_loop3A_1002 : vector<1x1x16xf32> to vector<16xf32>
        %parallel_loop3A_1004 = arith.addf %parallel_loop3A_970, %parallel_loop3A_1003 : vector<16xf32>
        %parallel_loop3A_1005 = arith.constant 0 : i32
        %parallel_loop3A_1006 = arith.index_cast %parallel_loop3A_1005 : i32 to index
        %parallel_loop3A_1007 = arith.index_cast %parallel_loop3A_967 : i32 to index
        %parallel_loop3A_1008 = arith.constant 48 : index
        %parallel_loop3A_1009 = tpu.vector_load %arg7[%parallel_loop3A_1006, %parallel_loop3A_1007, %parallel_loop3A_1008] {strides = array<i32>} : memref<4x100x128xf32, #tpu.memory_space<vmem>>, vector<1x1x16xf32>,
        %parallel_loop3A_1010 = vector.shape_cast %parallel_loop3A_1009 : vector<1x1x16xf32> to vector<16xf32>
        %parallel_loop3A_1011 = arith.addf %parallel_loop3A_971, %parallel_loop3A_1010 : vector<16xf32>
        %parallel_loop3A_1012 = arith.constant 0 : i32
        %parallel_loop3A_1013 = arith.index_cast %parallel_loop3A_1012 : i32 to index
        %parallel_loop3A_1014 = arith.index_cast %parallel_loop3A_967 : i32 to index
        %parallel_loop3A_1015 = arith.constant 64 : index
        %parallel_loop3A_1016 = tpu.vector_load %arg7[%parallel_loop3A_1013, %parallel_loop3A_1014, %parallel_loop3A_1015] {strides = array<i32>} : memref<4x100x128xf32, #tpu.memory_space<vmem>>, vector<1x1x16xf32>,
        %parallel_loop3A_1017 = vector.shape_cast %parallel_loop3A_1016 : vector<1x1x16xf32> to vector<16xf32>
        %parallel_loop3A_1018 = arith.addf %parallel_loop3A_972, %parallel_loop3A_1017 : vector<16xf32>
        %parallel_loop3A_1019 = arith.constant 0 : i32
        %parallel_loop3A_1020 = arith.index_cast %parallel_loop3A_1019 : i32 to index
        %parallel_loop3A_1021 = arith.index_cast %parallel_loop3A_967 : i32 to index
        %parallel_loop3A_1022 = arith.constant 80 : index
        %parallel_loop3A_1023 = tpu.vector_load %arg7[%parallel_loop3A_1020, %parallel_loop3A_1021, %parallel_loop3A_1022] {strides = array<i32>} : memref<4x100x128xf32, #tpu.memory_space<vmem>>, vector<1x1x16xf32>,
        %parallel_loop3A_1024 = vector.shape_cast %parallel_loop3A_1023 : vector<1x1x16xf32> to vector<16xf32>
        %parallel_loop3A_1025 = arith.addf %parallel_loop3A_973, %parallel_loop3A_1024 : vector<16xf32>
        %parallel_loop3A_1026 = arith.constant 0 : i32
        %parallel_loop3A_1027 = arith.index_cast %parallel_loop3A_1026 : i32 to index
        %parallel_loop3A_1028 = arith.index_cast %parallel_loop3A_967 : i32 to index
        %parallel_loop3A_1029 = arith.constant 96 : index
        %parallel_loop3A_1030 = tpu.vector_load %arg7[%parallel_loop3A_1027, %parallel_loop3A_1028, %parallel_loop3A_1029] {strides = array<i32>} : memref<4x100x128xf32, #tpu.memory_space<vmem>>, vector<1x1x16xf32>,
        %parallel_loop3A_1031 = vector.shape_cast %parallel_loop3A_1030 : vector<1x1x16xf32> to vector<16xf32>
        %parallel_loop3A_1032 = arith.addf %parallel_loop3A_974, %parallel_loop3A_1031 : vector<16xf32>
        %parallel_loop3A_1033 = arith.constant 0 : i32
        %parallel_loop3A_1034 = arith.index_cast %parallel_loop3A_1033 : i32 to index
        %parallel_loop3A_1035 = arith.index_cast %parallel_loop3A_967 : i32 to index
        %parallel_loop3A_1036 = arith.constant 112 : index
        %parallel_loop3A_1037 = tpu.vector_load %arg7[%parallel_loop3A_1034, %parallel_loop3A_1035, %parallel_loop3A_1036] {strides = array<i32>} : memref<4x100x128xf32, #tpu.memory_space<vmem>>, vector<1x1x16xf32>,
        %parallel_loop3A_1038 = vector.shape_cast %parallel_loop3A_1037 : vector<1x1x16xf32> to vector<16xf32>
        %parallel_loop3A_1039 = arith.addf %parallel_loop3A_975, %parallel_loop3A_1038 : vector<16xf32>
        %parallel_loop3A_1040 = arith.constant 50 : i32
        %parallel_loop3A_1041 = arith.addi %parallel_loop3A_967, %parallel_loop3A_1040 : i32
        %parallel_loop3A_1042 = arith.constant 0 : i32
        %parallel_loop3A_1043 = arith.index_cast %parallel_loop3A_1042 : i32 to index
        %parallel_loop3A_1044 = arith.index_cast %parallel_loop3A_1041 : i32 to index
        %parallel_loop3A_1045 = arith.constant 0 : index
        %parallel_loop3A_1046 = tpu.vector_load %arg7[%parallel_loop3A_1043, %parallel_loop3A_1044, %parallel_loop3A_1045] {strides = array<i32>} : memref<4x100x128xf32, #tpu.memory_space<vmem>>, vector<1x1x16xf32>,
        %parallel_loop3A_1047 = vector.shape_cast %parallel_loop3A_1046 : vector<1x1x16xf32> to vector<16xf32>
        %parallel_loop3A_1048 = arith.addf %parallel_loop3A_976, %parallel_loop3A_1047 : vector<16xf32>
        %parallel_loop3A_1049 = arith.constant 50 : i32
        %parallel_loop3A_1050 = arith.addi %parallel_loop3A_967, %parallel_loop3A_1049 : i32
        %parallel_loop3A_1051 = arith.constant 0 : i32
        %parallel_loop3A_1052 = arith.index_cast %parallel_loop3A_1051 : i32 to index
        %parallel_loop3A_1053 = arith.index_cast %parallel_loop3A_1050 : i32 to index
        %parallel_loop3A_1054 = arith.constant 16 : index
        %parallel_loop3A_1055 = tpu.vector_load %arg7[%parallel_loop3A_1052, %parallel_loop3A_1053, %parallel_loop3A_1054] {strides = array<i32>} : memref<4x100x128xf32, #tpu.memory_space<vmem>>, vector<1x1x16xf32>,
        %parallel_loop3A_1056 = vector.shape_cast %parallel_loop3A_1055 : vector<1x1x16xf32> to vector<16xf32>
        %parallel_loop3A_1057 = arith.addf %parallel_loop3A_977, %parallel_loop3A_1056 : vector<16xf32>
        %parallel_loop3A_1058 = arith.constant 50 : i32
        %parallel_loop3A_1059 = arith.addi %parallel_loop3A_967, %parallel_loop3A_1058 : i32
        %parallel_loop3A_1060 = arith.constant 0 : i32
        %parallel_loop3A_1061 = arith.index_cast %parallel_loop3A_1060 : i32 to index
        %parallel_loop3A_1062 = arith.index_cast %parallel_loop3A_1059 : i32 to index
        %parallel_loop3A_1063 = arith.constant 32 : index
        %parallel_loop3A_1064 = tpu.vector_load %arg7[%parallel_loop3A_1061, %parallel_loop3A_1062, %parallel_loop3A_1063] {strides = array<i32>} : memref<4x100x128xf32, #tpu.memory_space<vmem>>, vector<1x1x16xf32>,
        %parallel_loop3A_1065 = vector.shape_cast %parallel_loop3A_1064 : vector<1x1x16xf32> to vector<16xf32>
        %parallel_loop3A_1066 = arith.addf %parallel_loop3A_978, %parallel_loop3A_1065 : vector<16xf32>
        %parallel_loop3A_1067 = arith.constant 50 : i32
        %parallel_loop3A_1068 = arith.addi %parallel_loop3A_967, %parallel_loop3A_1067 : i32
        %parallel_loop3A_1069 = arith.constant 0 : i32
        %parallel_loop3A_1070 = arith.index_cast %parallel_loop3A_1069 : i32 to index
        %parallel_loop3A_1071 = arith.index_cast %parallel_loop3A_1068 : i32 to index
        %parallel_loop3A_1072 = arith.constant 48 : index
        %parallel_loop3A_1073 = tpu.vector_load %arg7[%parallel_loop3A_1070, %parallel_loop3A_1071, %parallel_loop3A_1072] {strides = array<i32>} : memref<4x100x128xf32, #tpu.memory_space<vmem>>, vector<1x1x16xf32>,
        %parallel_loop3A_1074 = vector.shape_cast %parallel_loop3A_1073 : vector<1x1x16xf32> to vector<16xf32>
        %parallel_loop3A_1075 = arith.addf %parallel_loop3A_979, %parallel_loop3A_1074 : vector<16xf32>
        %parallel_loop3A_1076 = arith.constant 50 : i32
        %parallel_loop3A_1077 = arith.addi %parallel_loop3A_967, %parallel_loop3A_1076 : i32
        %parallel_loop3A_1078 = arith.constant 0 : i32
        %parallel_loop3A_1079 = arith.index_cast %parallel_loop3A_1078 : i32 to index
        %parallel_loop3A_1080 = arith.index_cast %parallel_loop3A_1077 : i32 to index
        %parallel_loop3A_1081 = arith.constant 64 : index
        %parallel_loop3A_1082 = tpu.vector_load %arg7[%parallel_loop3A_1079, %parallel_loop3A_1080, %parallel_loop3A_1081] {strides = array<i32>} : memref<4x100x128xf32, #tpu.memory_space<vmem>>, vector<1x1x16xf32>,
        %parallel_loop3A_1083 = vector.shape_cast %parallel_loop3A_1082 : vector<1x1x16xf32> to vector<16xf32>
        %parallel_loop3A_1084 = arith.addf %parallel_loop3A_980, %parallel_loop3A_1083 : vector<16xf32>
        %parallel_loop3A_1085 = arith.constant 50 : i32
        %parallel_loop3A_1086 = arith.addi %parallel_loop3A_967, %parallel_loop3A_1085 : i32
        %parallel_loop3A_1087 = arith.constant 0 : i32
        %parallel_loop3A_1088 = arith.index_cast %parallel_loop3A_1087 : i32 to index
        %parallel_loop3A_1089 = arith.index_cast %parallel_loop3A_1086 : i32 to index
        %parallel_loop3A_1090 = arith.constant 80 : index
        %parallel_loop3A_1091 = tpu.vector_load %arg7[%parallel_loop3A_1088, %parallel_loop3A_1089, %parallel_loop3A_1090] {strides = array<i32>} : memref<4x100x128xf32, #tpu.memory_space<vmem>>, vector<1x1x16xf32>,
        %parallel_loop3A_1092 = vector.shape_cast %parallel_loop3A_1091 : vector<1x1x16xf32> to vector<16xf32>
        %parallel_loop3A_1093 = arith.addf %parallel_loop3A_981, %parallel_loop3A_1092 : vector<16xf32>
        %parallel_loop3A_1094 = arith.constant 50 : i32
        %parallel_loop3A_1095 = arith.addi %parallel_loop3A_967, %parallel_loop3A_1094 : i32
        %parallel_loop3A_1096 = arith.constant 0 : i32
        %parallel_loop3A_1097 = arith.index_cast %parallel_loop3A_1096 : i32 to index
        %parallel_loop3A_1098 = arith.index_cast %parallel_loop3A_1095 : i32 to index
        %parallel_loop3A_1099 = arith.constant 96 : index
        %parallel_loop3A_1100 = tpu.vector_load %arg7[%parallel_loop3A_1097, %parallel_loop3A_1098, %parallel_loop3A_1099] {strides = array<i32>} : memref<4x100x128xf32, #tpu.memory_space<vmem>>, vector<1x1x16xf32>,
        %parallel_loop3A_1101 = vector.shape_cast %parallel_loop3A_1100 : vector<1x1x16xf32> to vector<16xf32>
        %parallel_loop3A_1102 = arith.addf %parallel_loop3A_982, %parallel_loop3A_1101 : vector<16xf32>
        %parallel_loop3A_1103 = arith.constant 50 : i32
        %parallel_loop3A_1104 = arith.addi %parallel_loop3A_967, %parallel_loop3A_1103 : i32
        %parallel_loop3A_1105 = arith.constant 0 : i32
        %parallel_loop3A_1106 = arith.index_cast %parallel_loop3A_1105 : i32 to index
        %parallel_loop3A_1107 = arith.index_cast %parallel_loop3A_1104 : i32 to index
        %parallel_loop3A_1108 = arith.constant 112 : index
        %parallel_loop3A_1109 = tpu.vector_load %arg7[%parallel_loop3A_1106, %parallel_loop3A_1107, %parallel_loop3A_1108] {strides = array<i32>} : memref<4x100x128xf32, #tpu.memory_space<vmem>>, vector<1x1x16xf32>,
        %parallel_loop3A_1110 = vector.shape_cast %parallel_loop3A_1109 : vector<1x1x16xf32> to vector<16xf32>
        %parallel_loop3A_1111 = arith.addf %parallel_loop3A_983, %parallel_loop3A_1110 : vector<16xf32>
        scf.yield %parallel_loop3A_990, %parallel_loop3A_997, %parallel_loop3A_1004, %parallel_loop3A_1011, %parallel_loop3A_1018, %parallel_loop3A_1025, %parallel_loop3A_1032, %parallel_loop3A_1039, %parallel_loop3A_1048, %parallel_loop3A_1057, %parallel_loop3A_1066, %parallel_loop3A_1075, %parallel_loop3A_1084, %parallel_loop3A_1093, %parallel_loop3A_1102, %parallel_loop3A_1111 : vector<16xf32>, vector<16xf32>, vector<16xf32>, vector<16xf32>, vector<16xf32>, vector<16xf32>, vector<16xf32>, vector<16xf32>, vector<16xf32>, vector<16xf32>, vector<16xf32>, vector<16xf32>, vector<16xf32>, vector<16xf32>, vector<16xf32>, vector<16xf32>
      } {sc.loop_unroll_factor = 4 : i64, sc.parallel_access}
      %mul3A_118 = arith.constant 2.000000e-02 : f32
      %mul3A_119 = vector.broadcast %mul3A_118 : f32 to vector<16xf32>
      %mul3A_120 = arith.mulf %parallel_loop3A_117#0, %mul3A_119 : vector<16xf32>
      %mul3A_121 = arith.constant 2 : i32
      %mul3A_122 = arith.muli %mul3A_121, %add3A_84 : i32
      %swap3A = arith.index_cast %mul3A_122 : i32 to index
      %swap3A_123 = arith.constant 0 : index
      %swap3A_124 = tpu.vector_load %arg8[%swap3A, %swap3A_123] {strides = array<i32>} : memref<256x128xf32, #tpu.memory_space<vmem>>, vector<1x16xf32>,
      %swap3A_125 = vector.shape_cast %swap3A_124 : vector<1x16xf32> to vector<16xf32>
      %swap3A_126 = vector.shape_cast %mul3A_120 : vector<16xf32> to vector<1x16xf32>
      tpu.vector_store %arg8[%swap3A, %swap3A_123], %swap3A_126 {strides = array<i32>} : memref<256x128xf32, #tpu.memory_space<vmem>>, vector<1x16xf32>,
      %mul3A_127 = arith.constant 2.000000e-02 : f32
      %mul3A_128 = vector.broadcast %mul3A_127 : f32 to vector<16xf32>
      %mul3A_129 = arith.mulf %parallel_loop3A_117#8, %mul3A_128 : vector<16xf32>
      %mul3A_130 = arith.constant 2 : i32
      %mul3A_131 = arith.muli %mul3A_130, %add3A_84 : i32
      %add3A_132 = arith.constant 1 : i32
      %add3A_133 = arith.addi %mul3A_131, %add3A_132 : i32
      %swap3A_134 = arith.index_cast %add3A_133 : i32 to index
      %swap3A_135 = arith.constant 0 : index
      %swap3A_136 = tpu.vector_load %arg8[%swap3A_134, %swap3A_135] {strides = array<i32>} : memref<256x128xf32, #tpu.memory_space<vmem>>, vector<1x16xf32>,
      %swap3A_137 = vector.shape_cast %swap3A_136 : vector<1x16xf32> to vector<16xf32>
      %swap3A_138 = vector.shape_cast %mul3A_129 : vector<16xf32> to vector<1x16xf32>
      tpu.vector_store %arg8[%swap3A_134, %swap3A_135], %swap3A_138 {strides = array<i32>} : memref<256x128xf32, #tpu.memory_space<vmem>>, vector<1x16xf32>,
      %mul3A_139 = arith.constant 2.000000e-02 : f32
      %mul3A_140 = vector.broadcast %mul3A_139 : f32 to vector<16xf32>
      %mul3A_141 = arith.mulf %parallel_loop3A_117#1, %mul3A_140 : vector<16xf32>
      %mul3A_142 = arith.constant 2 : i32
      %mul3A_143 = arith.muli %mul3A_142, %add3A_84 : i32
      %swap3A_144 = arith.index_cast %mul3A_143 : i32 to index
      %swap3A_145 = arith.constant 16 : index
      %swap3A_146 = tpu.vector_load %arg8[%swap3A_144, %swap3A_145] {strides = array<i32>} : memref<256x128xf32, #tpu.memory_space<vmem>>, vector<1x16xf32>,
      %swap3A_147 = vector.shape_cast %swap3A_146 : vector<1x16xf32> to vector<16xf32>
      %swap3A_148 = vector.shape_cast %mul3A_141 : vector<16xf32> to vector<1x16xf32>
      tpu.vector_store %arg8[%swap3A_144, %swap3A_145], %swap3A_148 {strides = array<i32>} : memref<256x128xf32, #tpu.memory_space<vmem>>, vector<1x16xf32>,
      %mul3A_149 = arith.constant 2.000000e-02 : f32
      %mul3A_150 = vector.broadcast %mul3A_149 : f32 to vector<16xf32>
      %mul3A_151 = arith.mulf %parallel_loop3A_117#9, %mul3A_150 : vector<16xf32>
      %mul3A_152 = arith.constant 2 : i32
      %mul3A_153 = arith.muli %mul3A_152, %add3A_84 : i32
      %add3A_154 = arith.constant 1 : i32
      %add3A_155 = arith.addi %mul3A_153, %add3A_154 : i32
      %swap3A_156 = arith.index_cast %add3A_155 : i32 to index
      %swap3A_157 = arith.constant 16 : index
      %swap3A_158 = tpu.vector_load %arg8[%swap3A_156, %swap3A_157] {strides = array<i32>} : memref<256x128xf32, #tpu.memory_space<vmem>>, vector<1x16xf32>,
      %swap3A_159 = vector.shape_cast %swap3A_158 : vector<1x16xf32> to vector<16xf32>
      %swap3A_160 = vector.shape_cast %mul3A_151 : vector<16xf32> to vector<1x16xf32>
      tpu.vector_store %arg8[%swap3A_156, %swap3A_157], %swap3A_160 {strides = array<i32>} : memref<256x128xf32, #tpu.memory_space<vmem>>, vector<1x16xf32>,
      %mul3A_161 = arith.constant 2.000000e-02 : f32
      %mul3A_162 = vector.broadcast %mul3A_161 : f32 to vector<16xf32>
      %mul3A_163 = arith.mulf %parallel_loop3A_117#2, %mul3A_162 : vector<16xf32>
      %mul3A_164 = arith.constant 2 : i32
      %mul3A_165 = arith.muli %mul3A_164, %add3A_84 : i32
      %swap3A_166 = arith.index_cast %mul3A_165 : i32 to index
      %swap3A_167 = arith.constant 32 : index
      %swap3A_168 = tpu.vector_load %arg8[%swap3A_166, %swap3A_167] {strides = array<i32>} : memref<256x128xf32, #tpu.memory_space<vmem>>, vector<1x16xf32>,
      %swap3A_169 = vector.shape_cast %swap3A_168 : vector<1x16xf32> to vector<16xf32>
      %swap3A_170 = vector.shape_cast %mul3A_163 : vector<16xf32> to vector<1x16xf32>
      tpu.vector_store %arg8[%swap3A_166, %swap3A_167], %swap3A_170 {strides = array<i32>} : memref<256x128xf32, #tpu.memory_space<vmem>>, vector<1x16xf32>,
      %mul3A_171 = arith.constant 2.000000e-02 : f32
      %mul3A_172 = vector.broadcast %mul3A_171 : f32 to vector<16xf32>
      %mul3A_173 = arith.mulf %parallel_loop3A_117#10, %mul3A_172 : vector<16xf32>
      %mul3A_174 = arith.constant 2 : i32
      %mul3A_175 = arith.muli %mul3A_174, %add3A_84 : i32
      %add3A_176 = arith.constant 1 : i32
      %add3A_177 = arith.addi %mul3A_175, %add3A_176 : i32
      %swap3A_178 = arith.index_cast %add3A_177 : i32 to index
      %swap3A_179 = arith.constant 32 : index
      %swap3A_180 = tpu.vector_load %arg8[%swap3A_178, %swap3A_179] {strides = array<i32>} : memref<256x128xf32, #tpu.memory_space<vmem>>, vector<1x16xf32>,
      %swap3A_181 = vector.shape_cast %swap3A_180 : vector<1x16xf32> to vector<16xf32>
      %swap3A_182 = vector.shape_cast %mul3A_173 : vector<16xf32> to vector<1x16xf32>
      tpu.vector_store %arg8[%swap3A_178, %swap3A_179], %swap3A_182 {strides = array<i32>} : memref<256x128xf32, #tpu.memory_space<vmem>>, vector<1x16xf32>,
      %mul3A_183 = arith.constant 2.000000e-02 : f32
      %mul3A_184 = vector.broadcast %mul3A_183 : f32 to vector<16xf32>
      %mul3A_185 = arith.mulf %parallel_loop3A_117#3, %mul3A_184 : vector<16xf32>
      %mul3A_186 = arith.constant 2 : i32
      %mul3A_187 = arith.muli %mul3A_186, %add3A_84 : i32
      %swap3A_188 = arith.index_cast %mul3A_187 : i32 to index
      %swap3A_189 = arith.constant 48 : index
      %swap3A_190 = tpu.vector_load %arg8[%swap3A_188, %swap3A_189] {strides = array<i32>} : memref<256x128xf32, #tpu.memory_space<vmem>>, vector<1x16xf32>,
      %swap3A_191 = vector.shape_cast %swap3A_190 : vector<1x16xf32> to vector<16xf32>
      %swap3A_192 = vector.shape_cast %mul3A_185 : vector<16xf32> to vector<1x16xf32>
      tpu.vector_store %arg8[%swap3A_188, %swap3A_189], %swap3A_192 {strides = array<i32>} : memref<256x128xf32, #tpu.memory_space<vmem>>, vector<1x16xf32>,
      %mul3A_193 = arith.constant 2.000000e-02 : f32
      %mul3A_194 = vector.broadcast %mul3A_193 : f32 to vector<16xf32>
      %mul3A_195 = arith.mulf %parallel_loop3A_117#11, %mul3A_194 : vector<16xf32>
      %mul3A_196 = arith.constant 2 : i32
      %mul3A_197 = arith.muli %mul3A_196, %add3A_84 : i32
      %add3A_198 = arith.constant 1 : i32
      %add3A_199 = arith.addi %mul3A_197, %add3A_198 : i32
      %swap3A_200 = arith.index_cast %add3A_199 : i32 to index
      %swap3A_201 = arith.constant 48 : index
      %swap3A_202 = tpu.vector_load %arg8[%swap3A_200, %swap3A_201] {strides = array<i32>} : memref<256x128xf32, #tpu.memory_space<vmem>>, vector<1x16xf32>,
      %swap3A_203 = vector.shape_cast %swap3A_202 : vector<1x16xf32> to vector<16xf32>
      %swap3A_204 = vector.shape_cast %mul3A_195 : vector<16xf32> to vector<1x16xf32>
      tpu.vector_store %arg8[%swap3A_200, %swap3A_201], %swap3A_204 {strides = array<i32>} : memref<256x128xf32, #tpu.memory_space<vmem>>, vector<1x16xf32>,
      %mul3A_205 = arith.constant 2.000000e-02 : f32
      %mul3A_206 = vector.broadcast %mul3A_205 : f32 to vector<16xf32>
      %mul3A_207 = arith.mulf %parallel_loop3A_117#4, %mul3A_206 : vector<16xf32>
      %mul3A_208 = arith.constant 2 : i32
      %mul3A_209 = arith.muli %mul3A_208, %add3A_84 : i32
      %swap3A_210 = arith.index_cast %mul3A_209 : i32 to index
      %swap3A_211 = arith.constant 64 : index
      %swap3A_212 = tpu.vector_load %arg8[%swap3A_210, %swap3A_211] {strides = array<i32>} : memref<256x128xf32, #tpu.memory_space<vmem>>, vector<1x16xf32>,
      %swap3A_213 = vector.shape_cast %swap3A_212 : vector<1x16xf32> to vector<16xf32>
      %swap3A_214 = vector.shape_cast %mul3A_207 : vector<16xf32> to vector<1x16xf32>
      tpu.vector_store %arg8[%swap3A_210, %swap3A_211], %swap3A_214 {strides = array<i32>} : memref<256x128xf32, #tpu.memory_space<vmem>>, vector<1x16xf32>,
      %mul3A_215 = arith.constant 2.000000e-02 : f32
      %mul3A_216 = vector.broadcast %mul3A_215 : f32 to vector<16xf32>
      %mul3A_217 = arith.mulf %parallel_loop3A_117#12, %mul3A_216 : vector<16xf32>
      %mul3A_218 = arith.constant 2 : i32
      %mul3A_219 = arith.muli %mul3A_218, %add3A_84 : i32
      %add3A_220 = arith.constant 1 : i32
      %add3A_221 = arith.addi %mul3A_219, %add3A_220 : i32
      %swap3A_222 = arith.index_cast %add3A_221 : i32 to index
      %swap3A_223 = arith.constant 64 : index
      %swap3A_224 = tpu.vector_load %arg8[%swap3A_222, %swap3A_223] {strides = array<i32>} : memref<256x128xf32, #tpu.memory_space<vmem>>, vector<1x16xf32>,
      %swap3A_225 = vector.shape_cast %swap3A_224 : vector<1x16xf32> to vector<16xf32>
      %swap3A_226 = vector.shape_cast %mul3A_217 : vector<16xf32> to vector<1x16xf32>
      tpu.vector_store %arg8[%swap3A_222, %swap3A_223], %swap3A_226 {strides = array<i32>} : memref<256x128xf32, #tpu.memory_space<vmem>>, vector<1x16xf32>,
      %mul3A_227 = arith.constant 2.000000e-02 : f32
      %mul3A_228 = vector.broadcast %mul3A_227 : f32 to vector<16xf32>
      %mul3A_229 = arith.mulf %parallel_loop3A_117#5, %mul3A_228 : vector<16xf32>
      %mul3A_230 = arith.constant 2 : i32
      %mul3A_231 = arith.muli %mul3A_230, %add3A_84 : i32
      %swap3A_232 = arith.index_cast %mul3A_231 : i32 to index
      %swap3A_233 = arith.constant 80 : index
      %swap3A_234 = tpu.vector_load %arg8[%swap3A_232, %swap3A_233] {strides = array<i32>} : memref<256x128xf32, #tpu.memory_space<vmem>>, vector<1x16xf32>,
      %swap3A_235 = vector.shape_cast %swap3A_234 : vector<1x16xf32> to vector<16xf32>
      %swap3A_236 = vector.shape_cast %mul3A_229 : vector<16xf32> to vector<1x16xf32>
      tpu.vector_store %arg8[%swap3A_232, %swap3A_233], %swap3A_236 {strides = array<i32>} : memref<256x128xf32, #tpu.memory_space<vmem>>, vector<1x16xf32>,
      %mul3A_237 = arith.constant 2.000000e-02 : f32
      %mul3A_238 = vector.broadcast %mul3A_237 : f32 to vector<16xf32>
      %mul3A_239 = arith.mulf %parallel_loop3A_117#13, %mul3A_238 : vector<16xf32>
      %mul3A_240 = arith.constant 2 : i32
      %mul3A_241 = arith.muli %mul3A_240, %add3A_84 : i32
      %add3A_242 = arith.constant 1 : i32
      %add3A_243 = arith.addi %mul3A_241, %add3A_242 : i32
      %swap3A_244 = arith.index_cast %add3A_243 : i32 to index
      %swap3A_245 = arith.constant 80 : index
      %swap3A_246 = tpu.vector_load %arg8[%swap3A_244, %swap3A_245] {strides = array<i32>} : memref<256x128xf32, #tpu.memory_space<vmem>>, vector<1x16xf32>,
      %swap3A_247 = vector.shape_cast %swap3A_246 : vector<1x16xf32> to vector<16xf32>
      %swap3A_248 = vector.shape_cast %mul3A_239 : vector<16xf32> to vector<1x16xf32>
      tpu.vector_store %arg8[%swap3A_244, %swap3A_245], %swap3A_248 {strides = array<i32>} : memref<256x128xf32, #tpu.memory_space<vmem>>, vector<1x16xf32>,
      %mul3A_249 = arith.constant 2.000000e-02 : f32
      %mul3A_250 = vector.broadcast %mul3A_249 : f32 to vector<16xf32>
      %mul3A_251 = arith.mulf %parallel_loop3A_117#6, %mul3A_250 : vector<16xf32>
      %mul3A_252 = arith.constant 2 : i32
      %mul3A_253 = arith.muli %mul3A_252, %add3A_84 : i32
      %swap3A_254 = arith.index_cast %mul3A_253 : i32 to index
      %swap3A_255 = arith.constant 96 : index
      %swap3A_256 = tpu.vector_load %arg8[%swap3A_254, %swap3A_255] {strides = array<i32>} : memref<256x128xf32, #tpu.memory_space<vmem>>, vector<1x16xf32>,
      %swap3A_257 = vector.shape_cast %swap3A_256 : vector<1x16xf32> to vector<16xf32>
      %swap3A_258 = vector.shape_cast %mul3A_251 : vector<16xf32> to vector<1x16xf32>
      tpu.vector_store %arg8[%swap3A_254, %swap3A_255], %swap3A_258 {strides = array<i32>} : memref<256x128xf32, #tpu.memory_space<vmem>>, vector<1x16xf32>,
      %mul3A_259 = arith.constant 2.000000e-02 : f32
      %mul3A_260 = vector.broadcast %mul3A_259 : f32 to vector<16xf32>
      %mul3A_261 = arith.mulf %parallel_loop3A_117#14, %mul3A_260 : vector<16xf32>
      %mul3A_262 = arith.constant 2 : i32
      %mul3A_263 = arith.muli %mul3A_262, %add3A_84 : i32
      %add3A_264 = arith.constant 1 : i32
      %add3A_265 = arith.addi %mul3A_263, %add3A_264 : i32
      %swap3A_266 = arith.index_cast %add3A_265 : i32 to index
      %swap3A_267 = arith.constant 96 : index
      %swap3A_268 = tpu.vector_load %arg8[%swap3A_266, %swap3A_267] {strides = array<i32>} : memref<256x128xf32, #tpu.memory_space<vmem>>, vector<1x16xf32>,
      %swap3A_269 = vector.shape_cast %swap3A_268 : vector<1x16xf32> to vector<16xf32>
      %swap3A_270 = vector.shape_cast %mul3A_261 : vector<16xf32> to vector<1x16xf32>
      tpu.vector_store %arg8[%swap3A_266, %swap3A_267], %swap3A_270 {strides = array<i32>} : memref<256x128xf32, #tpu.memory_space<vmem>>, vector<1x16xf32>,
      %mul3A_271 = arith.constant 2.000000e-02 : f32
      %mul3A_272 = vector.broadcast %mul3A_271 : f32 to vector<16xf32>
      %mul3A_273 = arith.mulf %parallel_loop3A_117#7, %mul3A_272 : vector<16xf32>
      %mul3A_274 = arith.constant 2 : i32
      %mul3A_275 = arith.muli %mul3A_274, %add3A_84 : i32
      %swap3A_276 = arith.index_cast %mul3A_275 : i32 to index
      %swap3A_277 = arith.constant 112 : index
      %swap3A_278 = tpu.vector_load %arg8[%swap3A_276, %swap3A_277] {strides = array<i32>} : memref<256x128xf32, #tpu.memory_space<vmem>>, vector<1x16xf32>,
      %swap3A_279 = vector.shape_cast %swap3A_278 : vector<1x16xf32> to vector<16xf32>
      %swap3A_280 = vector.shape_cast %mul3A_273 : vector<16xf32> to vector<1x16xf32>
      tpu.vector_store %arg8[%swap3A_276, %swap3A_277], %swap3A_280 {strides = array<i32>} : memref<256x128xf32, #tpu.memory_space<vmem>>, vector<1x16xf32>,
      %mul3A_281 = arith.constant 2.000000e-02 : f32
      %mul3A_282 = vector.broadcast %mul3A_281 : f32 to vector<16xf32>
      %mul3A_283 = arith.mulf %parallel_loop3A_117#15, %mul3A_282 : vector<16xf32>
      %mul3A_284 = arith.constant 2 : i32
      %mul3A_285 = arith.muli %mul3A_284, %add3A_84 : i32
      %add3A_286 = arith.constant 1 : i32
      %add3A_287 = arith.addi %mul3A_285, %add3A_286 : i32
      %swap3A_288 = arith.index_cast %add3A_287 : i32 to index
      %swap3A_289 = arith.constant 112 : index
      %swap3A_290 = tpu.vector_load %arg8[%swap3A_288, %swap3A_289] {strides = array<i32>} : memref<256x128xf32, #tpu.memory_space<vmem>>, vector<1x16xf32>,
      %swap3A_291 = vector.shape_cast %swap3A_290 : vector<1x16xf32> to vector<16xf32>
      %swap3A_292 = vector.shape_cast %mul3A_283 : vector<16xf32> to vector<1x16xf32>
      tpu.vector_store %arg8[%swap3A_288, %swap3A_289], %swap3A_292 {strides = array<i32>} : memref<256x128xf32, #tpu.memory_space<vmem>>, vector<1x16xf32>,
      %add3A_293 = arith.constant 4 : i32
      %add3A_294 = arith.addi %add3A_84, %add3A_293 : i32
      %lt3A = arith.constant 128 : i32
      %lt3A_295 = arith.cmpi slt, %add3A_294, %lt3A : i32
      %convert_element_type3A = arith.extui %lt3A_295 : i1 to i32
      %cond3A = arith.constant 0 : i32
      %cond3A_296 = arith.cmpi ne, %convert_element_type3A, %cond3A : i32
      scf.if %cond3A_296 {
        %dma_start3A_967 = arith.constant 0 : i32
        %dma_start3A_968 = arith.constant 0 : i32
        %dma_start3A_969 = arith.constant 0 : i32
        %dma_start3A_970 = arith.constant 0 : i32
        %dma_start3A_971 = tpu.memref_slice %arg7[%dma_start3A_967, %dma_start3A_969, %dma_start3A_970] : memref<4x100x128xf32, #tpu.memory_space<vmem>> -> memref<1x100x128xf32, #tpu.memory_space<vmem>>
        %dma_start3A_972 = tpu.memref_squeeze %dma_start3A_971 : memref<1x100x128xf32, #tpu.memory_space<vmem>> -> memref<100x128xf32, #tpu.memory_space<vmem>>
        %dma_start3A_973 = arith.constant 0 : i32
        %dma_start3A_974 = tpu.memref_slice %arg6[%add3A_294, %dma_start3A_973] : memref<128x100xi32, #tpu.memory_space<vmem>> -> memref<1x100xi32, #tpu.memory_space<vmem>>
        %dma_start3A_975 = tpu.memref_squeeze %dma_start3A_974 : memref<1x100xi32, #tpu.memory_space<vmem>> -> memref<100xi32, #tpu.memory_space<vmem>>
        %dma_start3A_976 = arith.constant 0 : i32
        %dma_start3A_977 = arith.constant 0 : i32
        %dma_start3A_978 = tpu.memref_slice %arg3[%dma_start3A_976, %dma_start3A_977] : memref<100000x128xf32, #tpu.memory_space<hbm>> -> memref<100000x128xf32, #tpu.memory_space<hbm>>
        %dma_start3A_979 = tpu.memref_slice %arg9[%dma_start3A_968] : memref<4x!tpu.dma_semaphore, #tpu.memory_space<semaphore_mem>> -> memref<1x!tpu.dma_semaphore, #tpu.memory_space<semaphore_mem>>
        %dma_start3A_980 = tpu.memref_squeeze %dma_start3A_979 : memref<1x!tpu.dma_semaphore, #tpu.memory_space<semaphore_mem>> -> memref<!tpu.dma_semaphore, #tpu.memory_space<semaphore_mem>>
        tpu.enqueue_indirect_dma source(%dma_start3A_978 : memref<100000x128xf32, #tpu.memory_space<hbm>>) target(%dma_start3A_972 : memref<100x128xf32, #tpu.memory_space<vmem>>) offsets(%dma_start3A_975 : memref<100xi32, #tpu.memory_space<vmem>>) semaphore(%dma_start3A_980 : memref<!tpu.dma_semaphore, #tpu.memory_space<semaphore_mem>>)
      } else {
      }
      %mul3A_297 = arith.constant 4 : i32
      %mul3A_298 = arith.muli %scan3A_80, %mul3A_297 : i32
      %add3A_299 = arith.constant 1 : i32
      %add3A_300 = arith.addi %mul3A_298, %add3A_299 : i32
      %dma_wait3A_301 = arith.constant 0 : i32
      %dma_wait3A_302 = arith.constant 1 : i32
      %dma_wait3A_303 = arith.constant 1 : i32
      %dma_wait3A_304 = arith.constant 0 : i32
      %dma_wait3A_305 = arith.constant 0 : i32
      %dma_wait3A_306 = tpu.memref_slice %arg7[%dma_wait3A_302, %dma_wait3A_304, %dma_wait3A_305] : memref<4x100x128xf32, #tpu.memory_space<vmem>> -> memref<1x100x128xf32, #tpu.memory_space<vmem>>
      %dma_wait3A_307 = tpu.memref_squeeze %dma_wait3A_306 : memref<1x100x128xf32, #tpu.memory_space<vmem>> -> memref<100x128xf32, #tpu.memory_space<vmem>>
      %dma_wait3A_308 = arith.constant 0 : i32
      %dma_wait3A_309 = tpu.memref_slice %arg6[%dma_wait3A_301, %dma_wait3A_308] : memref<128x100xi32, #tpu.memory_space<vmem>> -> memref<1x100xi32, #tpu.memory_space<vmem>>
      %dma_wait3A_310 = tpu.memref_squeeze %dma_wait3A_309 : memref<1x100xi32, #tpu.memory_space<vmem>> -> memref<100xi32, #tpu.memory_space<vmem>>
      %dma_wait3A_311 = arith.constant 0 : i32
      %dma_wait3A_312 = arith.constant 0 : i32
      %dma_wait3A_313 = tpu.memref_slice %arg3[%dma_wait3A_311, %dma_wait3A_312] : memref<100000x128xf32, #tpu.memory_space<hbm>> -> memref<100000x128xf32, #tpu.memory_space<hbm>>
      %dma_wait3A_314 = tpu.memref_slice %arg9[%dma_wait3A_303] : memref<4x!tpu.dma_semaphore, #tpu.memory_space<semaphore_mem>> -> memref<1x!tpu.dma_semaphore, #tpu.memory_space<semaphore_mem>>
      %dma_wait3A_315 = tpu.memref_squeeze %dma_wait3A_314 : memref<1x!tpu.dma_semaphore, #tpu.memory_space<semaphore_mem>> -> memref<!tpu.dma_semaphore, #tpu.memory_space<semaphore_mem>>
      tpu.wait_indirect_dma semaphore(%dma_wait3A_315 : memref<!tpu.dma_semaphore, #tpu.memory_space<semaphore_mem>>) src(%dma_wait3A_313 : memref<100000x128xf32, #tpu.memory_space<hbm>>) dst(%dma_wait3A_307 : memref<100x128xf32, #tpu.memory_space<vmem>>)
      %broadcast_in_dim3A_316 = arith.constant 0.000000e+00 : f32
      %broadcast_in_dim3A_317 = vector.broadcast %broadcast_in_dim3A_316 : f32 to vector<16xf32>
      %broadcast_in_dim3A_318 = arith.constant 0.000000e+00 : f32
      %broadcast_in_dim3A_319 = vector.broadcast %broadcast_in_dim3A_318 : f32 to vector<16xf32>
      %broadcast_in_dim3A_320 = arith.constant 0.000000e+00 : f32
      %broadcast_in_dim3A_321 = vector.broadcast %broadcast_in_dim3A_320 : f32 to vector<16xf32>
      %broadcast_in_dim3A_322 = arith.constant 0.000000e+00 : f32
      %broadcast_in_dim3A_323 = vector.broadcast %broadcast_in_dim3A_322 : f32 to vector<16xf32>
      %broadcast_in_dim3A_324 = arith.constant 0.000000e+00 : f32
      %broadcast_in_dim3A_325 = vector.broadcast %broadcast_in_dim3A_324 : f32 to vector<16xf32>
      %broadcast_in_dim3A_326 = arith.constant 0.000000e+00 : f32
      %broadcast_in_dim3A_327 = vector.broadcast %broadcast_in_dim3A_326 : f32 to vector<16xf32>
      %broadcast_in_dim3A_328 = arith.constant 0.000000e+00 : f32
      %broadcast_in_dim3A_329 = vector.broadcast %broadcast_in_dim3A_328 : f32 to vector<16xf32>
      %broadcast_in_dim3A_330 = arith.constant 0.000000e+00 : f32
      %broadcast_in_dim3A_331 = vector.broadcast %broadcast_in_dim3A_330 : f32 to vector<16xf32>
      %parallel_loop3A_332 = arith.constant 0 : i32
      %parallel_loop3A_333 = arith.constant 50 : i32
      %parallel_loop3A_334 = arith.constant 1 : i32
      %parallel_loop3A_335:16 = scf.for %parallel_loop3A_967 = %parallel_loop3A_332 to %parallel_loop3A_333 step %parallel_loop3A_334 iter_args(%parallel_loop3A_968 = %broadcast_in_dim3A_317, %parallel_loop3A_969 = %broadcast_in_dim3A_319, %parallel_loop3A_970 = %broadcast_in_dim3A_321, %parallel_loop3A_971 = %broadcast_in_dim3A_323, %parallel_loop3A_972 = %broadcast_in_dim3A_325, %parallel_loop3A_973 = %broadcast_in_dim3A_327, %parallel_loop3A_974 = %broadcast_in_dim3A_329, %parallel_loop3A_975 = %broadcast_in_dim3A_331, %parallel_loop3A_976 = %broadcast_in_dim3A_317, %parallel_loop3A_977 = %broadcast_in_dim3A_319, %parallel_loop3A_978 = %broadcast_in_dim3A_321, %parallel_loop3A_979 = %broadcast_in_dim3A_323, %parallel_loop3A_980 = %broadcast_in_dim3A_325, %parallel_loop3A_981 = %broadcast_in_dim3A_327, %parallel_loop3A_982 = %broadcast_in_dim3A_329, %parallel_loop3A_983 = %broadcast_in_dim3A_331) -> (vector<16xf32>, vector<16xf32>, vector<16xf32>, vector<16xf32>, vector<16xf32>, vector<16xf32>, vector<16xf32>, vector<16xf32>, vector<16xf32>, vector<16xf32>, vector<16xf32>, vector<16xf32>, vector<16xf32>, vector<16xf32>, vector<16xf32>, vector<16xf32>)  : i32 {
        %parallel_loop3A_984 = arith.constant 1 : i32
        %parallel_loop3A_985 = arith.index_cast %parallel_loop3A_984 : i32 to index
        %parallel_loop3A_986 = arith.index_cast %parallel_loop3A_967 : i32 to index
        %parallel_loop3A_987 = arith.constant 0 : index
        %parallel_loop3A_988 = tpu.vector_load %arg7[%parallel_loop3A_985, %parallel_loop3A_986, %parallel_loop3A_987] {strides = array<i32>} : memref<4x100x128xf32, #tpu.memory_space<vmem>>, vector<1x1x16xf32>,
        %parallel_loop3A_989 = vector.shape_cast %parallel_loop3A_988 : vector<1x1x16xf32> to vector<16xf32>
        %parallel_loop3A_990 = arith.addf %parallel_loop3A_968, %parallel_loop3A_989 : vector<16xf32>
        %parallel_loop3A_991 = arith.constant 1 : i32
        %parallel_loop3A_992 = arith.index_cast %parallel_loop3A_991 : i32 to index
        %parallel_loop3A_993 = arith.index_cast %parallel_loop3A_967 : i32 to index
        %parallel_loop3A_994 = arith.constant 16 : index
        %parallel_loop3A_995 = tpu.vector_load %arg7[%parallel_loop3A_992, %parallel_loop3A_993, %parallel_loop3A_994] {strides = array<i32>} : memref<4x100x128xf32, #tpu.memory_space<vmem>>, vector<1x1x16xf32>,
        %parallel_loop3A_996 = vector.shape_cast %parallel_loop3A_995 : vector<1x1x16xf32> to vector<16xf32>
        %parallel_loop3A_997 = arith.addf %parallel_loop3A_969, %parallel_loop3A_996 : vector<16xf32>
        %parallel_loop3A_998 = arith.constant 1 : i32
        %parallel_loop3A_999 = arith.index_cast %parallel_loop3A_998 : i32 to index
        %parallel_loop3A_1000 = arith.index_cast %parallel_loop3A_967 : i32 to index
        %parallel_loop3A_1001 = arith.constant 32 : index
        %parallel_loop3A_1002 = tpu.vector_load %arg7[%parallel_loop3A_999, %parallel_loop3A_1000, %parallel_loop3A_1001] {strides = array<i32>} : memref<4x100x128xf32, #tpu.memory_space<vmem>>, vector<1x1x16xf32>,
        %parallel_loop3A_1003 = vector.shape_cast %parallel_loop3A_1002 : vector<1x1x16xf32> to vector<16xf32>
        %parallel_loop3A_1004 = arith.addf %parallel_loop3A_970, %parallel_loop3A_1003 : vector<16xf32>
        %parallel_loop3A_1005 = arith.constant 1 : i32
        %parallel_loop3A_1006 = arith.index_cast %parallel_loop3A_1005 : i32 to index
        %parallel_loop3A_1007 = arith.index_cast %parallel_loop3A_967 : i32 to index
        %parallel_loop3A_1008 = arith.constant 48 : index
        %parallel_loop3A_1009 = tpu.vector_load %arg7[%parallel_loop3A_1006, %parallel_loop3A_1007, %parallel_loop3A_1008] {strides = array<i32>} : memref<4x100x128xf32, #tpu.memory_space<vmem>>, vector<1x1x16xf32>,
        %parallel_loop3A_1010 = vector.shape_cast %parallel_loop3A_1009 : vector<1x1x16xf32> to vector<16xf32>
        %parallel_loop3A_1011 = arith.addf %parallel_loop3A_971, %parallel_loop3A_1010 : vector<16xf32>
        %parallel_loop3A_1012 = arith.constant 1 : i32
        %parallel_loop3A_1013 = arith.index_cast %parallel_loop3A_1012 : i32 to index
        %parallel_loop3A_1014 = arith.index_cast %parallel_loop3A_967 : i32 to index
        %parallel_loop3A_1015 = arith.constant 64 : index
        %parallel_loop3A_1016 = tpu.vector_load %arg7[%parallel_loop3A_1013, %parallel_loop3A_1014, %parallel_loop3A_1015] {strides = array<i32>} : memref<4x100x128xf32, #tpu.memory_space<vmem>>, vector<1x1x16xf32>,
        %parallel_loop3A_1017 = vector.shape_cast %parallel_loop3A_1016 : vector<1x1x16xf32> to vector<16xf32>
        %parallel_loop3A_1018 = arith.addf %parallel_loop3A_972, %parallel_loop3A_1017 : vector<16xf32>
        %parallel_loop3A_1019 = arith.constant 1 : i32
        %parallel_loop3A_1020 = arith.index_cast %parallel_loop3A_1019 : i32 to index
        %parallel_loop3A_1021 = arith.index_cast %parallel_loop3A_967 : i32 to index
        %parallel_loop3A_1022 = arith.constant 80 : index
        %parallel_loop3A_1023 = tpu.vector_load %arg7[%parallel_loop3A_1020, %parallel_loop3A_1021, %parallel_loop3A_1022] {strides = array<i32>} : memref<4x100x128xf32, #tpu.memory_space<vmem>>, vector<1x1x16xf32>,
        %parallel_loop3A_1024 = vector.shape_cast %parallel_loop3A_1023 : vector<1x1x16xf32> to vector<16xf32>
        %parallel_loop3A_1025 = arith.addf %parallel_loop3A_973, %parallel_loop3A_1024 : vector<16xf32>
        %parallel_loop3A_1026 = arith.constant 1 : i32
        %parallel_loop3A_1027 = arith.index_cast %parallel_loop3A_1026 : i32 to index
        %parallel_loop3A_1028 = arith.index_cast %parallel_loop3A_967 : i32 to index
        %parallel_loop3A_1029 = arith.constant 96 : index
        %parallel_loop3A_1030 = tpu.vector_load %arg7[%parallel_loop3A_1027, %parallel_loop3A_1028, %parallel_loop3A_1029] {strides = array<i32>} : memref<4x100x128xf32, #tpu.memory_space<vmem>>, vector<1x1x16xf32>,
        %parallel_loop3A_1031 = vector.shape_cast %parallel_loop3A_1030 : vector<1x1x16xf32> to vector<16xf32>
        %parallel_loop3A_1032 = arith.addf %parallel_loop3A_974, %parallel_loop3A_1031 : vector<16xf32>
        %parallel_loop3A_1033 = arith.constant 1 : i32
        %parallel_loop3A_1034 = arith.index_cast %parallel_loop3A_1033 : i32 to index
        %parallel_loop3A_1035 = arith.index_cast %parallel_loop3A_967 : i32 to index
        %parallel_loop3A_1036 = arith.constant 112 : index
        %parallel_loop3A_1037 = tpu.vector_load %arg7[%parallel_loop3A_1034, %parallel_loop3A_1035, %parallel_loop3A_1036] {strides = array<i32>} : memref<4x100x128xf32, #tpu.memory_space<vmem>>, vector<1x1x16xf32>,
        %parallel_loop3A_1038 = vector.shape_cast %parallel_loop3A_1037 : vector<1x1x16xf32> to vector<16xf32>
        %parallel_loop3A_1039 = arith.addf %parallel_loop3A_975, %parallel_loop3A_1038 : vector<16xf32>
        %parallel_loop3A_1040 = arith.constant 50 : i32
        %parallel_loop3A_1041 = arith.addi %parallel_loop3A_967, %parallel_loop3A_1040 : i32
        %parallel_loop3A_1042 = arith.constant 1 : i32
        %parallel_loop3A_1043 = arith.index_cast %parallel_loop3A_1042 : i32 to index
        %parallel_loop3A_1044 = arith.index_cast %parallel_loop3A_1041 : i32 to index
        %parallel_loop3A_1045 = arith.constant 0 : index
        %parallel_loop3A_1046 = tpu.vector_load %arg7[%parallel_loop3A_1043, %parallel_loop3A_1044, %parallel_loop3A_1045] {strides = array<i32>} : memref<4x100x128xf32, #tpu.memory_space<vmem>>, vector<1x1x16xf32>,
        %parallel_loop3A_1047 = vector.shape_cast %parallel_loop3A_1046 : vector<1x1x16xf32> to vector<16xf32>
        %parallel_loop3A_1048 = arith.addf %parallel_loop3A_976, %parallel_loop3A_1047 : vector<16xf32>
        %parallel_loop3A_1049 = arith.constant 50 : i32
        %parallel_loop3A_1050 = arith.addi %parallel_loop3A_967, %parallel_loop3A_1049 : i32
        %parallel_loop3A_1051 = arith.constant 1 : i32
        %parallel_loop3A_1052 = arith.index_cast %parallel_loop3A_1051 : i32 to index
        %parallel_loop3A_1053 = arith.index_cast %parallel_loop3A_1050 : i32 to index
        %parallel_loop3A_1054 = arith.constant 16 : index
        %parallel_loop3A_1055 = tpu.vector_load %arg7[%parallel_loop3A_1052, %parallel_loop3A_1053, %parallel_loop3A_1054] {strides = array<i32>} : memref<4x100x128xf32, #tpu.memory_space<vmem>>, vector<1x1x16xf32>,
        %parallel_loop3A_1056 = vector.shape_cast %parallel_loop3A_1055 : vector<1x1x16xf32> to vector<16xf32>
        %parallel_loop3A_1057 = arith.addf %parallel_loop3A_977, %parallel_loop3A_1056 : vector<16xf32>
        %parallel_loop3A_1058 = arith.constant 50 : i32
        %parallel_loop3A_1059 = arith.addi %parallel_loop3A_967, %parallel_loop3A_1058 : i32
        %parallel_loop3A_1060 = arith.constant 1 : i32
        %parallel_loop3A_1061 = arith.index_cast %parallel_loop3A_1060 : i32 to index
        %parallel_loop3A_1062 = arith.index_cast %parallel_loop3A_1059 : i32 to index
        %parallel_loop3A_1063 = arith.constant 32 : index
        %parallel_loop3A_1064 = tpu.vector_load %arg7[%parallel_loop3A_1061, %parallel_loop3A_1062, %parallel_loop3A_1063] {strides = array<i32>} : memref<4x100x128xf32, #tpu.memory_space<vmem>>, vector<1x1x16xf32>,
        %parallel_loop3A_1065 = vector.shape_cast %parallel_loop3A_1064 : vector<1x1x16xf32> to vector<16xf32>
        %parallel_loop3A_1066 = arith.addf %parallel_loop3A_978, %parallel_loop3A_1065 : vector<16xf32>
        %parallel_loop3A_1067 = arith.constant 50 : i32
        %parallel_loop3A_1068 = arith.addi %parallel_loop3A_967, %parallel_loop3A_1067 : i32
        %parallel_loop3A_1069 = arith.constant 1 : i32
        %parallel_loop3A_1070 = arith.index_cast %parallel_loop3A_1069 : i32 to index
        %parallel_loop3A_1071 = arith.index_cast %parallel_loop3A_1068 : i32 to index
        %parallel_loop3A_1072 = arith.constant 48 : index
        %parallel_loop3A_1073 = tpu.vector_load %arg7[%parallel_loop3A_1070, %parallel_loop3A_1071, %parallel_loop3A_1072] {strides = array<i32>} : memref<4x100x128xf32, #tpu.memory_space<vmem>>, vector<1x1x16xf32>,
        %parallel_loop3A_1074 = vector.shape_cast %parallel_loop3A_1073 : vector<1x1x16xf32> to vector<16xf32>
        %parallel_loop3A_1075 = arith.addf %parallel_loop3A_979, %parallel_loop3A_1074 : vector<16xf32>
        %parallel_loop3A_1076 = arith.constant 50 : i32
        %parallel_loop3A_1077 = arith.addi %parallel_loop3A_967, %parallel_loop3A_1076 : i32
        %parallel_loop3A_1078 = arith.constant 1 : i32
        %parallel_loop3A_1079 = arith.index_cast %parallel_loop3A_1078 : i32 to index
        %parallel_loop3A_1080 = arith.index_cast %parallel_loop3A_1077 : i32 to index
        %parallel_loop3A_1081 = arith.constant 64 : index
        %parallel_loop3A_1082 = tpu.vector_load %arg7[%parallel_loop3A_1079, %parallel_loop3A_1080, %parallel_loop3A_1081] {strides = array<i32>} : memref<4x100x128xf32, #tpu.memory_space<vmem>>, vector<1x1x16xf32>,
        %parallel_loop3A_1083 = vector.shape_cast %parallel_loop3A_1082 : vector<1x1x16xf32> to vector<16xf32>
        %parallel_loop3A_1084 = arith.addf %parallel_loop3A_980, %parallel_loop3A_1083 : vector<16xf32>
        %parallel_loop3A_1085 = arith.constant 50 : i32
        %parallel_loop3A_1086 = arith.addi %parallel_loop3A_967, %parallel_loop3A_1085 : i32
        %parallel_loop3A_1087 = arith.constant 1 : i32
        %parallel_loop3A_1088 = arith.index_cast %parallel_loop3A_1087 : i32 to index
        %parallel_loop3A_1089 = arith.index_cast %parallel_loop3A_1086 : i32 to index
        %parallel_loop3A_1090 = arith.constant 80 : index
        %parallel_loop3A_1091 = tpu.vector_load %arg7[%parallel_loop3A_1088, %parallel_loop3A_1089, %parallel_loop3A_1090] {strides = array<i32>} : memref<4x100x128xf32, #tpu.memory_space<vmem>>, vector<1x1x16xf32>,
        %parallel_loop3A_1092 = vector.shape_cast %parallel_loop3A_1091 : vector<1x1x16xf32> to vector<16xf32>
        %parallel_loop3A_1093 = arith.addf %parallel_loop3A_981, %parallel_loop3A_1092 : vector<16xf32>
        %parallel_loop3A_1094 = arith.constant 50 : i32
        %parallel_loop3A_1095 = arith.addi %parallel_loop3A_967, %parallel_loop3A_1094 : i32
        %parallel_loop3A_1096 = arith.constant 1 : i32
        %parallel_loop3A_1097 = arith.index_cast %parallel_loop3A_1096 : i32 to index
        %parallel_loop3A_1098 = arith.index_cast %parallel_loop3A_1095 : i32 to index
        %parallel_loop3A_1099 = arith.constant 96 : index
        %parallel_loop3A_1100 = tpu.vector_load %arg7[%parallel_loop3A_1097, %parallel_loop3A_1098, %parallel_loop3A_1099] {strides = array<i32>} : memref<4x100x128xf32, #tpu.memory_space<vmem>>, vector<1x1x16xf32>,
        %parallel_loop3A_1101 = vector.shape_cast %parallel_loop3A_1100 : vector<1x1x16xf32> to vector<16xf32>
        %parallel_loop3A_1102 = arith.addf %parallel_loop3A_982, %parallel_loop3A_1101 : vector<16xf32>
        %parallel_loop3A_1103 = arith.constant 50 : i32
        %parallel_loop3A_1104 = arith.addi %parallel_loop3A_967, %parallel_loop3A_1103 : i32
        %parallel_loop3A_1105 = arith.constant 1 : i32
        %parallel_loop3A_1106 = arith.index_cast %parallel_loop3A_1105 : i32 to index
        %parallel_loop3A_1107 = arith.index_cast %parallel_loop3A_1104 : i32 to index
        %parallel_loop3A_1108 = arith.constant 112 : index
        %parallel_loop3A_1109 = tpu.vector_load %arg7[%parallel_loop3A_1106, %parallel_loop3A_1107, %parallel_loop3A_1108] {strides = array<i32>} : memref<4x100x128xf32, #tpu.memory_space<vmem>>, vector<1x1x16xf32>,
        %parallel_loop3A_1110 = vector.shape_cast %parallel_loop3A_1109 : vector<1x1x16xf32> to vector<16xf32>
        %parallel_loop3A_1111 = arith.addf %parallel_loop3A_983, %parallel_loop3A_1110 : vector<16xf32>
        scf.yield %parallel_loop3A_990, %parallel_loop3A_997, %parallel_loop3A_1004, %parallel_loop3A_1011, %parallel_loop3A_1018, %parallel_loop3A_1025, %parallel_loop3A_1032, %parallel_loop3A_1039, %parallel_loop3A_1048, %parallel_loop3A_1057, %parallel_loop3A_1066, %parallel_loop3A_1075, %parallel_loop3A_1084, %parallel_loop3A_1093, %parallel_loop3A_1102, %parallel_loop3A_1111 : vector<16xf32>, vector<16xf32>, vector<16xf32>, vector<16xf32>, vector<16xf32>, vector<16xf32>, vector<16xf32>, vector<16xf32>, vector<16xf32>, vector<16xf32>, vector<16xf32>, vector<16xf32>, vector<16xf32>, vector<16xf32>, vector<16xf32>, vector<16xf32>
      } {sc.loop_unroll_factor = 4 : i64, sc.parallel_access}
      %mul3A_336 = arith.constant 2.000000e-02 : f32
      %mul3A_337 = vector.broadcast %mul3A_336 : f32 to vector<16xf32>
      %mul3A_338 = arith.mulf %parallel_loop3A_335#0, %mul3A_337 : vector<16xf32>
      %mul3A_339 = arith.constant 2 : i32
      %mul3A_340 = arith.muli %mul3A_339, %add3A_300 : i32
      %swap3A_341 = arith.index_cast %mul3A_340 : i32 to index
      %swap3A_342 = arith.constant 0 : index
      %swap3A_343 = tpu.vector_load %arg8[%swap3A_341, %swap3A_342] {strides = array<i32>} : memref<256x128xf32, #tpu.memory_space<vmem>>, vector<1x16xf32>,
      %swap3A_344 = vector.shape_cast %swap3A_343 : vector<1x16xf32> to vector<16xf32>
      %swap3A_345 = vector.shape_cast %mul3A_338 : vector<16xf32> to vector<1x16xf32>
      tpu.vector_store %arg8[%swap3A_341, %swap3A_342], %swap3A_345 {strides = array<i32>} : memref<256x128xf32, #tpu.memory_space<vmem>>, vector<1x16xf32>,
      %mul3A_346 = arith.constant 2.000000e-02 : f32
      %mul3A_347 = vector.broadcast %mul3A_346 : f32 to vector<16xf32>
      %mul3A_348 = arith.mulf %parallel_loop3A_335#8, %mul3A_347 : vector<16xf32>
      %mul3A_349 = arith.constant 2 : i32
      %mul3A_350 = arith.muli %mul3A_349, %add3A_300 : i32
      %add3A_351 = arith.constant 1 : i32
      %add3A_352 = arith.addi %mul3A_350, %add3A_351 : i32
      %swap3A_353 = arith.index_cast %add3A_352 : i32 to index
      %swap3A_354 = arith.constant 0 : index
      %swap3A_355 = tpu.vector_load %arg8[%swap3A_353, %swap3A_354] {strides = array<i32>} : memref<256x128xf32, #tpu.memory_space<vmem>>, vector<1x16xf32>,
      %swap3A_356 = vector.shape_cast %swap3A_355 : vector<1x16xf32> to vector<16xf32>
      %swap3A_357 = vector.shape_cast %mul3A_348 : vector<16xf32> to vector<1x16xf32>
      tpu.vector_store %arg8[%swap3A_353, %swap3A_354], %swap3A_357 {strides = array<i32>} : memref<256x128xf32, #tpu.memory_space<vmem>>, vector<1x16xf32>,
      %mul3A_358 = arith.constant 2.000000e-02 : f32
      %mul3A_359 = vector.broadcast %mul3A_358 : f32 to vector<16xf32>
      %mul3A_360 = arith.mulf %parallel_loop3A_335#1, %mul3A_359 : vector<16xf32>
      %mul3A_361 = arith.constant 2 : i32
      %mul3A_362 = arith.muli %mul3A_361, %add3A_300 : i32
      %swap3A_363 = arith.index_cast %mul3A_362 : i32 to index
      %swap3A_364 = arith.constant 16 : index
      %swap3A_365 = tpu.vector_load %arg8[%swap3A_363, %swap3A_364] {strides = array<i32>} : memref<256x128xf32, #tpu.memory_space<vmem>>, vector<1x16xf32>,
      %swap3A_366 = vector.shape_cast %swap3A_365 : vector<1x16xf32> to vector<16xf32>
      %swap3A_367 = vector.shape_cast %mul3A_360 : vector<16xf32> to vector<1x16xf32>
      tpu.vector_store %arg8[%swap3A_363, %swap3A_364], %swap3A_367 {strides = array<i32>} : memref<256x128xf32, #tpu.memory_space<vmem>>, vector<1x16xf32>,
      %mul3A_368 = arith.constant 2.000000e-02 : f32
      %mul3A_369 = vector.broadcast %mul3A_368 : f32 to vector<16xf32>
      %mul3A_370 = arith.mulf %parallel_loop3A_335#9, %mul3A_369 : vector<16xf32>
      %mul3A_371 = arith.constant 2 : i32
      %mul3A_372 = arith.muli %mul3A_371, %add3A_300 : i32
      %add3A_373 = arith.constant 1 : i32
      %add3A_374 = arith.addi %mul3A_372, %add3A_373 : i32
      %swap3A_375 = arith.index_cast %add3A_374 : i32 to index
      %swap3A_376 = arith.constant 16 : index
      %swap3A_377 = tpu.vector_load %arg8[%swap3A_375, %swap3A_376] {strides = array<i32>} : memref<256x128xf32, #tpu.memory_space<vmem>>, vector<1x16xf32>,
      %swap3A_378 = vector.shape_cast %swap3A_377 : vector<1x16xf32> to vector<16xf32>
      %swap3A_379 = vector.shape_cast %mul3A_370 : vector<16xf32> to vector<1x16xf32>
      tpu.vector_store %arg8[%swap3A_375, %swap3A_376], %swap3A_379 {strides = array<i32>} : memref<256x128xf32, #tpu.memory_space<vmem>>, vector<1x16xf32>,
      %mul3A_380 = arith.constant 2.000000e-02 : f32
      %mul3A_381 = vector.broadcast %mul3A_380 : f32 to vector<16xf32>
      %mul3A_382 = arith.mulf %parallel_loop3A_335#2, %mul3A_381 : vector<16xf32>
      %mul3A_383 = arith.constant 2 : i32
      %mul3A_384 = arith.muli %mul3A_383, %add3A_300 : i32
      %swap3A_385 = arith.index_cast %mul3A_384 : i32 to index
      %swap3A_386 = arith.constant 32 : index
      %swap3A_387 = tpu.vector_load %arg8[%swap3A_385, %swap3A_386] {strides = array<i32>} : memref<256x128xf32, #tpu.memory_space<vmem>>, vector<1x16xf32>,
      %swap3A_388 = vector.shape_cast %swap3A_387 : vector<1x16xf32> to vector<16xf32>
      %swap3A_389 = vector.shape_cast %mul3A_382 : vector<16xf32> to vector<1x16xf32>
      tpu.vector_store %arg8[%swap3A_385, %swap3A_386], %swap3A_389 {strides = array<i32>} : memref<256x128xf32, #tpu.memory_space<vmem>>, vector<1x16xf32>,
      %mul3A_390 = arith.constant 2.000000e-02 : f32
      %mul3A_391 = vector.broadcast %mul3A_390 : f32 to vector<16xf32>
      %mul3A_392 = arith.mulf %parallel_loop3A_335#10, %mul3A_391 : vector<16xf32>
      %mul3A_393 = arith.constant 2 : i32
      %mul3A_394 = arith.muli %mul3A_393, %add3A_300 : i32
      %add3A_395 = arith.constant 1 : i32
      %add3A_396 = arith.addi %mul3A_394, %add3A_395 : i32
      %swap3A_397 = arith.index_cast %add3A_396 : i32 to index
      %swap3A_398 = arith.constant 32 : index
      %swap3A_399 = tpu.vector_load %arg8[%swap3A_397, %swap3A_398] {strides = array<i32>} : memref<256x128xf32, #tpu.memory_space<vmem>>, vector<1x16xf32>,
      %swap3A_400 = vector.shape_cast %swap3A_399 : vector<1x16xf32> to vector<16xf32>
      %swap3A_401 = vector.shape_cast %mul3A_392 : vector<16xf32> to vector<1x16xf32>
      tpu.vector_store %arg8[%swap3A_397, %swap3A_398], %swap3A_401 {strides = array<i32>} : memref<256x128xf32, #tpu.memory_space<vmem>>, vector<1x16xf32>,
      %mul3A_402 = arith.constant 2.000000e-02 : f32
      %mul3A_403 = vector.broadcast %mul3A_402 : f32 to vector<16xf32>
      %mul3A_404 = arith.mulf %parallel_loop3A_335#3, %mul3A_403 : vector<16xf32>
      %mul3A_405 = arith.constant 2 : i32
      %mul3A_406 = arith.muli %mul3A_405, %add3A_300 : i32
      %swap3A_407 = arith.index_cast %mul3A_406 : i32 to index
      %swap3A_408 = arith.constant 48 : index
      %swap3A_409 = tpu.vector_load %arg8[%swap3A_407, %swap3A_408] {strides = array<i32>} : memref<256x128xf32, #tpu.memory_space<vmem>>, vector<1x16xf32>,
      %swap3A_410 = vector.shape_cast %swap3A_409 : vector<1x16xf32> to vector<16xf32>
      %swap3A_411 = vector.shape_cast %mul3A_404 : vector<16xf32> to vector<1x16xf32>
      tpu.vector_store %arg8[%swap3A_407, %swap3A_408], %swap3A_411 {strides = array<i32>} : memref<256x128xf32, #tpu.memory_space<vmem>>, vector<1x16xf32>,
      %mul3A_412 = arith.constant 2.000000e-02 : f32
      %mul3A_413 = vector.broadcast %mul3A_412 : f32 to vector<16xf32>
      %mul3A_414 = arith.mulf %parallel_loop3A_335#11, %mul3A_413 : vector<16xf32>
      %mul3A_415 = arith.constant 2 : i32
      %mul3A_416 = arith.muli %mul3A_415, %add3A_300 : i32
      %add3A_417 = arith.constant 1 : i32
      %add3A_418 = arith.addi %mul3A_416, %add3A_417 : i32
      %swap3A_419 = arith.index_cast %add3A_418 : i32 to index
      %swap3A_420 = arith.constant 48 : index
      %swap3A_421 = tpu.vector_load %arg8[%swap3A_419, %swap3A_420] {strides = array<i32>} : memref<256x128xf32, #tpu.memory_space<vmem>>, vector<1x16xf32>,
      %swap3A_422 = vector.shape_cast %swap3A_421 : vector<1x16xf32> to vector<16xf32>
      %swap3A_423 = vector.shape_cast %mul3A_414 : vector<16xf32> to vector<1x16xf32>
      tpu.vector_store %arg8[%swap3A_419, %swap3A_420], %swap3A_423 {strides = array<i32>} : memref<256x128xf32, #tpu.memory_space<vmem>>, vector<1x16xf32>,
      %mul3A_424 = arith.constant 2.000000e-02 : f32
      %mul3A_425 = vector.broadcast %mul3A_424 : f32 to vector<16xf32>
      %mul3A_426 = arith.mulf %parallel_loop3A_335#4, %mul3A_425 : vector<16xf32>
      %mul3A_427 = arith.constant 2 : i32
      %mul3A_428 = arith.muli %mul3A_427, %add3A_300 : i32
      %swap3A_429 = arith.index_cast %mul3A_428 : i32 to index
      %swap3A_430 = arith.constant 64 : index
      %swap3A_431 = tpu.vector_load %arg8[%swap3A_429, %swap3A_430] {strides = array<i32>} : memref<256x128xf32, #tpu.memory_space<vmem>>, vector<1x16xf32>,
      %swap3A_432 = vector.shape_cast %swap3A_431 : vector<1x16xf32> to vector<16xf32>
      %swap3A_433 = vector.shape_cast %mul3A_426 : vector<16xf32> to vector<1x16xf32>
      tpu.vector_store %arg8[%swap3A_429, %swap3A_430], %swap3A_433 {strides = array<i32>} : memref<256x128xf32, #tpu.memory_space<vmem>>, vector<1x16xf32>,
      %mul3A_434 = arith.constant 2.000000e-02 : f32
      %mul3A_435 = vector.broadcast %mul3A_434 : f32 to vector<16xf32>
      %mul3A_436 = arith.mulf %parallel_loop3A_335#12, %mul3A_435 : vector<16xf32>
      %mul3A_437 = arith.constant 2 : i32
      %mul3A_438 = arith.muli %mul3A_437, %add3A_300 : i32
      %add3A_439 = arith.constant 1 : i32
      %add3A_440 = arith.addi %mul3A_438, %add3A_439 : i32
      %swap3A_441 = arith.index_cast %add3A_440 : i32 to index
      %swap3A_442 = arith.constant 64 : index
      %swap3A_443 = tpu.vector_load %arg8[%swap3A_441, %swap3A_442] {strides = array<i32>} : memref<256x128xf32, #tpu.memory_space<vmem>>, vector<1x16xf32>,
      %swap3A_444 = vector.shape_cast %swap3A_443 : vector<1x16xf32> to vector<16xf32>
      %swap3A_445 = vector.shape_cast %mul3A_436 : vector<16xf32> to vector<1x16xf32>
      tpu.vector_store %arg8[%swap3A_441, %swap3A_442], %swap3A_445 {strides = array<i32>} : memref<256x128xf32, #tpu.memory_space<vmem>>, vector<1x16xf32>,
      %mul3A_446 = arith.constant 2.000000e-02 : f32
      %mul3A_447 = vector.broadcast %mul3A_446 : f32 to vector<16xf32>
      %mul3A_448 = arith.mulf %parallel_loop3A_335#5, %mul3A_447 : vector<16xf32>
      %mul3A_449 = arith.constant 2 : i32
      %mul3A_450 = arith.muli %mul3A_449, %add3A_300 : i32
      %swap3A_451 = arith.index_cast %mul3A_450 : i32 to index
      %swap3A_452 = arith.constant 80 : index
      %swap3A_453 = tpu.vector_load %arg8[%swap3A_451, %swap3A_452] {strides = array<i32>} : memref<256x128xf32, #tpu.memory_space<vmem>>, vector<1x16xf32>,
      %swap3A_454 = vector.shape_cast %swap3A_453 : vector<1x16xf32> to vector<16xf32>
      %swap3A_455 = vector.shape_cast %mul3A_448 : vector<16xf32> to vector<1x16xf32>
      tpu.vector_store %arg8[%swap3A_451, %swap3A_452], %swap3A_455 {strides = array<i32>} : memref<256x128xf32, #tpu.memory_space<vmem>>, vector<1x16xf32>,
      %mul3A_456 = arith.constant 2.000000e-02 : f32
      %mul3A_457 = vector.broadcast %mul3A_456 : f32 to vector<16xf32>
      %mul3A_458 = arith.mulf %parallel_loop3A_335#13, %mul3A_457 : vector<16xf32>
      %mul3A_459 = arith.constant 2 : i32
      %mul3A_460 = arith.muli %mul3A_459, %add3A_300 : i32
      %add3A_461 = arith.constant 1 : i32
      %add3A_462 = arith.addi %mul3A_460, %add3A_461 : i32
      %swap3A_463 = arith.index_cast %add3A_462 : i32 to index
      %swap3A_464 = arith.constant 80 : index
      %swap3A_465 = tpu.vector_load %arg8[%swap3A_463, %swap3A_464] {strides = array<i32>} : memref<256x128xf32, #tpu.memory_space<vmem>>, vector<1x16xf32>,
      %swap3A_466 = vector.shape_cast %swap3A_465 : vector<1x16xf32> to vector<16xf32>
      %swap3A_467 = vector.shape_cast %mul3A_458 : vector<16xf32> to vector<1x16xf32>
      tpu.vector_store %arg8[%swap3A_463, %swap3A_464], %swap3A_467 {strides = array<i32>} : memref<256x128xf32, #tpu.memory_space<vmem>>, vector<1x16xf32>,
      %mul3A_468 = arith.constant 2.000000e-02 : f32
      %mul3A_469 = vector.broadcast %mul3A_468 : f32 to vector<16xf32>
      %mul3A_470 = arith.mulf %parallel_loop3A_335#6, %mul3A_469 : vector<16xf32>
      %mul3A_471 = arith.constant 2 : i32
      %mul3A_472 = arith.muli %mul3A_471, %add3A_300 : i32
      %swap3A_473 = arith.index_cast %mul3A_472 : i32 to index
      %swap3A_474 = arith.constant 96 : index
      %swap3A_475 = tpu.vector_load %arg8[%swap3A_473, %swap3A_474] {strides = array<i32>} : memref<256x128xf32, #tpu.memory_space<vmem>>, vector<1x16xf32>,
      %swap3A_476 = vector.shape_cast %swap3A_475 : vector<1x16xf32> to vector<16xf32>
      %swap3A_477 = vector.shape_cast %mul3A_470 : vector<16xf32> to vector<1x16xf32>
      tpu.vector_store %arg8[%swap3A_473, %swap3A_474], %swap3A_477 {strides = array<i32>} : memref<256x128xf32, #tpu.memory_space<vmem>>, vector<1x16xf32>,
      %mul3A_478 = arith.constant 2.000000e-02 : f32
      %mul3A_479 = vector.broadcast %mul3A_478 : f32 to vector<16xf32>
      %mul3A_480 = arith.mulf %parallel_loop3A_335#14, %mul3A_479 : vector<16xf32>
      %mul3A_481 = arith.constant 2 : i32
      %mul3A_482 = arith.muli %mul3A_481, %add3A_300 : i32
      %add3A_483 = arith.constant 1 : i32
      %add3A_484 = arith.addi %mul3A_482, %add3A_483 : i32
      %swap3A_485 = arith.index_cast %add3A_484 : i32 to index
      %swap3A_486 = arith.constant 96 : index
      %swap3A_487 = tpu.vector_load %arg8[%swap3A_485, %swap3A_486] {strides = array<i32>} : memref<256x128xf32, #tpu.memory_space<vmem>>, vector<1x16xf32>,
      %swap3A_488 = vector.shape_cast %swap3A_487 : vector<1x16xf32> to vector<16xf32>
      %swap3A_489 = vector.shape_cast %mul3A_480 : vector<16xf32> to vector<1x16xf32>
      tpu.vector_store %arg8[%swap3A_485, %swap3A_486], %swap3A_489 {strides = array<i32>} : memref<256x128xf32, #tpu.memory_space<vmem>>, vector<1x16xf32>,
      %mul3A_490 = arith.constant 2.000000e-02 : f32
      %mul3A_491 = vector.broadcast %mul3A_490 : f32 to vector<16xf32>
      %mul3A_492 = arith.mulf %parallel_loop3A_335#7, %mul3A_491 : vector<16xf32>
      %mul3A_493 = arith.constant 2 : i32
      %mul3A_494 = arith.muli %mul3A_493, %add3A_300 : i32
      %swap3A_495 = arith.index_cast %mul3A_494 : i32 to index
      %swap3A_496 = arith.constant 112 : index
      %swap3A_497 = tpu.vector_load %arg8[%swap3A_495, %swap3A_496] {strides = array<i32>} : memref<256x128xf32, #tpu.memory_space<vmem>>, vector<1x16xf32>,
      %swap3A_498 = vector.shape_cast %swap3A_497 : vector<1x16xf32> to vector<16xf32>
      %swap3A_499 = vector.shape_cast %mul3A_492 : vector<16xf32> to vector<1x16xf32>
      tpu.vector_store %arg8[%swap3A_495, %swap3A_496], %swap3A_499 {strides = array<i32>} : memref<256x128xf32, #tpu.memory_space<vmem>>, vector<1x16xf32>,
      %mul3A_500 = arith.constant 2.000000e-02 : f32
      %mul3A_501 = vector.broadcast %mul3A_500 : f32 to vector<16xf32>
      %mul3A_502 = arith.mulf %parallel_loop3A_335#15, %mul3A_501 : vector<16xf32>
      %mul3A_503 = arith.constant 2 : i32
      %mul3A_504 = arith.muli %mul3A_503, %add3A_300 : i32
      %add3A_505 = arith.constant 1 : i32
      %add3A_506 = arith.addi %mul3A_504, %add3A_505 : i32
      %swap3A_507 = arith.index_cast %add3A_506 : i32 to index
      %swap3A_508 = arith.constant 112 : index
      %swap3A_509 = tpu.vector_load %arg8[%swap3A_507, %swap3A_508] {strides = array<i32>} : memref<256x128xf32, #tpu.memory_space<vmem>>, vector<1x16xf32>,
      %swap3A_510 = vector.shape_cast %swap3A_509 : vector<1x16xf32> to vector<16xf32>
      %swap3A_511 = vector.shape_cast %mul3A_502 : vector<16xf32> to vector<1x16xf32>
      tpu.vector_store %arg8[%swap3A_507, %swap3A_508], %swap3A_511 {strides = array<i32>} : memref<256x128xf32, #tpu.memory_space<vmem>>, vector<1x16xf32>,
      %add3A_512 = arith.constant 4 : i32
      %add3A_513 = arith.addi %add3A_300, %add3A_512 : i32
      %lt3A_514 = arith.constant 128 : i32
      %lt3A_515 = arith.cmpi slt, %add3A_513, %lt3A_514 : i32
      %convert_element_type3A_516 = arith.extui %lt3A_515 : i1 to i32
      %cond3A_517 = arith.constant 0 : i32
      %cond3A_518 = arith.cmpi ne, %convert_element_type3A_516, %cond3A_517 : i32
      scf.if %cond3A_518 {
        %dma_start3A_967 = arith.constant 1 : i32
        %dma_start3A_968 = arith.constant 1 : i32
        %dma_start3A_969 = arith.constant 0 : i32
        %dma_start3A_970 = arith.constant 0 : i32
        %dma_start3A_971 = tpu.memref_slice %arg7[%dma_start3A_967, %dma_start3A_969, %dma_start3A_970] : memref<4x100x128xf32, #tpu.memory_space<vmem>> -> memref<1x100x128xf32, #tpu.memory_space<vmem>>
        %dma_start3A_972 = tpu.memref_squeeze %dma_start3A_971 : memref<1x100x128xf32, #tpu.memory_space<vmem>> -> memref<100x128xf32, #tpu.memory_space<vmem>>
        %dma_start3A_973 = arith.constant 0 : i32
        %dma_start3A_974 = tpu.memref_slice %arg6[%add3A_513, %dma_start3A_973] : memref<128x100xi32, #tpu.memory_space<vmem>> -> memref<1x100xi32, #tpu.memory_space<vmem>>
        %dma_start3A_975 = tpu.memref_squeeze %dma_start3A_974 : memref<1x100xi32, #tpu.memory_space<vmem>> -> memref<100xi32, #tpu.memory_space<vmem>>
        %dma_start3A_976 = arith.constant 0 : i32
        %dma_start3A_977 = arith.constant 0 : i32
        %dma_start3A_978 = tpu.memref_slice %arg3[%dma_start3A_976, %dma_start3A_977] : memref<100000x128xf32, #tpu.memory_space<hbm>> -> memref<100000x128xf32, #tpu.memory_space<hbm>>
        %dma_start3A_979 = tpu.memref_slice %arg9[%dma_start3A_968] : memref<4x!tpu.dma_semaphore, #tpu.memory_space<semaphore_mem>> -> memref<1x!tpu.dma_semaphore, #tpu.memory_space<semaphore_mem>>
        %dma_start3A_980 = tpu.memref_squeeze %dma_start3A_979 : memref<1x!tpu.dma_semaphore, #tpu.memory_space<semaphore_mem>> -> memref<!tpu.dma_semaphore, #tpu.memory_space<semaphore_mem>>
        tpu.enqueue_indirect_dma source(%dma_start3A_978 : memref<100000x128xf32, #tpu.memory_space<hbm>>) target(%dma_start3A_972 : memref<100x128xf32, #tpu.memory_space<vmem>>) offsets(%dma_start3A_975 : memref<100xi32, #tpu.memory_space<vmem>>) semaphore(%dma_start3A_980 : memref<!tpu.dma_semaphore, #tpu.memory_space<semaphore_mem>>)
      } else {
      }
      %mul3A_519 = arith.constant 4 : i32
      %mul3A_520 = arith.muli %scan3A_80, %mul3A_519 : i32
      %add3A_521 = arith.constant 2 : i32
      %add3A_522 = arith.addi %mul3A_520, %add3A_521 : i32
      %dma_wait3A_523 = arith.constant 0 : i32
      %dma_wait3A_524 = arith.constant 2 : i32
      %dma_wait3A_525 = arith.constant 2 : i32
      %dma_wait3A_526 = arith.constant 0 : i32
      %dma_wait3A_527 = arith.constant 0 : i32
      %dma_wait3A_528 = tpu.memref_slice %arg7[%dma_wait3A_524, %dma_wait3A_526, %dma_wait3A_527] : memref<4x100x128xf32, #tpu.memory_space<vmem>> -> memref<1x100x128xf32, #tpu.memory_space<vmem>>
      %dma_wait3A_529 = tpu.memref_squeeze %dma_wait3A_528 : memref<1x100x128xf32, #tpu.memory_space<vmem>> -> memref<100x128xf32, #tpu.memory_space<vmem>>
      %dma_wait3A_530 = arith.constant 0 : i32
      %dma_wait3A_531 = tpu.memref_slice %arg6[%dma_wait3A_523, %dma_wait3A_530] : memref<128x100xi32, #tpu.memory_space<vmem>> -> memref<1x100xi32, #tpu.memory_space<vmem>>
      %dma_wait3A_532 = tpu.memref_squeeze %dma_wait3A_531 : memref<1x100xi32, #tpu.memory_space<vmem>> -> memref<100xi32, #tpu.memory_space<vmem>>
      %dma_wait3A_533 = arith.constant 0 : i32
      %dma_wait3A_534 = arith.constant 0 : i32
      %dma_wait3A_535 = tpu.memref_slice %arg3[%dma_wait3A_533, %dma_wait3A_534] : memref<100000x128xf32, #tpu.memory_space<hbm>> -> memref<100000x128xf32, #tpu.memory_space<hbm>>
      %dma_wait3A_536 = tpu.memref_slice %arg9[%dma_wait3A_525] : memref<4x!tpu.dma_semaphore, #tpu.memory_space<semaphore_mem>> -> memref<1x!tpu.dma_semaphore, #tpu.memory_space<semaphore_mem>>
      %dma_wait3A_537 = tpu.memref_squeeze %dma_wait3A_536 : memref<1x!tpu.dma_semaphore, #tpu.memory_space<semaphore_mem>> -> memref<!tpu.dma_semaphore, #tpu.memory_space<semaphore_mem>>
      tpu.wait_indirect_dma semaphore(%dma_wait3A_537 : memref<!tpu.dma_semaphore, #tpu.memory_space<semaphore_mem>>) src(%dma_wait3A_535 : memref<100000x128xf32, #tpu.memory_space<hbm>>) dst(%dma_wait3A_529 : memref<100x128xf32, #tpu.memory_space<vmem>>)
      %broadcast_in_dim3A_538 = arith.constant 0.000000e+00 : f32
      %broadcast_in_dim3A_539 = vector.broadcast %broadcast_in_dim3A_538 : f32 to vector<16xf32>
      %broadcast_in_dim3A_540 = arith.constant 0.000000e+00 : f32
      %broadcast_in_dim3A_541 = vector.broadcast %broadcast_in_dim3A_540 : f32 to vector<16xf32>
      %broadcast_in_dim3A_542 = arith.constant 0.000000e+00 : f32
      %broadcast_in_dim3A_543 = vector.broadcast %broadcast_in_dim3A_542 : f32 to vector<16xf32>
      %broadcast_in_dim3A_544 = arith.constant 0.000000e+00 : f32
      %broadcast_in_dim3A_545 = vector.broadcast %broadcast_in_dim3A_544 : f32 to vector<16xf32>
      %broadcast_in_dim3A_546 = arith.constant 0.000000e+00 : f32
      %broadcast_in_dim3A_547 = vector.broadcast %broadcast_in_dim3A_546 : f32 to vector<16xf32>
      %broadcast_in_dim3A_548 = arith.constant 0.000000e+00 : f32
      %broadcast_in_dim3A_549 = vector.broadcast %broadcast_in_dim3A_548 : f32 to vector<16xf32>
      %broadcast_in_dim3A_550 = arith.constant 0.000000e+00 : f32
      %broadcast_in_dim3A_551 = vector.broadcast %broadcast_in_dim3A_550 : f32 to vector<16xf32>
      %broadcast_in_dim3A_552 = arith.constant 0.000000e+00 : f32
      %broadcast_in_dim3A_553 = vector.broadcast %broadcast_in_dim3A_552 : f32 to vector<16xf32>
      %parallel_loop3A_554 = arith.constant 0 : i32
      %parallel_loop3A_555 = arith.constant 50 : i32
      %parallel_loop3A_556 = arith.constant 1 : i32
      %parallel_loop3A_557:16 = scf.for %parallel_loop3A_967 = %parallel_loop3A_554 to %parallel_loop3A_555 step %parallel_loop3A_556 iter_args(%parallel_loop3A_968 = %broadcast_in_dim3A_539, %parallel_loop3A_969 = %broadcast_in_dim3A_541, %parallel_loop3A_970 = %broadcast_in_dim3A_543, %parallel_loop3A_971 = %broadcast_in_dim3A_545, %parallel_loop3A_972 = %broadcast_in_dim3A_547, %parallel_loop3A_973 = %broadcast_in_dim3A_549, %parallel_loop3A_974 = %broadcast_in_dim3A_551, %parallel_loop3A_975 = %broadcast_in_dim3A_553, %parallel_loop3A_976 = %broadcast_in_dim3A_539, %parallel_loop3A_977 = %broadcast_in_dim3A_541, %parallel_loop3A_978 = %broadcast_in_dim3A_543, %parallel_loop3A_979 = %broadcast_in_dim3A_545, %parallel_loop3A_980 = %broadcast_in_dim3A_547, %parallel_loop3A_981 = %broadcast_in_dim3A_549, %parallel_loop3A_982 = %broadcast_in_dim3A_551, %parallel_loop3A_983 = %broadcast_in_dim3A_553) -> (vector<16xf32>, vector<16xf32>, vector<16xf32>, vector<16xf32>, vector<16xf32>, vector<16xf32>, vector<16xf32>, vector<16xf32>, vector<16xf32>, vector<16xf32>, vector<16xf32>, vector<16xf32>, vector<16xf32>, vector<16xf32>, vector<16xf32>, vector<16xf32>)  : i32 {
        %parallel_loop3A_984 = arith.constant 2 : i32
        %parallel_loop3A_985 = arith.index_cast %parallel_loop3A_984 : i32 to index
        %parallel_loop3A_986 = arith.index_cast %parallel_loop3A_967 : i32 to index
        %parallel_loop3A_987 = arith.constant 0 : index
        %parallel_loop3A_988 = tpu.vector_load %arg7[%parallel_loop3A_985, %parallel_loop3A_986, %parallel_loop3A_987] {strides = array<i32>} : memref<4x100x128xf32, #tpu.memory_space<vmem>>, vector<1x1x16xf32>,
        %parallel_loop3A_989 = vector.shape_cast %parallel_loop3A_988 : vector<1x1x16xf32> to vector<16xf32>
        %parallel_loop3A_990 = arith.addf %parallel_loop3A_968, %parallel_loop3A_989 : vector<16xf32>
        %parallel_loop3A_991 = arith.constant 2 : i32
        %parallel_loop3A_992 = arith.index_cast %parallel_loop3A_991 : i32 to index
        %parallel_loop3A_993 = arith.index_cast %parallel_loop3A_967 : i32 to index
        %parallel_loop3A_994 = arith.constant 16 : index
        %parallel_loop3A_995 = tpu.vector_load %arg7[%parallel_loop3A_992, %parallel_loop3A_993, %parallel_loop3A_994] {strides = array<i32>} : memref<4x100x128xf32, #tpu.memory_space<vmem>>, vector<1x1x16xf32>,
        %parallel_loop3A_996 = vector.shape_cast %parallel_loop3A_995 : vector<1x1x16xf32> to vector<16xf32>
        %parallel_loop3A_997 = arith.addf %parallel_loop3A_969, %parallel_loop3A_996 : vector<16xf32>
        %parallel_loop3A_998 = arith.constant 2 : i32
        %parallel_loop3A_999 = arith.index_cast %parallel_loop3A_998 : i32 to index
        %parallel_loop3A_1000 = arith.index_cast %parallel_loop3A_967 : i32 to index
        %parallel_loop3A_1001 = arith.constant 32 : index
        %parallel_loop3A_1002 = tpu.vector_load %arg7[%parallel_loop3A_999, %parallel_loop3A_1000, %parallel_loop3A_1001] {strides = array<i32>} : memref<4x100x128xf32, #tpu.memory_space<vmem>>, vector<1x1x16xf32>,
        %parallel_loop3A_1003 = vector.shape_cast %parallel_loop3A_1002 : vector<1x1x16xf32> to vector<16xf32>
        %parallel_loop3A_1004 = arith.addf %parallel_loop3A_970, %parallel_loop3A_1003 : vector<16xf32>
        %parallel_loop3A_1005 = arith.constant 2 : i32
        %parallel_loop3A_1006 = arith.index_cast %parallel_loop3A_1005 : i32 to index
        %parallel_loop3A_1007 = arith.index_cast %parallel_loop3A_967 : i32 to index
        %parallel_loop3A_1008 = arith.constant 48 : index
        %parallel_loop3A_1009 = tpu.vector_load %arg7[%parallel_loop3A_1006, %parallel_loop3A_1007, %parallel_loop3A_1008] {strides = array<i32>} : memref<4x100x128xf32, #tpu.memory_space<vmem>>, vector<1x1x16xf32>,
        %parallel_loop3A_1010 = vector.shape_cast %parallel_loop3A_1009 : vector<1x1x16xf32> to vector<16xf32>
        %parallel_loop3A_1011 = arith.addf %parallel_loop3A_971, %parallel_loop3A_1010 : vector<16xf32>
        %parallel_loop3A_1012 = arith.constant 2 : i32
        %parallel_loop3A_1013 = arith.index_cast %parallel_loop3A_1012 : i32 to index
        %parallel_loop3A_1014 = arith.index_cast %parallel_loop3A_967 : i32 to index
        %parallel_loop3A_1015 = arith.constant 64 : index
        %parallel_loop3A_1016 = tpu.vector_load %arg7[%parallel_loop3A_1013, %parallel_loop3A_1014, %parallel_loop3A_1015] {strides = array<i32>} : memref<4x100x128xf32, #tpu.memory_space<vmem>>, vector<1x1x16xf32>,
        %parallel_loop3A_1017 = vector.shape_cast %parallel_loop3A_1016 : vector<1x1x16xf32> to vector<16xf32>
        %parallel_loop3A_1018 = arith.addf %parallel_loop3A_972, %parallel_loop3A_1017 : vector<16xf32>
        %parallel_loop3A_1019 = arith.constant 2 : i32
        %parallel_loop3A_1020 = arith.index_cast %parallel_loop3A_1019 : i32 to index
        %parallel_loop3A_1021 = arith.index_cast %parallel_loop3A_967 : i32 to index
        %parallel_loop3A_1022 = arith.constant 80 : index
        %parallel_loop3A_1023 = tpu.vector_load %arg7[%parallel_loop3A_1020, %parallel_loop3A_1021, %parallel_loop3A_1022] {strides = array<i32>} : memref<4x100x128xf32, #tpu.memory_space<vmem>>, vector<1x1x16xf32>,
        %parallel_loop3A_1024 = vector.shape_cast %parallel_loop3A_1023 : vector<1x1x16xf32> to vector<16xf32>
        %parallel_loop3A_1025 = arith.addf %parallel_loop3A_973, %parallel_loop3A_1024 : vector<16xf32>
        %parallel_loop3A_1026 = arith.constant 2 : i32
        %parallel_loop3A_1027 = arith.index_cast %parallel_loop3A_1026 : i32 to index
        %parallel_loop3A_1028 = arith.index_cast %parallel_loop3A_967 : i32 to index
        %parallel_loop3A_1029 = arith.constant 96 : index
        %parallel_loop3A_1030 = tpu.vector_load %arg7[%parallel_loop3A_1027, %parallel_loop3A_1028, %parallel_loop3A_1029] {strides = array<i32>} : memref<4x100x128xf32, #tpu.memory_space<vmem>>, vector<1x1x16xf32>,
        %parallel_loop3A_1031 = vector.shape_cast %parallel_loop3A_1030 : vector<1x1x16xf32> to vector<16xf32>
        %parallel_loop3A_1032 = arith.addf %parallel_loop3A_974, %parallel_loop3A_1031 : vector<16xf32>
        %parallel_loop3A_1033 = arith.constant 2 : i32
        %parallel_loop3A_1034 = arith.index_cast %parallel_loop3A_1033 : i32 to index
        %parallel_loop3A_1035 = arith.index_cast %parallel_loop3A_967 : i32 to index
        %parallel_loop3A_1036 = arith.constant 112 : index
        %parallel_loop3A_1037 = tpu.vector_load %arg7[%parallel_loop3A_1034, %parallel_loop3A_1035, %parallel_loop3A_1036] {strides = array<i32>} : memref<4x100x128xf32, #tpu.memory_space<vmem>>, vector<1x1x16xf32>,
        %parallel_loop3A_1038 = vector.shape_cast %parallel_loop3A_1037 : vector<1x1x16xf32> to vector<16xf32>
        %parallel_loop3A_1039 = arith.addf %parallel_loop3A_975, %parallel_loop3A_1038 : vector<16xf32>
        %parallel_loop3A_1040 = arith.constant 50 : i32
        %parallel_loop3A_1041 = arith.addi %parallel_loop3A_967, %parallel_loop3A_1040 : i32
        %parallel_loop3A_1042 = arith.constant 2 : i32
        %parallel_loop3A_1043 = arith.index_cast %parallel_loop3A_1042 : i32 to index
        %parallel_loop3A_1044 = arith.index_cast %parallel_loop3A_1041 : i32 to index
        %parallel_loop3A_1045 = arith.constant 0 : index
        %parallel_loop3A_1046 = tpu.vector_load %arg7[%parallel_loop3A_1043, %parallel_loop3A_1044, %parallel_loop3A_1045] {strides = array<i32>} : memref<4x100x128xf32, #tpu.memory_space<vmem>>, vector<1x1x16xf32>,
        %parallel_loop3A_1047 = vector.shape_cast %parallel_loop3A_1046 : vector<1x1x16xf32> to vector<16xf32>
        %parallel_loop3A_1048 = arith.addf %parallel_loop3A_976, %parallel_loop3A_1047 : vector<16xf32>
        %parallel_loop3A_1049 = arith.constant 50 : i32
        %parallel_loop3A_1050 = arith.addi %parallel_loop3A_967, %parallel_loop3A_1049 : i32
        %parallel_loop3A_1051 = arith.constant 2 : i32
        %parallel_loop3A_1052 = arith.index_cast %parallel_loop3A_1051 : i32 to index
        %parallel_loop3A_1053 = arith.index_cast %parallel_loop3A_1050 : i32 to index
        %parallel_loop3A_1054 = arith.constant 16 : index
        %parallel_loop3A_1055 = tpu.vector_load %arg7[%parallel_loop3A_1052, %parallel_loop3A_1053, %parallel_loop3A_1054] {strides = array<i32>} : memref<4x100x128xf32, #tpu.memory_space<vmem>>, vector<1x1x16xf32>,
        %parallel_loop3A_1056 = vector.shape_cast %parallel_loop3A_1055 : vector<1x1x16xf32> to vector<16xf32>
        %parallel_loop3A_1057 = arith.addf %parallel_loop3A_977, %parallel_loop3A_1056 : vector<16xf32>
        %parallel_loop3A_1058 = arith.constant 50 : i32
        %parallel_loop3A_1059 = arith.addi %parallel_loop3A_967, %parallel_loop3A_1058 : i32
        %parallel_loop3A_1060 = arith.constant 2 : i32
        %parallel_loop3A_1061 = arith.index_cast %parallel_loop3A_1060 : i32 to index
        %parallel_loop3A_1062 = arith.index_cast %parallel_loop3A_1059 : i32 to index
        %parallel_loop3A_1063 = arith.constant 32 : index
        %parallel_loop3A_1064 = tpu.vector_load %arg7[%parallel_loop3A_1061, %parallel_loop3A_1062, %parallel_loop3A_1063] {strides = array<i32>} : memref<4x100x128xf32, #tpu.memory_space<vmem>>, vector<1x1x16xf32>,
        %parallel_loop3A_1065 = vector.shape_cast %parallel_loop3A_1064 : vector<1x1x16xf32> to vector<16xf32>
        %parallel_loop3A_1066 = arith.addf %parallel_loop3A_978, %parallel_loop3A_1065 : vector<16xf32>
        %parallel_loop3A_1067 = arith.constant 50 : i32
        %parallel_loop3A_1068 = arith.addi %parallel_loop3A_967, %parallel_loop3A_1067 : i32
        %parallel_loop3A_1069 = arith.constant 2 : i32
        %parallel_loop3A_1070 = arith.index_cast %parallel_loop3A_1069 : i32 to index
        %parallel_loop3A_1071 = arith.index_cast %parallel_loop3A_1068 : i32 to index
        %parallel_loop3A_1072 = arith.constant 48 : index
        %parallel_loop3A_1073 = tpu.vector_load %arg7[%parallel_loop3A_1070, %parallel_loop3A_1071, %parallel_loop3A_1072] {strides = array<i32>} : memref<4x100x128xf32, #tpu.memory_space<vmem>>, vector<1x1x16xf32>,
        %parallel_loop3A_1074 = vector.shape_cast %parallel_loop3A_1073 : vector<1x1x16xf32> to vector<16xf32>
        %parallel_loop3A_1075 = arith.addf %parallel_loop3A_979, %parallel_loop3A_1074 : vector<16xf32>
        %parallel_loop3A_1076 = arith.constant 50 : i32
        %parallel_loop3A_1077 = arith.addi %parallel_loop3A_967, %parallel_loop3A_1076 : i32
        %parallel_loop3A_1078 = arith.constant 2 : i32
        %parallel_loop3A_1079 = arith.index_cast %parallel_loop3A_1078 : i32 to index
        %parallel_loop3A_1080 = arith.index_cast %parallel_loop3A_1077 : i32 to index
        %parallel_loop3A_1081 = arith.constant 64 : index
        %parallel_loop3A_1082 = tpu.vector_load %arg7[%parallel_loop3A_1079, %parallel_loop3A_1080, %parallel_loop3A_1081] {strides = array<i32>} : memref<4x100x128xf32, #tpu.memory_space<vmem>>, vector<1x1x16xf32>,
        %parallel_loop3A_1083 = vector.shape_cast %parallel_loop3A_1082 : vector<1x1x16xf32> to vector<16xf32>
        %parallel_loop3A_1084 = arith.addf %parallel_loop3A_980, %parallel_loop3A_1083 : vector<16xf32>
        %parallel_loop3A_1085 = arith.constant 50 : i32
        %parallel_loop3A_1086 = arith.addi %parallel_loop3A_967, %parallel_loop3A_1085 : i32
        %parallel_loop3A_1087 = arith.constant 2 : i32
        %parallel_loop3A_1088 = arith.index_cast %parallel_loop3A_1087 : i32 to index
        %parallel_loop3A_1089 = arith.index_cast %parallel_loop3A_1086 : i32 to index
        %parallel_loop3A_1090 = arith.constant 80 : index
        %parallel_loop3A_1091 = tpu.vector_load %arg7[%parallel_loop3A_1088, %parallel_loop3A_1089, %parallel_loop3A_1090] {strides = array<i32>} : memref<4x100x128xf32, #tpu.memory_space<vmem>>, vector<1x1x16xf32>,
        %parallel_loop3A_1092 = vector.shape_cast %parallel_loop3A_1091 : vector<1x1x16xf32> to vector<16xf32>
        %parallel_loop3A_1093 = arith.addf %parallel_loop3A_981, %parallel_loop3A_1092 : vector<16xf32>
        %parallel_loop3A_1094 = arith.constant 50 : i32
        %parallel_loop3A_1095 = arith.addi %parallel_loop3A_967, %parallel_loop3A_1094 : i32
        %parallel_loop3A_1096 = arith.constant 2 : i32
        %parallel_loop3A_1097 = arith.index_cast %parallel_loop3A_1096 : i32 to index
        %parallel_loop3A_1098 = arith.index_cast %parallel_loop3A_1095 : i32 to index
        %parallel_loop3A_1099 = arith.constant 96 : index
        %parallel_loop3A_1100 = tpu.vector_load %arg7[%parallel_loop3A_1097, %parallel_loop3A_1098, %parallel_loop3A_1099] {strides = array<i32>} : memref<4x100x128xf32, #tpu.memory_space<vmem>>, vector<1x1x16xf32>,
        %parallel_loop3A_1101 = vector.shape_cast %parallel_loop3A_1100 : vector<1x1x16xf32> to vector<16xf32>
        %parallel_loop3A_1102 = arith.addf %parallel_loop3A_982, %parallel_loop3A_1101 : vector<16xf32>
        %parallel_loop3A_1103 = arith.constant 50 : i32
        %parallel_loop3A_1104 = arith.addi %parallel_loop3A_967, %parallel_loop3A_1103 : i32
        %parallel_loop3A_1105 = arith.constant 2 : i32
        %parallel_loop3A_1106 = arith.index_cast %parallel_loop3A_1105 : i32 to index
        %parallel_loop3A_1107 = arith.index_cast %parallel_loop3A_1104 : i32 to index
        %parallel_loop3A_1108 = arith.constant 112 : index
        %parallel_loop3A_1109 = tpu.vector_load %arg7[%parallel_loop3A_1106, %parallel_loop3A_1107, %parallel_loop3A_1108] {strides = array<i32>} : memref<4x100x128xf32, #tpu.memory_space<vmem>>, vector<1x1x16xf32>,
        %parallel_loop3A_1110 = vector.shape_cast %parallel_loop3A_1109 : vector<1x1x16xf32> to vector<16xf32>
        %parallel_loop3A_1111 = arith.addf %parallel_loop3A_983, %parallel_loop3A_1110 : vector<16xf32>
        scf.yield %parallel_loop3A_990, %parallel_loop3A_997, %parallel_loop3A_1004, %parallel_loop3A_1011, %parallel_loop3A_1018, %parallel_loop3A_1025, %parallel_loop3A_1032, %parallel_loop3A_1039, %parallel_loop3A_1048, %parallel_loop3A_1057, %parallel_loop3A_1066, %parallel_loop3A_1075, %parallel_loop3A_1084, %parallel_loop3A_1093, %parallel_loop3A_1102, %parallel_loop3A_1111 : vector<16xf32>, vector<16xf32>, vector<16xf32>, vector<16xf32>, vector<16xf32>, vector<16xf32>, vector<16xf32>, vector<16xf32>, vector<16xf32>, vector<16xf32>, vector<16xf32>, vector<16xf32>, vector<16xf32>, vector<16xf32>, vector<16xf32>, vector<16xf32>
      } {sc.loop_unroll_factor = 4 : i64, sc.parallel_access}
      %mul3A_558 = arith.constant 2.000000e-02 : f32
      %mul3A_559 = vector.broadcast %mul3A_558 : f32 to vector<16xf32>
      %mul3A_560 = arith.mulf %parallel_loop3A_557#0, %mul3A_559 : vector<16xf32>
      %mul3A_561 = arith.constant 2 : i32
      %mul3A_562 = arith.muli %mul3A_561, %add3A_522 : i32
      %swap3A_563 = arith.index_cast %mul3A_562 : i32 to index
      %swap3A_564 = arith.constant 0 : index
      %swap3A_565 = tpu.vector_load %arg8[%swap3A_563, %swap3A_564] {strides = array<i32>} : memref<256x128xf32, #tpu.memory_space<vmem>>, vector<1x16xf32>,
      %swap3A_566 = vector.shape_cast %swap3A_565 : vector<1x16xf32> to vector<16xf32>
      %swap3A_567 = vector.shape_cast %mul3A_560 : vector<16xf32> to vector<1x16xf32>
      tpu.vector_store %arg8[%swap3A_563, %swap3A_564], %swap3A_567 {strides = array<i32>} : memref<256x128xf32, #tpu.memory_space<vmem>>, vector<1x16xf32>,
      %mul3A_568 = arith.constant 2.000000e-02 : f32
      %mul3A_569 = vector.broadcast %mul3A_568 : f32 to vector<16xf32>
      %mul3A_570 = arith.mulf %parallel_loop3A_557#8, %mul3A_569 : vector<16xf32>
      %mul3A_571 = arith.constant 2 : i32
      %mul3A_572 = arith.muli %mul3A_571, %add3A_522 : i32
      %add3A_573 = arith.constant 1 : i32
      %add3A_574 = arith.addi %mul3A_572, %add3A_573 : i32
      %swap3A_575 = arith.index_cast %add3A_574 : i32 to index
      %swap3A_576 = arith.constant 0 : index
      %swap3A_577 = tpu.vector_load %arg8[%swap3A_575, %swap3A_576] {strides = array<i32>} : memref<256x128xf32, #tpu.memory_space<vmem>>, vector<1x16xf32>,
      %swap3A_578 = vector.shape_cast %swap3A_577 : vector<1x16xf32> to vector<16xf32>
      %swap3A_579 = vector.shape_cast %mul3A_570 : vector<16xf32> to vector<1x16xf32>
      tpu.vector_store %arg8[%swap3A_575, %swap3A_576], %swap3A_579 {strides = array<i32>} : memref<256x128xf32, #tpu.memory_space<vmem>>, vector<1x16xf32>,
      %mul3A_580 = arith.constant 2.000000e-02 : f32
      %mul3A_581 = vector.broadcast %mul3A_580 : f32 to vector<16xf32>
      %mul3A_582 = arith.mulf %parallel_loop3A_557#1, %mul3A_581 : vector<16xf32>
      %mul3A_583 = arith.constant 2 : i32
      %mul3A_584 = arith.muli %mul3A_583, %add3A_522 : i32
      %swap3A_585 = arith.index_cast %mul3A_584 : i32 to index
      %swap3A_586 = arith.constant 16 : index
      %swap3A_587 = tpu.vector_load %arg8[%swap3A_585, %swap3A_586] {strides = array<i32>} : memref<256x128xf32, #tpu.memory_space<vmem>>, vector<1x16xf32>,
      %swap3A_588 = vector.shape_cast %swap3A_587 : vector<1x16xf32> to vector<16xf32>
      %swap3A_589 = vector.shape_cast %mul3A_582 : vector<16xf32> to vector<1x16xf32>
      tpu.vector_store %arg8[%swap3A_585, %swap3A_586], %swap3A_589 {strides = array<i32>} : memref<256x128xf32, #tpu.memory_space<vmem>>, vector<1x16xf32>,
      %mul3A_590 = arith.constant 2.000000e-02 : f32
      %mul3A_591 = vector.broadcast %mul3A_590 : f32 to vector<16xf32>
      %mul3A_592 = arith.mulf %parallel_loop3A_557#9, %mul3A_591 : vector<16xf32>
      %mul3A_593 = arith.constant 2 : i32
      %mul3A_594 = arith.muli %mul3A_593, %add3A_522 : i32
      %add3A_595 = arith.constant 1 : i32
      %add3A_596 = arith.addi %mul3A_594, %add3A_595 : i32
      %swap3A_597 = arith.index_cast %add3A_596 : i32 to index
      %swap3A_598 = arith.constant 16 : index
      %swap3A_599 = tpu.vector_load %arg8[%swap3A_597, %swap3A_598] {strides = array<i32>} : memref<256x128xf32, #tpu.memory_space<vmem>>, vector<1x16xf32>,
      %swap3A_600 = vector.shape_cast %swap3A_599 : vector<1x16xf32> to vector<16xf32>
      %swap3A_601 = vector.shape_cast %mul3A_592 : vector<16xf32> to vector<1x16xf32>
      tpu.vector_store %arg8[%swap3A_597, %swap3A_598], %swap3A_601 {strides = array<i32>} : memref<256x128xf32, #tpu.memory_space<vmem>>, vector<1x16xf32>,
      %mul3A_602 = arith.constant 2.000000e-02 : f32
      %mul3A_603 = vector.broadcast %mul3A_602 : f32 to vector<16xf32>
      %mul3A_604 = arith.mulf %parallel_loop3A_557#2, %mul3A_603 : vector<16xf32>
      %mul3A_605 = arith.constant 2 : i32
      %mul3A_606 = arith.muli %mul3A_605, %add3A_522 : i32
      %swap3A_607 = arith.index_cast %mul3A_606 : i32 to index
      %swap3A_608 = arith.constant 32 : index
      %swap3A_609 = tpu.vector_load %arg8[%swap3A_607, %swap3A_608] {strides = array<i32>} : memref<256x128xf32, #tpu.memory_space<vmem>>, vector<1x16xf32>,
      %swap3A_610 = vector.shape_cast %swap3A_609 : vector<1x16xf32> to vector<16xf32>
      %swap3A_611 = vector.shape_cast %mul3A_604 : vector<16xf32> to vector<1x16xf32>
      tpu.vector_store %arg8[%swap3A_607, %swap3A_608], %swap3A_611 {strides = array<i32>} : memref<256x128xf32, #tpu.memory_space<vmem>>, vector<1x16xf32>,
      %mul3A_612 = arith.constant 2.000000e-02 : f32
      %mul3A_613 = vector.broadcast %mul3A_612 : f32 to vector<16xf32>
      %mul3A_614 = arith.mulf %parallel_loop3A_557#10, %mul3A_613 : vector<16xf32>
      %mul3A_615 = arith.constant 2 : i32
      %mul3A_616 = arith.muli %mul3A_615, %add3A_522 : i32
      %add3A_617 = arith.constant 1 : i32
      %add3A_618 = arith.addi %mul3A_616, %add3A_617 : i32
      %swap3A_619 = arith.index_cast %add3A_618 : i32 to index
      %swap3A_620 = arith.constant 32 : index
      %swap3A_621 = tpu.vector_load %arg8[%swap3A_619, %swap3A_620] {strides = array<i32>} : memref<256x128xf32, #tpu.memory_space<vmem>>, vector<1x16xf32>,
      %swap3A_622 = vector.shape_cast %swap3A_621 : vector<1x16xf32> to vector<16xf32>
      %swap3A_623 = vector.shape_cast %mul3A_614 : vector<16xf32> to vector<1x16xf32>
      tpu.vector_store %arg8[%swap3A_619, %swap3A_620], %swap3A_623 {strides = array<i32>} : memref<256x128xf32, #tpu.memory_space<vmem>>, vector<1x16xf32>,
      %mul3A_624 = arith.constant 2.000000e-02 : f32
      %mul3A_625 = vector.broadcast %mul3A_624 : f32 to vector<16xf32>
      %mul3A_626 = arith.mulf %parallel_loop3A_557#3, %mul3A_625 : vector<16xf32>
      %mul3A_627 = arith.constant 2 : i32
      %mul3A_628 = arith.muli %mul3A_627, %add3A_522 : i32
      %swap3A_629 = arith.index_cast %mul3A_628 : i32 to index
      %swap3A_630 = arith.constant 48 : index
      %swap3A_631 = tpu.vector_load %arg8[%swap3A_629, %swap3A_630] {strides = array<i32>} : memref<256x128xf32, #tpu.memory_space<vmem>>, vector<1x16xf32>,
      %swap3A_632 = vector.shape_cast %swap3A_631 : vector<1x16xf32> to vector<16xf32>
      %swap3A_633 = vector.shape_cast %mul3A_626 : vector<16xf32> to vector<1x16xf32>
      tpu.vector_store %arg8[%swap3A_629, %swap3A_630], %swap3A_633 {strides = array<i32>} : memref<256x128xf32, #tpu.memory_space<vmem>>, vector<1x16xf32>,
      %mul3A_634 = arith.constant 2.000000e-02 : f32
      %mul3A_635 = vector.broadcast %mul3A_634 : f32 to vector<16xf32>
      %mul3A_636 = arith.mulf %parallel_loop3A_557#11, %mul3A_635 : vector<16xf32>
      %mul3A_637 = arith.constant 2 : i32
      %mul3A_638 = arith.muli %mul3A_637, %add3A_522 : i32
      %add3A_639 = arith.constant 1 : i32
      %add3A_640 = arith.addi %mul3A_638, %add3A_639 : i32
      %swap3A_641 = arith.index_cast %add3A_640 : i32 to index
      %swap3A_642 = arith.constant 48 : index
      %swap3A_643 = tpu.vector_load %arg8[%swap3A_641, %swap3A_642] {strides = array<i32>} : memref<256x128xf32, #tpu.memory_space<vmem>>, vector<1x16xf32>,
      %swap3A_644 = vector.shape_cast %swap3A_643 : vector<1x16xf32> to vector<16xf32>
      %swap3A_645 = vector.shape_cast %mul3A_636 : vector<16xf32> to vector<1x16xf32>
      tpu.vector_store %arg8[%swap3A_641, %swap3A_642], %swap3A_645 {strides = array<i32>} : memref<256x128xf32, #tpu.memory_space<vmem>>, vector<1x16xf32>,
      %mul3A_646 = arith.constant 2.000000e-02 : f32
      %mul3A_647 = vector.broadcast %mul3A_646 : f32 to vector<16xf32>
      %mul3A_648 = arith.mulf %parallel_loop3A_557#4, %mul3A_647 : vector<16xf32>
      %mul3A_649 = arith.constant 2 : i32
      %mul3A_650 = arith.muli %mul3A_649, %add3A_522 : i32
      %swap3A_651 = arith.index_cast %mul3A_650 : i32 to index
      %swap3A_652 = arith.constant 64 : index
      %swap3A_653 = tpu.vector_load %arg8[%swap3A_651, %swap3A_652] {strides = array<i32>} : memref<256x128xf32, #tpu.memory_space<vmem>>, vector<1x16xf32>,
      %swap3A_654 = vector.shape_cast %swap3A_653 : vector<1x16xf32> to vector<16xf32>
      %swap3A_655 = vector.shape_cast %mul3A_648 : vector<16xf32> to vector<1x16xf32>
      tpu.vector_store %arg8[%swap3A_651, %swap3A_652], %swap3A_655 {strides = array<i32>} : memref<256x128xf32, #tpu.memory_space<vmem>>, vector<1x16xf32>,
      %mul3A_656 = arith.constant 2.000000e-02 : f32
      %mul3A_657 = vector.broadcast %mul3A_656 : f32 to vector<16xf32>
      %mul3A_658 = arith.mulf %parallel_loop3A_557#12, %mul3A_657 : vector<16xf32>
      %mul3A_659 = arith.constant 2 : i32
      %mul3A_660 = arith.muli %mul3A_659, %add3A_522 : i32
      %add3A_661 = arith.constant 1 : i32
      %add3A_662 = arith.addi %mul3A_660, %add3A_661 : i32
      %swap3A_663 = arith.index_cast %add3A_662 : i32 to index
      %swap3A_664 = arith.constant 64 : index
      %swap3A_665 = tpu.vector_load %arg8[%swap3A_663, %swap3A_664] {strides = array<i32>} : memref<256x128xf32, #tpu.memory_space<vmem>>, vector<1x16xf32>,
      %swap3A_666 = vector.shape_cast %swap3A_665 : vector<1x16xf32> to vector<16xf32>
      %swap3A_667 = vector.shape_cast %mul3A_658 : vector<16xf32> to vector<1x16xf32>
      tpu.vector_store %arg8[%swap3A_663, %swap3A_664], %swap3A_667 {strides = array<i32>} : memref<256x128xf32, #tpu.memory_space<vmem>>, vector<1x16xf32>,
      %mul3A_668 = arith.constant 2.000000e-02 : f32
      %mul3A_669 = vector.broadcast %mul3A_668 : f32 to vector<16xf32>
      %mul3A_670 = arith.mulf %parallel_loop3A_557#5, %mul3A_669 : vector<16xf32>
      %mul3A_671 = arith.constant 2 : i32
      %mul3A_672 = arith.muli %mul3A_671, %add3A_522 : i32
      %swap3A_673 = arith.index_cast %mul3A_672 : i32 to index
      %swap3A_674 = arith.constant 80 : index
      %swap3A_675 = tpu.vector_load %arg8[%swap3A_673, %swap3A_674] {strides = array<i32>} : memref<256x128xf32, #tpu.memory_space<vmem>>, vector<1x16xf32>,
      %swap3A_676 = vector.shape_cast %swap3A_675 : vector<1x16xf32> to vector<16xf32>
      %swap3A_677 = vector.shape_cast %mul3A_670 : vector<16xf32> to vector<1x16xf32>
      tpu.vector_store %arg8[%swap3A_673, %swap3A_674], %swap3A_677 {strides = array<i32>} : memref<256x128xf32, #tpu.memory_space<vmem>>, vector<1x16xf32>,
      %mul3A_678 = arith.constant 2.000000e-02 : f32
      %mul3A_679 = vector.broadcast %mul3A_678 : f32 to vector<16xf32>
      %mul3A_680 = arith.mulf %parallel_loop3A_557#13, %mul3A_679 : vector<16xf32>
      %mul3A_681 = arith.constant 2 : i32
      %mul3A_682 = arith.muli %mul3A_681, %add3A_522 : i32
      %add3A_683 = arith.constant 1 : i32
      %add3A_684 = arith.addi %mul3A_682, %add3A_683 : i32
      %swap3A_685 = arith.index_cast %add3A_684 : i32 to index
      %swap3A_686 = arith.constant 80 : index
      %swap3A_687 = tpu.vector_load %arg8[%swap3A_685, %swap3A_686] {strides = array<i32>} : memref<256x128xf32, #tpu.memory_space<vmem>>, vector<1x16xf32>,
      %swap3A_688 = vector.shape_cast %swap3A_687 : vector<1x16xf32> to vector<16xf32>
      %swap3A_689 = vector.shape_cast %mul3A_680 : vector<16xf32> to vector<1x16xf32>
      tpu.vector_store %arg8[%swap3A_685, %swap3A_686], %swap3A_689 {strides = array<i32>} : memref<256x128xf32, #tpu.memory_space<vmem>>, vector<1x16xf32>,
      %mul3A_690 = arith.constant 2.000000e-02 : f32
      %mul3A_691 = vector.broadcast %mul3A_690 : f32 to vector<16xf32>
      %mul3A_692 = arith.mulf %parallel_loop3A_557#6, %mul3A_691 : vector<16xf32>
      %mul3A_693 = arith.constant 2 : i32
      %mul3A_694 = arith.muli %mul3A_693, %add3A_522 : i32
      %swap3A_695 = arith.index_cast %mul3A_694 : i32 to index
      %swap3A_696 = arith.constant 96 : index
      %swap3A_697 = tpu.vector_load %arg8[%swap3A_695, %swap3A_696] {strides = array<i32>} : memref<256x128xf32, #tpu.memory_space<vmem>>, vector<1x16xf32>,
      %swap3A_698 = vector.shape_cast %swap3A_697 : vector<1x16xf32> to vector<16xf32>
      %swap3A_699 = vector.shape_cast %mul3A_692 : vector<16xf32> to vector<1x16xf32>
      tpu.vector_store %arg8[%swap3A_695, %swap3A_696], %swap3A_699 {strides = array<i32>} : memref<256x128xf32, #tpu.memory_space<vmem>>, vector<1x16xf32>,
      %mul3A_700 = arith.constant 2.000000e-02 : f32
      %mul3A_701 = vector.broadcast %mul3A_700 : f32 to vector<16xf32>
      %mul3A_702 = arith.mulf %parallel_loop3A_557#14, %mul3A_701 : vector<16xf32>
      %mul3A_703 = arith.constant 2 : i32
      %mul3A_704 = arith.muli %mul3A_703, %add3A_522 : i32
      %add3A_705 = arith.constant 1 : i32
      %add3A_706 = arith.addi %mul3A_704, %add3A_705 : i32
      %swap3A_707 = arith.index_cast %add3A_706 : i32 to index
      %swap3A_708 = arith.constant 96 : index
      %swap3A_709 = tpu.vector_load %arg8[%swap3A_707, %swap3A_708] {strides = array<i32>} : memref<256x128xf32, #tpu.memory_space<vmem>>, vector<1x16xf32>,
      %swap3A_710 = vector.shape_cast %swap3A_709 : vector<1x16xf32> to vector<16xf32>
      %swap3A_711 = vector.shape_cast %mul3A_702 : vector<16xf32> to vector<1x16xf32>
      tpu.vector_store %arg8[%swap3A_707, %swap3A_708], %swap3A_711 {strides = array<i32>} : memref<256x128xf32, #tpu.memory_space<vmem>>, vector<1x16xf32>,
      %mul3A_712 = arith.constant 2.000000e-02 : f32
      %mul3A_713 = vector.broadcast %mul3A_712 : f32 to vector<16xf32>
      %mul3A_714 = arith.mulf %parallel_loop3A_557#7, %mul3A_713 : vector<16xf32>
      %mul3A_715 = arith.constant 2 : i32
      %mul3A_716 = arith.muli %mul3A_715, %add3A_522 : i32
      %swap3A_717 = arith.index_cast %mul3A_716 : i32 to index
      %swap3A_718 = arith.constant 112 : index
      %swap3A_719 = tpu.vector_load %arg8[%swap3A_717, %swap3A_718] {strides = array<i32>} : memref<256x128xf32, #tpu.memory_space<vmem>>, vector<1x16xf32>,
      %swap3A_720 = vector.shape_cast %swap3A_719 : vector<1x16xf32> to vector<16xf32>
      %swap3A_721 = vector.shape_cast %mul3A_714 : vector<16xf32> to vector<1x16xf32>
      tpu.vector_store %arg8[%swap3A_717, %swap3A_718], %swap3A_721 {strides = array<i32>} : memref<256x128xf32, #tpu.memory_space<vmem>>, vector<1x16xf32>,
      %mul3A_722 = arith.constant 2.000000e-02 : f32
      %mul3A_723 = vector.broadcast %mul3A_722 : f32 to vector<16xf32>
      %mul3A_724 = arith.mulf %parallel_loop3A_557#15, %mul3A_723 : vector<16xf32>
      %mul3A_725 = arith.constant 2 : i32
      %mul3A_726 = arith.muli %mul3A_725, %add3A_522 : i32
      %add3A_727 = arith.constant 1 : i32
      %add3A_728 = arith.addi %mul3A_726, %add3A_727 : i32
      %swap3A_729 = arith.index_cast %add3A_728 : i32 to index
      %swap3A_730 = arith.constant 112 : index
      %swap3A_731 = tpu.vector_load %arg8[%swap3A_729, %swap3A_730] {strides = array<i32>} : memref<256x128xf32, #tpu.memory_space<vmem>>, vector<1x16xf32>,
      %swap3A_732 = vector.shape_cast %swap3A_731 : vector<1x16xf32> to vector<16xf32>
      %swap3A_733 = vector.shape_cast %mul3A_724 : vector<16xf32> to vector<1x16xf32>
      tpu.vector_store %arg8[%swap3A_729, %swap3A_730], %swap3A_733 {strides = array<i32>} : memref<256x128xf32, #tpu.memory_space<vmem>>, vector<1x16xf32>,
      %add3A_734 = arith.constant 4 : i32
      %add3A_735 = arith.addi %add3A_522, %add3A_734 : i32
      %lt3A_736 = arith.constant 128 : i32
      %lt3A_737 = arith.cmpi slt, %add3A_735, %lt3A_736 : i32
      %convert_element_type3A_738 = arith.extui %lt3A_737 : i1 to i32
      %cond3A_739 = arith.constant 0 : i32
      %cond3A_740 = arith.cmpi ne, %convert_element_type3A_738, %cond3A_739 : i32
      scf.if %cond3A_740 {
        %dma_start3A_967 = arith.constant 2 : i32
        %dma_start3A_968 = arith.constant 2 : i32
        %dma_start3A_969 = arith.constant 0 : i32
        %dma_start3A_970 = arith.constant 0 : i32
        %dma_start3A_971 = tpu.memref_slice %arg7[%dma_start3A_967, %dma_start3A_969, %dma_start3A_970] : memref<4x100x128xf32, #tpu.memory_space<vmem>> -> memref<1x100x128xf32, #tpu.memory_space<vmem>>
        %dma_start3A_972 = tpu.memref_squeeze %dma_start3A_971 : memref<1x100x128xf32, #tpu.memory_space<vmem>> -> memref<100x128xf32, #tpu.memory_space<vmem>>
        %dma_start3A_973 = arith.constant 0 : i32
        %dma_start3A_974 = tpu.memref_slice %arg6[%add3A_735, %dma_start3A_973] : memref<128x100xi32, #tpu.memory_space<vmem>> -> memref<1x100xi32, #tpu.memory_space<vmem>>
        %dma_start3A_975 = tpu.memref_squeeze %dma_start3A_974 : memref<1x100xi32, #tpu.memory_space<vmem>> -> memref<100xi32, #tpu.memory_space<vmem>>
        %dma_start3A_976 = arith.constant 0 : i32
        %dma_start3A_977 = arith.constant 0 : i32
        %dma_start3A_978 = tpu.memref_slice %arg3[%dma_start3A_976, %dma_start3A_977] : memref<100000x128xf32, #tpu.memory_space<hbm>> -> memref<100000x128xf32, #tpu.memory_space<hbm>>
        %dma_start3A_979 = tpu.memref_slice %arg9[%dma_start3A_968] : memref<4x!tpu.dma_semaphore, #tpu.memory_space<semaphore_mem>> -> memref<1x!tpu.dma_semaphore, #tpu.memory_space<semaphore_mem>>
        %dma_start3A_980 = tpu.memref_squeeze %dma_start3A_979 : memref<1x!tpu.dma_semaphore, #tpu.memory_space<semaphore_mem>> -> memref<!tpu.dma_semaphore, #tpu.memory_space<semaphore_mem>>
        tpu.enqueue_indirect_dma source(%dma_start3A_978 : memref<100000x128xf32, #tpu.memory_space<hbm>>) target(%dma_start3A_972 : memref<100x128xf32, #tpu.memory_space<vmem>>) offsets(%dma_start3A_975 : memref<100xi32, #tpu.memory_space<vmem>>) semaphore(%dma_start3A_980 : memref<!tpu.dma_semaphore, #tpu.memory_space<semaphore_mem>>)
      } else {
      }
      %mul3A_741 = arith.constant 4 : i32
      %mul3A_742 = arith.muli %scan3A_80, %mul3A_741 : i32
      %add3A_743 = arith.constant 3 : i32
      %add3A_744 = arith.addi %mul3A_742, %add3A_743 : i32
      %dma_wait3A_745 = arith.constant 0 : i32
      %dma_wait3A_746 = arith.constant 3 : i32
      %dma_wait3A_747 = arith.constant 3 : i32
      %dma_wait3A_748 = arith.constant 0 : i32
      %dma_wait3A_749 = arith.constant 0 : i32
      %dma_wait3A_750 = tpu.memref_slice %arg7[%dma_wait3A_746, %dma_wait3A_748, %dma_wait3A_749] : memref<4x100x128xf32, #tpu.memory_space<vmem>> -> memref<1x100x128xf32, #tpu.memory_space<vmem>>
      %dma_wait3A_751 = tpu.memref_squeeze %dma_wait3A_750 : memref<1x100x128xf32, #tpu.memory_space<vmem>> -> memref<100x128xf32, #tpu.memory_space<vmem>>
      %dma_wait3A_752 = arith.constant 0 : i32
      %dma_wait3A_753 = tpu.memref_slice %arg6[%dma_wait3A_745, %dma_wait3A_752] : memref<128x100xi32, #tpu.memory_space<vmem>> -> memref<1x100xi32, #tpu.memory_space<vmem>>
      %dma_wait3A_754 = tpu.memref_squeeze %dma_wait3A_753 : memref<1x100xi32, #tpu.memory_space<vmem>> -> memref<100xi32, #tpu.memory_space<vmem>>
      %dma_wait3A_755 = arith.constant 0 : i32
      %dma_wait3A_756 = arith.constant 0 : i32
      %dma_wait3A_757 = tpu.memref_slice %arg3[%dma_wait3A_755, %dma_wait3A_756] : memref<100000x128xf32, #tpu.memory_space<hbm>> -> memref<100000x128xf32, #tpu.memory_space<hbm>>
      %dma_wait3A_758 = tpu.memref_slice %arg9[%dma_wait3A_747] : memref<4x!tpu.dma_semaphore, #tpu.memory_space<semaphore_mem>> -> memref<1x!tpu.dma_semaphore, #tpu.memory_space<semaphore_mem>>
      %dma_wait3A_759 = tpu.memref_squeeze %dma_wait3A_758 : memref<1x!tpu.dma_semaphore, #tpu.memory_space<semaphore_mem>> -> memref<!tpu.dma_semaphore, #tpu.memory_space<semaphore_mem>>
      tpu.wait_indirect_dma semaphore(%dma_wait3A_759 : memref<!tpu.dma_semaphore, #tpu.memory_space<semaphore_mem>>) src(%dma_wait3A_757 : memref<100000x128xf32, #tpu.memory_space<hbm>>) dst(%dma_wait3A_751 : memref<100x128xf32, #tpu.memory_space<vmem>>)
      %broadcast_in_dim3A_760 = arith.constant 0.000000e+00 : f32
      %broadcast_in_dim3A_761 = vector.broadcast %broadcast_in_dim3A_760 : f32 to vector<16xf32>
      %broadcast_in_dim3A_762 = arith.constant 0.000000e+00 : f32
      %broadcast_in_dim3A_763 = vector.broadcast %broadcast_in_dim3A_762 : f32 to vector<16xf32>
      %broadcast_in_dim3A_764 = arith.constant 0.000000e+00 : f32
      %broadcast_in_dim3A_765 = vector.broadcast %broadcast_in_dim3A_764 : f32 to vector<16xf32>
      %broadcast_in_dim3A_766 = arith.constant 0.000000e+00 : f32
      %broadcast_in_dim3A_767 = vector.broadcast %broadcast_in_dim3A_766 : f32 to vector<16xf32>
      %broadcast_in_dim3A_768 = arith.constant 0.000000e+00 : f32
      %broadcast_in_dim3A_769 = vector.broadcast %broadcast_in_dim3A_768 : f32 to vector<16xf32>
      %broadcast_in_dim3A_770 = arith.constant 0.000000e+00 : f32
      %broadcast_in_dim3A_771 = vector.broadcast %broadcast_in_dim3A_770 : f32 to vector<16xf32>
      %broadcast_in_dim3A_772 = arith.constant 0.000000e+00 : f32
      %broadcast_in_dim3A_773 = vector.broadcast %broadcast_in_dim3A_772 : f32 to vector<16xf32>
      %broadcast_in_dim3A_774 = arith.constant 0.000000e+00 : f32
      %broadcast_in_dim3A_775 = vector.broadcast %broadcast_in_dim3A_774 : f32 to vector<16xf32>
      %parallel_loop3A_776 = arith.constant 0 : i32
      %parallel_loop3A_777 = arith.constant 50 : i32
      %parallel_loop3A_778 = arith.constant 1 : i32
      %parallel_loop3A_779:16 = scf.for %parallel_loop3A_967 = %parallel_loop3A_776 to %parallel_loop3A_777 step %parallel_loop3A_778 iter_args(%parallel_loop3A_968 = %broadcast_in_dim3A_761, %parallel_loop3A_969 = %broadcast_in_dim3A_763, %parallel_loop3A_970 = %broadcast_in_dim3A_765, %parallel_loop3A_971 = %broadcast_in_dim3A_767, %parallel_loop3A_972 = %broadcast_in_dim3A_769, %parallel_loop3A_973 = %broadcast_in_dim3A_771, %parallel_loop3A_974 = %broadcast_in_dim3A_773, %parallel_loop3A_975 = %broadcast_in_dim3A_775, %parallel_loop3A_976 = %broadcast_in_dim3A_761, %parallel_loop3A_977 = %broadcast_in_dim3A_763, %parallel_loop3A_978 = %broadcast_in_dim3A_765, %parallel_loop3A_979 = %broadcast_in_dim3A_767, %parallel_loop3A_980 = %broadcast_in_dim3A_769, %parallel_loop3A_981 = %broadcast_in_dim3A_771, %parallel_loop3A_982 = %broadcast_in_dim3A_773, %parallel_loop3A_983 = %broadcast_in_dim3A_775) -> (vector<16xf32>, vector<16xf32>, vector<16xf32>, vector<16xf32>, vector<16xf32>, vector<16xf32>, vector<16xf32>, vector<16xf32>, vector<16xf32>, vector<16xf32>, vector<16xf32>, vector<16xf32>, vector<16xf32>, vector<16xf32>, vector<16xf32>, vector<16xf32>)  : i32 {
        %parallel_loop3A_984 = arith.constant 3 : i32
        %parallel_loop3A_985 = arith.index_cast %parallel_loop3A_984 : i32 to index
        %parallel_loop3A_986 = arith.index_cast %parallel_loop3A_967 : i32 to index
        %parallel_loop3A_987 = arith.constant 0 : index
        %parallel_loop3A_988 = tpu.vector_load %arg7[%parallel_loop3A_985, %parallel_loop3A_986, %parallel_loop3A_987] {strides = array<i32>} : memref<4x100x128xf32, #tpu.memory_space<vmem>>, vector<1x1x16xf32>,
        %parallel_loop3A_989 = vector.shape_cast %parallel_loop3A_988 : vector<1x1x16xf32> to vector<16xf32>
        %parallel_loop3A_990 = arith.addf %parallel_loop3A_968, %parallel_loop3A_989 : vector<16xf32>
        %parallel_loop3A_991 = arith.constant 3 : i32
        %parallel_loop3A_992 = arith.index_cast %parallel_loop3A_991 : i32 to index
        %parallel_loop3A_993 = arith.index_cast %parallel_loop3A_967 : i32 to index
        %parallel_loop3A_994 = arith.constant 16 : index
        %parallel_loop3A_995 = tpu.vector_load %arg7[%parallel_loop3A_992, %parallel_loop3A_993, %parallel_loop3A_994] {strides = array<i32>} : memref<4x100x128xf32, #tpu.memory_space<vmem>>, vector<1x1x16xf32>,
        %parallel_loop3A_996 = vector.shape_cast %parallel_loop3A_995 : vector<1x1x16xf32> to vector<16xf32>
        %parallel_loop3A_997 = arith.addf %parallel_loop3A_969, %parallel_loop3A_996 : vector<16xf32>
        %parallel_loop3A_998 = arith.constant 3 : i32
        %parallel_loop3A_999 = arith.index_cast %parallel_loop3A_998 : i32 to index
        %parallel_loop3A_1000 = arith.index_cast %parallel_loop3A_967 : i32 to index
        %parallel_loop3A_1001 = arith.constant 32 : index
        %parallel_loop3A_1002 = tpu.vector_load %arg7[%parallel_loop3A_999, %parallel_loop3A_1000, %parallel_loop3A_1001] {strides = array<i32>} : memref<4x100x128xf32, #tpu.memory_space<vmem>>, vector<1x1x16xf32>,
        %parallel_loop3A_1003 = vector.shape_cast %parallel_loop3A_1002 : vector<1x1x16xf32> to vector<16xf32>
        %parallel_loop3A_1004 = arith.addf %parallel_loop3A_970, %parallel_loop3A_1003 : vector<16xf32>
        %parallel_loop3A_1005 = arith.constant 3 : i32
        %parallel_loop3A_1006 = arith.index_cast %parallel_loop3A_1005 : i32 to index
        %parallel_loop3A_1007 = arith.index_cast %parallel_loop3A_967 : i32 to index
        %parallel_loop3A_1008 = arith.constant 48 : index
        %parallel_loop3A_1009 = tpu.vector_load %arg7[%parallel_loop3A_1006, %parallel_loop3A_1007, %parallel_loop3A_1008] {strides = array<i32>} : memref<4x100x128xf32, #tpu.memory_space<vmem>>, vector<1x1x16xf32>,
        %parallel_loop3A_1010 = vector.shape_cast %parallel_loop3A_1009 : vector<1x1x16xf32> to vector<16xf32>
        %parallel_loop3A_1011 = arith.addf %parallel_loop3A_971, %parallel_loop3A_1010 : vector<16xf32>
        %parallel_loop3A_1012 = arith.constant 3 : i32
        %parallel_loop3A_1013 = arith.index_cast %parallel_loop3A_1012 : i32 to index
        %parallel_loop3A_1014 = arith.index_cast %parallel_loop3A_967 : i32 to index
        %parallel_loop3A_1015 = arith.constant 64 : index
        %parallel_loop3A_1016 = tpu.vector_load %arg7[%parallel_loop3A_1013, %parallel_loop3A_1014, %parallel_loop3A_1015] {strides = array<i32>} : memref<4x100x128xf32, #tpu.memory_space<vmem>>, vector<1x1x16xf32>,
        %parallel_loop3A_1017 = vector.shape_cast %parallel_loop3A_1016 : vector<1x1x16xf32> to vector<16xf32>
        %parallel_loop3A_1018 = arith.addf %parallel_loop3A_972, %parallel_loop3A_1017 : vector<16xf32>
        %parallel_loop3A_1019 = arith.constant 3 : i32
        %parallel_loop3A_1020 = arith.index_cast %parallel_loop3A_1019 : i32 to index
        %parallel_loop3A_1021 = arith.index_cast %parallel_loop3A_967 : i32 to index
        %parallel_loop3A_1022 = arith.constant 80 : index
        %parallel_loop3A_1023 = tpu.vector_load %arg7[%parallel_loop3A_1020, %parallel_loop3A_1021, %parallel_loop3A_1022] {strides = array<i32>} : memref<4x100x128xf32, #tpu.memory_space<vmem>>, vector<1x1x16xf32>,
        %parallel_loop3A_1024 = vector.shape_cast %parallel_loop3A_1023 : vector<1x1x16xf32> to vector<16xf32>
        %parallel_loop3A_1025 = arith.addf %parallel_loop3A_973, %parallel_loop3A_1024 : vector<16xf32>
        %parallel_loop3A_1026 = arith.constant 3 : i32
        %parallel_loop3A_1027 = arith.index_cast %parallel_loop3A_1026 : i32 to index
        %parallel_loop3A_1028 = arith.index_cast %parallel_loop3A_967 : i32 to index
        %parallel_loop3A_1029 = arith.constant 96 : index
        %parallel_loop3A_1030 = tpu.vector_load %arg7[%parallel_loop3A_1027, %parallel_loop3A_1028, %parallel_loop3A_1029] {strides = array<i32>} : memref<4x100x128xf32, #tpu.memory_space<vmem>>, vector<1x1x16xf32>,
        %parallel_loop3A_1031 = vector.shape_cast %parallel_loop3A_1030 : vector<1x1x16xf32> to vector<16xf32>
        %parallel_loop3A_1032 = arith.addf %parallel_loop3A_974, %parallel_loop3A_1031 : vector<16xf32>
        %parallel_loop3A_1033 = arith.constant 3 : i32
        %parallel_loop3A_1034 = arith.index_cast %parallel_loop3A_1033 : i32 to index
        %parallel_loop3A_1035 = arith.index_cast %parallel_loop3A_967 : i32 to index
        %parallel_loop3A_1036 = arith.constant 112 : index
        %parallel_loop3A_1037 = tpu.vector_load %arg7[%parallel_loop3A_1034, %parallel_loop3A_1035, %parallel_loop3A_1036] {strides = array<i32>} : memref<4x100x128xf32, #tpu.memory_space<vmem>>, vector<1x1x16xf32>,
        %parallel_loop3A_1038 = vector.shape_cast %parallel_loop3A_1037 : vector<1x1x16xf32> to vector<16xf32>
        %parallel_loop3A_1039 = arith.addf %parallel_loop3A_975, %parallel_loop3A_1038 : vector<16xf32>
        %parallel_loop3A_1040 = arith.constant 50 : i32
        %parallel_loop3A_1041 = arith.addi %parallel_loop3A_967, %parallel_loop3A_1040 : i32
        %parallel_loop3A_1042 = arith.constant 3 : i32
        %parallel_loop3A_1043 = arith.index_cast %parallel_loop3A_1042 : i32 to index
        %parallel_loop3A_1044 = arith.index_cast %parallel_loop3A_1041 : i32 to index
        %parallel_loop3A_1045 = arith.constant 0 : index
        %parallel_loop3A_1046 = tpu.vector_load %arg7[%parallel_loop3A_1043, %parallel_loop3A_1044, %parallel_loop3A_1045] {strides = array<i32>} : memref<4x100x128xf32, #tpu.memory_space<vmem>>, vector<1x1x16xf32>,
        %parallel_loop3A_1047 = vector.shape_cast %parallel_loop3A_1046 : vector<1x1x16xf32> to vector<16xf32>
        %parallel_loop3A_1048 = arith.addf %parallel_loop3A_976, %parallel_loop3A_1047 : vector<16xf32>
        %parallel_loop3A_1049 = arith.constant 50 : i32
        %parallel_loop3A_1050 = arith.addi %parallel_loop3A_967, %parallel_loop3A_1049 : i32
        %parallel_loop3A_1051 = arith.constant 3 : i32
        %parallel_loop3A_1052 = arith.index_cast %parallel_loop3A_1051 : i32 to index
        %parallel_loop3A_1053 = arith.index_cast %parallel_loop3A_1050 : i32 to index
        %parallel_loop3A_1054 = arith.constant 16 : index
        %parallel_loop3A_1055 = tpu.vector_load %arg7[%parallel_loop3A_1052, %parallel_loop3A_1053, %parallel_loop3A_1054] {strides = array<i32>} : memref<4x100x128xf32, #tpu.memory_space<vmem>>, vector<1x1x16xf32>,
        %parallel_loop3A_1056 = vector.shape_cast %parallel_loop3A_1055 : vector<1x1x16xf32> to vector<16xf32>
        %parallel_loop3A_1057 = arith.addf %parallel_loop3A_977, %parallel_loop3A_1056 : vector<16xf32>
        %parallel_loop3A_1058 = arith.constant 50 : i32
        %parallel_loop3A_1059 = arith.addi %parallel_loop3A_967, %parallel_loop3A_1058 : i32
        %parallel_loop3A_1060 = arith.constant 3 : i32
        %parallel_loop3A_1061 = arith.index_cast %parallel_loop3A_1060 : i32 to index
        %parallel_loop3A_1062 = arith.index_cast %parallel_loop3A_1059 : i32 to index
        %parallel_loop3A_1063 = arith.constant 32 : index
        %parallel_loop3A_1064 = tpu.vector_load %arg7[%parallel_loop3A_1061, %parallel_loop3A_1062, %parallel_loop3A_1063] {strides = array<i32>} : memref<4x100x128xf32, #tpu.memory_space<vmem>>, vector<1x1x16xf32>,
        %parallel_loop3A_1065 = vector.shape_cast %parallel_loop3A_1064 : vector<1x1x16xf32> to vector<16xf32>
        %parallel_loop3A_1066 = arith.addf %parallel_loop3A_978, %parallel_loop3A_1065 : vector<16xf32>
        %parallel_loop3A_1067 = arith.constant 50 : i32
        %parallel_loop3A_1068 = arith.addi %parallel_loop3A_967, %parallel_loop3A_1067 : i32
        %parallel_loop3A_1069 = arith.constant 3 : i32
        %parallel_loop3A_1070 = arith.index_cast %parallel_loop3A_1069 : i32 to index
        %parallel_loop3A_1071 = arith.index_cast %parallel_loop3A_1068 : i32 to index
        %parallel_loop3A_1072 = arith.constant 48 : index
        %parallel_loop3A_1073 = tpu.vector_load %arg7[%parallel_loop3A_1070, %parallel_loop3A_1071, %parallel_loop3A_1072] {strides = array<i32>} : memref<4x100x128xf32, #tpu.memory_space<vmem>>, vector<1x1x16xf32>,
        %parallel_loop3A_1074 = vector.shape_cast %parallel_loop3A_1073 : vector<1x1x16xf32> to vector<16xf32>
        %parallel_loop3A_1075 = arith.addf %parallel_loop3A_979, %parallel_loop3A_1074 : vector<16xf32>
        %parallel_loop3A_1076 = arith.constant 50 : i32
        %parallel_loop3A_1077 = arith.addi %parallel_loop3A_967, %parallel_loop3A_1076 : i32
        %parallel_loop3A_1078 = arith.constant 3 : i32
        %parallel_loop3A_1079 = arith.index_cast %parallel_loop3A_1078 : i32 to index
        %parallel_loop3A_1080 = arith.index_cast %parallel_loop3A_1077 : i32 to index
        %parallel_loop3A_1081 = arith.constant 64 : index
        %parallel_loop3A_1082 = tpu.vector_load %arg7[%parallel_loop3A_1079, %parallel_loop3A_1080, %parallel_loop3A_1081] {strides = array<i32>} : memref<4x100x128xf32, #tpu.memory_space<vmem>>, vector<1x1x16xf32>,
        %parallel_loop3A_1083 = vector.shape_cast %parallel_loop3A_1082 : vector<1x1x16xf32> to vector<16xf32>
        %parallel_loop3A_1084 = arith.addf %parallel_loop3A_980, %parallel_loop3A_1083 : vector<16xf32>
        %parallel_loop3A_1085 = arith.constant 50 : i32
        %parallel_loop3A_1086 = arith.addi %parallel_loop3A_967, %parallel_loop3A_1085 : i32
        %parallel_loop3A_1087 = arith.constant 3 : i32
        %parallel_loop3A_1088 = arith.index_cast %parallel_loop3A_1087 : i32 to index
        %parallel_loop3A_1089 = arith.index_cast %parallel_loop3A_1086 : i32 to index
        %parallel_loop3A_1090 = arith.constant 80 : index
        %parallel_loop3A_1091 = tpu.vector_load %arg7[%parallel_loop3A_1088, %parallel_loop3A_1089, %parallel_loop3A_1090] {strides = array<i32>} : memref<4x100x128xf32, #tpu.memory_space<vmem>>, vector<1x1x16xf32>,
        %parallel_loop3A_1092 = vector.shape_cast %parallel_loop3A_1091 : vector<1x1x16xf32> to vector<16xf32>
        %parallel_loop3A_1093 = arith.addf %parallel_loop3A_981, %parallel_loop3A_1092 : vector<16xf32>
        %parallel_loop3A_1094 = arith.constant 50 : i32
        %parallel_loop3A_1095 = arith.addi %parallel_loop3A_967, %parallel_loop3A_1094 : i32
        %parallel_loop3A_1096 = arith.constant 3 : i32
        %parallel_loop3A_1097 = arith.index_cast %parallel_loop3A_1096 : i32 to index
        %parallel_loop3A_1098 = arith.index_cast %parallel_loop3A_1095 : i32 to index
        %parallel_loop3A_1099 = arith.constant 96 : index
        %parallel_loop3A_1100 = tpu.vector_load %arg7[%parallel_loop3A_1097, %parallel_loop3A_1098, %parallel_loop3A_1099] {strides = array<i32>} : memref<4x100x128xf32, #tpu.memory_space<vmem>>, vector<1x1x16xf32>,
        %parallel_loop3A_1101 = vector.shape_cast %parallel_loop3A_1100 : vector<1x1x16xf32> to vector<16xf32>
        %parallel_loop3A_1102 = arith.addf %parallel_loop3A_982, %parallel_loop3A_1101 : vector<16xf32>
        %parallel_loop3A_1103 = arith.constant 50 : i32
        %parallel_loop3A_1104 = arith.addi %parallel_loop3A_967, %parallel_loop3A_1103 : i32
        %parallel_loop3A_1105 = arith.constant 3 : i32
        %parallel_loop3A_1106 = arith.index_cast %parallel_loop3A_1105 : i32 to index
        %parallel_loop3A_1107 = arith.index_cast %parallel_loop3A_1104 : i32 to index
        %parallel_loop3A_1108 = arith.constant 112 : index
        %parallel_loop3A_1109 = tpu.vector_load %arg7[%parallel_loop3A_1106, %parallel_loop3A_1107, %parallel_loop3A_1108] {strides = array<i32>} : memref<4x100x128xf32, #tpu.memory_space<vmem>>, vector<1x1x16xf32>,
        %parallel_loop3A_1110 = vector.shape_cast %parallel_loop3A_1109 : vector<1x1x16xf32> to vector<16xf32>
        %parallel_loop3A_1111 = arith.addf %parallel_loop3A_983, %parallel_loop3A_1110 : vector<16xf32>
        scf.yield %parallel_loop3A_990, %parallel_loop3A_997, %parallel_loop3A_1004, %parallel_loop3A_1011, %parallel_loop3A_1018, %parallel_loop3A_1025, %parallel_loop3A_1032, %parallel_loop3A_1039, %parallel_loop3A_1048, %parallel_loop3A_1057, %parallel_loop3A_1066, %parallel_loop3A_1075, %parallel_loop3A_1084, %parallel_loop3A_1093, %parallel_loop3A_1102, %parallel_loop3A_1111 : vector<16xf32>, vector<16xf32>, vector<16xf32>, vector<16xf32>, vector<16xf32>, vector<16xf32>, vector<16xf32>, vector<16xf32>, vector<16xf32>, vector<16xf32>, vector<16xf32>, vector<16xf32>, vector<16xf32>, vector<16xf32>, vector<16xf32>, vector<16xf32>
      } {sc.loop_unroll_factor = 4 : i64, sc.parallel_access}
      %mul3A_780 = arith.constant 2.000000e-02 : f32
      %mul3A_781 = vector.broadcast %mul3A_780 : f32 to vector<16xf32>
      %mul3A_782 = arith.mulf %parallel_loop3A_779#0, %mul3A_781 : vector<16xf32>
      %mul3A_783 = arith.constant 2 : i32
      %mul3A_784 = arith.muli %mul3A_783, %add3A_744 : i32
      %swap3A_785 = arith.index_cast %mul3A_784 : i32 to index
      %swap3A_786 = arith.constant 0 : index
      %swap3A_787 = tpu.vector_load %arg8[%swap3A_785, %swap3A_786] {strides = array<i32>} : memref<256x128xf32, #tpu.memory_space<vmem>>, vector<1x16xf32>,
      %swap3A_788 = vector.shape_cast %swap3A_787 : vector<1x16xf32> to vector<16xf32>
      %swap3A_789 = vector.shape_cast %mul3A_782 : vector<16xf32> to vector<1x16xf32>
      tpu.vector_store %arg8[%swap3A_785, %swap3A_786], %swap3A_789 {strides = array<i32>} : memref<256x128xf32, #tpu.memory_space<vmem>>, vector<1x16xf32>,
      %mul3A_790 = arith.constant 2.000000e-02 : f32
      %mul3A_791 = vector.broadcast %mul3A_790 : f32 to vector<16xf32>
      %mul3A_792 = arith.mulf %parallel_loop3A_779#8, %mul3A_791 : vector<16xf32>
      %mul3A_793 = arith.constant 2 : i32
      %mul3A_794 = arith.muli %mul3A_793, %add3A_744 : i32
      %add3A_795 = arith.constant 1 : i32
      %add3A_796 = arith.addi %mul3A_794, %add3A_795 : i32
      %swap3A_797 = arith.index_cast %add3A_796 : i32 to index
      %swap3A_798 = arith.constant 0 : index
      %swap3A_799 = tpu.vector_load %arg8[%swap3A_797, %swap3A_798] {strides = array<i32>} : memref<256x128xf32, #tpu.memory_space<vmem>>, vector<1x16xf32>,
      %swap3A_800 = vector.shape_cast %swap3A_799 : vector<1x16xf32> to vector<16xf32>
      %swap3A_801 = vector.shape_cast %mul3A_792 : vector<16xf32> to vector<1x16xf32>
      tpu.vector_store %arg8[%swap3A_797, %swap3A_798], %swap3A_801 {strides = array<i32>} : memref<256x128xf32, #tpu.memory_space<vmem>>, vector<1x16xf32>,
      %mul3A_802 = arith.constant 2.000000e-02 : f32
      %mul3A_803 = vector.broadcast %mul3A_802 : f32 to vector<16xf32>
      %mul3A_804 = arith.mulf %parallel_loop3A_779#1, %mul3A_803 : vector<16xf32>
      %mul3A_805 = arith.constant 2 : i32
      %mul3A_806 = arith.muli %mul3A_805, %add3A_744 : i32
      %swap3A_807 = arith.index_cast %mul3A_806 : i32 to index
      %swap3A_808 = arith.constant 16 : index
      %swap3A_809 = tpu.vector_load %arg8[%swap3A_807, %swap3A_808] {strides = array<i32>} : memref<256x128xf32, #tpu.memory_space<vmem>>, vector<1x16xf32>,
      %swap3A_810 = vector.shape_cast %swap3A_809 : vector<1x16xf32> to vector<16xf32>
      %swap3A_811 = vector.shape_cast %mul3A_804 : vector<16xf32> to vector<1x16xf32>
      tpu.vector_store %arg8[%swap3A_807, %swap3A_808], %swap3A_811 {strides = array<i32>} : memref<256x128xf32, #tpu.memory_space<vmem>>, vector<1x16xf32>,
      %mul3A_812 = arith.constant 2.000000e-02 : f32
      %mul3A_813 = vector.broadcast %mul3A_812 : f32 to vector<16xf32>
      %mul3A_814 = arith.mulf %parallel_loop3A_779#9, %mul3A_813 : vector<16xf32>
      %mul3A_815 = arith.constant 2 : i32
      %mul3A_816 = arith.muli %mul3A_815, %add3A_744 : i32
      %add3A_817 = arith.constant 1 : i32
      %add3A_818 = arith.addi %mul3A_816, %add3A_817 : i32
      %swap3A_819 = arith.index_cast %add3A_818 : i32 to index
      %swap3A_820 = arith.constant 16 : index
      %swap3A_821 = tpu.vector_load %arg8[%swap3A_819, %swap3A_820] {strides = array<i32>} : memref<256x128xf32, #tpu.memory_space<vmem>>, vector<1x16xf32>,
      %swap3A_822 = vector.shape_cast %swap3A_821 : vector<1x16xf32> to vector<16xf32>
      %swap3A_823 = vector.shape_cast %mul3A_814 : vector<16xf32> to vector<1x16xf32>
      tpu.vector_store %arg8[%swap3A_819, %swap3A_820], %swap3A_823 {strides = array<i32>} : memref<256x128xf32, #tpu.memory_space<vmem>>, vector<1x16xf32>,
      %mul3A_824 = arith.constant 2.000000e-02 : f32
      %mul3A_825 = vector.broadcast %mul3A_824 : f32 to vector<16xf32>
      %mul3A_826 = arith.mulf %parallel_loop3A_779#2, %mul3A_825 : vector<16xf32>
      %mul3A_827 = arith.constant 2 : i32
      %mul3A_828 = arith.muli %mul3A_827, %add3A_744 : i32
      %swap3A_829 = arith.index_cast %mul3A_828 : i32 to index
      %swap3A_830 = arith.constant 32 : index
      %swap3A_831 = tpu.vector_load %arg8[%swap3A_829, %swap3A_830] {strides = array<i32>} : memref<256x128xf32, #tpu.memory_space<vmem>>, vector<1x16xf32>,
      %swap3A_832 = vector.shape_cast %swap3A_831 : vector<1x16xf32> to vector<16xf32>
      %swap3A_833 = vector.shape_cast %mul3A_826 : vector<16xf32> to vector<1x16xf32>
      tpu.vector_store %arg8[%swap3A_829, %swap3A_830], %swap3A_833 {strides = array<i32>} : memref<256x128xf32, #tpu.memory_space<vmem>>, vector<1x16xf32>,
      %mul3A_834 = arith.constant 2.000000e-02 : f32
      %mul3A_835 = vector.broadcast %mul3A_834 : f32 to vector<16xf32>
      %mul3A_836 = arith.mulf %parallel_loop3A_779#10, %mul3A_835 : vector<16xf32>
      %mul3A_837 = arith.constant 2 : i32
      %mul3A_838 = arith.muli %mul3A_837, %add3A_744 : i32
      %add3A_839 = arith.constant 1 : i32
      %add3A_840 = arith.addi %mul3A_838, %add3A_839 : i32
      %swap3A_841 = arith.index_cast %add3A_840 : i32 to index
      %swap3A_842 = arith.constant 32 : index
      %swap3A_843 = tpu.vector_load %arg8[%swap3A_841, %swap3A_842] {strides = array<i32>} : memref<256x128xf32, #tpu.memory_space<vmem>>, vector<1x16xf32>,
      %swap3A_844 = vector.shape_cast %swap3A_843 : vector<1x16xf32> to vector<16xf32>
      %swap3A_845 = vector.shape_cast %mul3A_836 : vector<16xf32> to vector<1x16xf32>
      tpu.vector_store %arg8[%swap3A_841, %swap3A_842], %swap3A_845 {strides = array<i32>} : memref<256x128xf32, #tpu.memory_space<vmem>>, vector<1x16xf32>,
      %mul3A_846 = arith.constant 2.000000e-02 : f32
      %mul3A_847 = vector.broadcast %mul3A_846 : f32 to vector<16xf32>
      %mul3A_848 = arith.mulf %parallel_loop3A_779#3, %mul3A_847 : vector<16xf32>
      %mul3A_849 = arith.constant 2 : i32
      %mul3A_850 = arith.muli %mul3A_849, %add3A_744 : i32
      %swap3A_851 = arith.index_cast %mul3A_850 : i32 to index
      %swap3A_852 = arith.constant 48 : index
      %swap3A_853 = tpu.vector_load %arg8[%swap3A_851, %swap3A_852] {strides = array<i32>} : memref<256x128xf32, #tpu.memory_space<vmem>>, vector<1x16xf32>,
      %swap3A_854 = vector.shape_cast %swap3A_853 : vector<1x16xf32> to vector<16xf32>
      %swap3A_855 = vector.shape_cast %mul3A_848 : vector<16xf32> to vector<1x16xf32>
      tpu.vector_store %arg8[%swap3A_851, %swap3A_852], %swap3A_855 {strides = array<i32>} : memref<256x128xf32, #tpu.memory_space<vmem>>, vector<1x16xf32>,
      %mul3A_856 = arith.constant 2.000000e-02 : f32
      %mul3A_857 = vector.broadcast %mul3A_856 : f32 to vector<16xf32>
      %mul3A_858 = arith.mulf %parallel_loop3A_779#11, %mul3A_857 : vector<16xf32>
      %mul3A_859 = arith.constant 2 : i32
      %mul3A_860 = arith.muli %mul3A_859, %add3A_744 : i32
      %add3A_861 = arith.constant 1 : i32
      %add3A_862 = arith.addi %mul3A_860, %add3A_861 : i32
      %swap3A_863 = arith.index_cast %add3A_862 : i32 to index
      %swap3A_864 = arith.constant 48 : index
      %swap3A_865 = tpu.vector_load %arg8[%swap3A_863, %swap3A_864] {strides = array<i32>} : memref<256x128xf32, #tpu.memory_space<vmem>>, vector<1x16xf32>,
      %swap3A_866 = vector.shape_cast %swap3A_865 : vector<1x16xf32> to vector<16xf32>
      %swap3A_867 = vector.shape_cast %mul3A_858 : vector<16xf32> to vector<1x16xf32>
      tpu.vector_store %arg8[%swap3A_863, %swap3A_864], %swap3A_867 {strides = array<i32>} : memref<256x128xf32, #tpu.memory_space<vmem>>, vector<1x16xf32>,
      %mul3A_868 = arith.constant 2.000000e-02 : f32
      %mul3A_869 = vector.broadcast %mul3A_868 : f32 to vector<16xf32>
      %mul3A_870 = arith.mulf %parallel_loop3A_779#4, %mul3A_869 : vector<16xf32>
      %mul3A_871 = arith.constant 2 : i32
      %mul3A_872 = arith.muli %mul3A_871, %add3A_744 : i32
      %swap3A_873 = arith.index_cast %mul3A_872 : i32 to index
      %swap3A_874 = arith.constant 64 : index
      %swap3A_875 = tpu.vector_load %arg8[%swap3A_873, %swap3A_874] {strides = array<i32>} : memref<256x128xf32, #tpu.memory_space<vmem>>, vector<1x16xf32>,
      %swap3A_876 = vector.shape_cast %swap3A_875 : vector<1x16xf32> to vector<16xf32>
      %swap3A_877 = vector.shape_cast %mul3A_870 : vector<16xf32> to vector<1x16xf32>
      tpu.vector_store %arg8[%swap3A_873, %swap3A_874], %swap3A_877 {strides = array<i32>} : memref<256x128xf32, #tpu.memory_space<vmem>>, vector<1x16xf32>,
      %mul3A_878 = arith.constant 2.000000e-02 : f32
      %mul3A_879 = vector.broadcast %mul3A_878 : f32 to vector<16xf32>
      %mul3A_880 = arith.mulf %parallel_loop3A_779#12, %mul3A_879 : vector<16xf32>
      %mul3A_881 = arith.constant 2 : i32
      %mul3A_882 = arith.muli %mul3A_881, %add3A_744 : i32
      %add3A_883 = arith.constant 1 : i32
      %add3A_884 = arith.addi %mul3A_882, %add3A_883 : i32
      %swap3A_885 = arith.index_cast %add3A_884 : i32 to index
      %swap3A_886 = arith.constant 64 : index
      %swap3A_887 = tpu.vector_load %arg8[%swap3A_885, %swap3A_886] {strides = array<i32>} : memref<256x128xf32, #tpu.memory_space<vmem>>, vector<1x16xf32>,
      %swap3A_888 = vector.shape_cast %swap3A_887 : vector<1x16xf32> to vector<16xf32>
      %swap3A_889 = vector.shape_cast %mul3A_880 : vector<16xf32> to vector<1x16xf32>
      tpu.vector_store %arg8[%swap3A_885, %swap3A_886], %swap3A_889 {strides = array<i32>} : memref<256x128xf32, #tpu.memory_space<vmem>>, vector<1x16xf32>,
      %mul3A_890 = arith.constant 2.000000e-02 : f32
      %mul3A_891 = vector.broadcast %mul3A_890 : f32 to vector<16xf32>
      %mul3A_892 = arith.mulf %parallel_loop3A_779#5, %mul3A_891 : vector<16xf32>
      %mul3A_893 = arith.constant 2 : i32
      %mul3A_894 = arith.muli %mul3A_893, %add3A_744 : i32
      %swap3A_895 = arith.index_cast %mul3A_894 : i32 to index
      %swap3A_896 = arith.constant 80 : index
      %swap3A_897 = tpu.vector_load %arg8[%swap3A_895, %swap3A_896] {strides = array<i32>} : memref<256x128xf32, #tpu.memory_space<vmem>>, vector<1x16xf32>,
      %swap3A_898 = vector.shape_cast %swap3A_897 : vector<1x16xf32> to vector<16xf32>
      %swap3A_899 = vector.shape_cast %mul3A_892 : vector<16xf32> to vector<1x16xf32>
      tpu.vector_store %arg8[%swap3A_895, %swap3A_896], %swap3A_899 {strides = array<i32>} : memref<256x128xf32, #tpu.memory_space<vmem>>, vector<1x16xf32>,
      %mul3A_900 = arith.constant 2.000000e-02 : f32
      %mul3A_901 = vector.broadcast %mul3A_900 : f32 to vector<16xf32>
      %mul3A_902 = arith.mulf %parallel_loop3A_779#13, %mul3A_901 : vector<16xf32>
      %mul3A_903 = arith.constant 2 : i32
      %mul3A_904 = arith.muli %mul3A_903, %add3A_744 : i32
      %add3A_905 = arith.constant 1 : i32
      %add3A_906 = arith.addi %mul3A_904, %add3A_905 : i32
      %swap3A_907 = arith.index_cast %add3A_906 : i32 to index
      %swap3A_908 = arith.constant 80 : index
      %swap3A_909 = tpu.vector_load %arg8[%swap3A_907, %swap3A_908] {strides = array<i32>} : memref<256x128xf32, #tpu.memory_space<vmem>>, vector<1x16xf32>,
      %swap3A_910 = vector.shape_cast %swap3A_909 : vector<1x16xf32> to vector<16xf32>
      %swap3A_911 = vector.shape_cast %mul3A_902 : vector<16xf32> to vector<1x16xf32>
      tpu.vector_store %arg8[%swap3A_907, %swap3A_908], %swap3A_911 {strides = array<i32>} : memref<256x128xf32, #tpu.memory_space<vmem>>, vector<1x16xf32>,
      %mul3A_912 = arith.constant 2.000000e-02 : f32
      %mul3A_913 = vector.broadcast %mul3A_912 : f32 to vector<16xf32>
      %mul3A_914 = arith.mulf %parallel_loop3A_779#6, %mul3A_913 : vector<16xf32>
      %mul3A_915 = arith.constant 2 : i32
      %mul3A_916 = arith.muli %mul3A_915, %add3A_744 : i32
      %swap3A_917 = arith.index_cast %mul3A_916 : i32 to index
      %swap3A_918 = arith.constant 96 : index
      %swap3A_919 = tpu.vector_load %arg8[%swap3A_917, %swap3A_918] {strides = array<i32>} : memref<256x128xf32, #tpu.memory_space<vmem>>, vector<1x16xf32>,
      %swap3A_920 = vector.shape_cast %swap3A_919 : vector<1x16xf32> to vector<16xf32>
      %swap3A_921 = vector.shape_cast %mul3A_914 : vector<16xf32> to vector<1x16xf32>
      tpu.vector_store %arg8[%swap3A_917, %swap3A_918], %swap3A_921 {strides = array<i32>} : memref<256x128xf32, #tpu.memory_space<vmem>>, vector<1x16xf32>,
      %mul3A_922 = arith.constant 2.000000e-02 : f32
      %mul3A_923 = vector.broadcast %mul3A_922 : f32 to vector<16xf32>
      %mul3A_924 = arith.mulf %parallel_loop3A_779#14, %mul3A_923 : vector<16xf32>
      %mul3A_925 = arith.constant 2 : i32
      %mul3A_926 = arith.muli %mul3A_925, %add3A_744 : i32
      %add3A_927 = arith.constant 1 : i32
      %add3A_928 = arith.addi %mul3A_926, %add3A_927 : i32
      %swap3A_929 = arith.index_cast %add3A_928 : i32 to index
      %swap3A_930 = arith.constant 96 : index
      %swap3A_931 = tpu.vector_load %arg8[%swap3A_929, %swap3A_930] {strides = array<i32>} : memref<256x128xf32, #tpu.memory_space<vmem>>, vector<1x16xf32>,
      %swap3A_932 = vector.shape_cast %swap3A_931 : vector<1x16xf32> to vector<16xf32>
      %swap3A_933 = vector.shape_cast %mul3A_924 : vector<16xf32> to vector<1x16xf32>
      tpu.vector_store %arg8[%swap3A_929, %swap3A_930], %swap3A_933 {strides = array<i32>} : memref<256x128xf32, #tpu.memory_space<vmem>>, vector<1x16xf32>,
      %mul3A_934 = arith.constant 2.000000e-02 : f32
      %mul3A_935 = vector.broadcast %mul3A_934 : f32 to vector<16xf32>
      %mul3A_936 = arith.mulf %parallel_loop3A_779#7, %mul3A_935 : vector<16xf32>
      %mul3A_937 = arith.constant 2 : i32
      %mul3A_938 = arith.muli %mul3A_937, %add3A_744 : i32
      %swap3A_939 = arith.index_cast %mul3A_938 : i32 to index
      %swap3A_940 = arith.constant 112 : index
      %swap3A_941 = tpu.vector_load %arg8[%swap3A_939, %swap3A_940] {strides = array<i32>} : memref<256x128xf32, #tpu.memory_space<vmem>>, vector<1x16xf32>,
      %swap3A_942 = vector.shape_cast %swap3A_941 : vector<1x16xf32> to vector<16xf32>
      %swap3A_943 = vector.shape_cast %mul3A_936 : vector<16xf32> to vector<1x16xf32>
      tpu.vector_store %arg8[%swap3A_939, %swap3A_940], %swap3A_943 {strides = array<i32>} : memref<256x128xf32, #tpu.memory_space<vmem>>, vector<1x16xf32>,
      %mul3A_944 = arith.constant 2.000000e-02 : f32
      %mul3A_945 = vector.broadcast %mul3A_944 : f32 to vector<16xf32>
      %mul3A_946 = arith.mulf %parallel_loop3A_779#15, %mul3A_945 : vector<16xf32>
      %mul3A_947 = arith.constant 2 : i32
      %mul3A_948 = arith.muli %mul3A_947, %add3A_744 : i32
      %add3A_949 = arith.constant 1 : i32
      %add3A_950 = arith.addi %mul3A_948, %add3A_949 : i32
      %swap3A_951 = arith.index_cast %add3A_950 : i32 to index
      %swap3A_952 = arith.constant 112 : index
      %swap3A_953 = tpu.vector_load %arg8[%swap3A_951, %swap3A_952] {strides = array<i32>} : memref<256x128xf32, #tpu.memory_space<vmem>>, vector<1x16xf32>,
      %swap3A_954 = vector.shape_cast %swap3A_953 : vector<1x16xf32> to vector<16xf32>
      %swap3A_955 = vector.shape_cast %mul3A_946 : vector<16xf32> to vector<1x16xf32>
      tpu.vector_store %arg8[%swap3A_951, %swap3A_952], %swap3A_955 {strides = array<i32>} : memref<256x128xf32, #tpu.memory_space<vmem>>, vector<1x16xf32>,
      %add3A_956 = arith.constant 4 : i32
      %add3A_957 = arith.addi %add3A_744, %add3A_956 : i32
      %lt3A_958 = arith.constant 128 : i32
      %lt3A_959 = arith.cmpi slt, %add3A_957, %lt3A_958 : i32
      %convert_element_type3A_960 = arith.extui %lt3A_959 : i1 to i32
      %cond3A_961 = arith.constant 0 : i32
      %cond3A_962 = arith.cmpi ne, %convert_element_type3A_960, %cond3A_961 : i32
      scf.if %cond3A_962 {
        %dma_start3A_967 = arith.constant 3 : i32
        %dma_start3A_968 = arith.constant 3 : i32
        %dma_start3A_969 = arith.constant 0 : i32
        %dma_start3A_970 = arith.constant 0 : i32
        %dma_start3A_971 = tpu.memref_slice %arg7[%dma_start3A_967, %dma_start3A_969, %dma_start3A_970] : memref<4x100x128xf32, #tpu.memory_space<vmem>> -> memref<1x100x128xf32, #tpu.memory_space<vmem>>
        %dma_start3A_972 = tpu.memref_squeeze %dma_start3A_971 : memref<1x100x128xf32, #tpu.memory_space<vmem>> -> memref<100x128xf32, #tpu.memory_space<vmem>>
        %dma_start3A_973 = arith.constant 0 : i32
        %dma_start3A_974 = tpu.memref_slice %arg6[%add3A_957, %dma_start3A_973] : memref<128x100xi32, #tpu.memory_space<vmem>> -> memref<1x100xi32, #tpu.memory_space<vmem>>
        %dma_start3A_975 = tpu.memref_squeeze %dma_start3A_974 : memref<1x100xi32, #tpu.memory_space<vmem>> -> memref<100xi32, #tpu.memory_space<vmem>>
        %dma_start3A_976 = arith.constant 0 : i32
        %dma_start3A_977 = arith.constant 0 : i32
        %dma_start3A_978 = tpu.memref_slice %arg3[%dma_start3A_976, %dma_start3A_977] : memref<100000x128xf32, #tpu.memory_space<hbm>> -> memref<100000x128xf32, #tpu.memory_space<hbm>>
        %dma_start3A_979 = tpu.memref_slice %arg9[%dma_start3A_968] : memref<4x!tpu.dma_semaphore, #tpu.memory_space<semaphore_mem>> -> memref<1x!tpu.dma_semaphore, #tpu.memory_space<semaphore_mem>>
        %dma_start3A_980 = tpu.memref_squeeze %dma_start3A_979 : memref<1x!tpu.dma_semaphore, #tpu.memory_space<semaphore_mem>> -> memref<!tpu.dma_semaphore, #tpu.memory_space<semaphore_mem>>
        tpu.enqueue_indirect_dma source(%dma_start3A_978 : memref<100000x128xf32, #tpu.memory_space<hbm>>) target(%dma_start3A_972 : memref<100x128xf32, #tpu.memory_space<vmem>>) offsets(%dma_start3A_975 : memref<100xi32, #tpu.memory_space<vmem>>) semaphore(%dma_start3A_980 : memref<!tpu.dma_semaphore, #tpu.memory_space<semaphore_mem>>)
      } else {
      }
      %eq3A = arith.constant 15 : i32
      %eq3A_963 = arith.cmpi eq, %scan3A_80, %eq3A : i32
      %convert_element_type3A_964 = arith.extui %eq3A_963 : i1 to i32
      %cond3A_965 = arith.constant 0 : i32
      %cond3A_966 = arith.cmpi ne, %convert_element_type3A_964, %cond3A_965 : i32
      scf.if %cond3A_966 {
        %dma_start3A_967 = arith.constant 0 : i32
        %dma_start3A_968 = arith.constant 0 : i32
        %dma_start3A_969 = tpu.memref_slice %arg8[%dma_start3A_967, %dma_start3A_968] : memref<256x128xf32, #tpu.memory_space<vmem>> -> memref<128x128xf32, #tpu.memory_space<vmem>>
        %dma_start3A_970 = arith.constant 0 : i32
        %dma_start3A_971 = tpu.memref_slice %arg4[%mul3A_2, %dma_start3A_970] : memref<4096x128xf32, #tpu.memory_space<hbm>> -> memref<128x128xf32, #tpu.memory_space<hbm>>
        %dma_start3A_972 = arith.constant 0 : i32
        %dma_start3A_973 = tpu.memref_slice %arg4[%mul3A_2, %dma_start3A_972] : memref<4096x128xf32, #tpu.memory_space<hbm>> -> memref<128x128xf32, #tpu.memory_space<hbm>>
        %dma_start3A_974 = arith.constant 0 : i32
        %dma_start3A_975 = arith.constant 0 : i32
        %dma_start3A_976 = tpu.memref_slice %arg8[%dma_start3A_974, %dma_start3A_975] : memref<256x128xf32, #tpu.memory_space<vmem>> -> memref<128x128xf32, #tpu.memory_space<vmem>>
        tpu.enqueue_dma source(%dma_start3A_976 : memref<128x128xf32, #tpu.memory_space<vmem>>) target(%dma_start3A_973 : memref<128x128xf32, #tpu.memory_space<hbm>>) target_semaphore(%arg10 : memref<!tpu.dma_semaphore, #tpu.memory_space<semaphore_mem>>)
      } else {
      }
    }
    %scan3A_70 = arith.constant 32 : i32
    "tpu.region"() ({
      %run_scoped3A = tpu.sem_alloc : memref<!tpu.dma_semaphore, #tpu.memory_space<semaphore_mem>>
      %dma_start3A_80 = arith.constant 128 : i32
      %dma_start3A_81 = arith.constant 0 : i32
      %dma_start3A_82 = tpu.memref_slice %arg8[%dma_start3A_80, %dma_start3A_81] : memref<256x128xf32, #tpu.memory_space<vmem>> -> memref<128x128xf32, #tpu.memory_space<vmem>>
      %dma_start3A_83 = arith.constant 0 : i32
      %dma_start3A_84 = tpu.memref_slice %arg5[%mul3A_2, %dma_start3A_83] : memref<4096x128xf32, #tpu.memory_space<hbm>> -> memref<128x128xf32, #tpu.memory_space<hbm>>
      %dma_start3A_85 = arith.constant 0 : i32
      %dma_start3A_86 = tpu.memref_slice %arg5[%mul3A_2, %dma_start3A_85] : memref<4096x128xf32, #tpu.memory_space<hbm>> -> memref<128x128xf32, #tpu.memory_space<hbm>>
      %dma_start3A_87 = arith.constant 128 : i32
      %dma_start3A_88 = arith.constant 0 : i32
      %dma_start3A_89 = tpu.memref_slice %arg8[%dma_start3A_87, %dma_start3A_88] : memref<256x128xf32, #tpu.memory_space<vmem>> -> memref<128x128xf32, #tpu.memory_space<vmem>>
      tpu.enqueue_dma source(%dma_start3A_89 : memref<128x128xf32, #tpu.memory_space<vmem>>) target(%dma_start3A_86 : memref<128x128xf32, #tpu.memory_space<hbm>>) target_semaphore(%run_scoped3A : memref<!tpu.dma_semaphore, #tpu.memory_space<semaphore_mem>>)
      %dma_wait3A_90 = arith.constant 128 : i32
      %dma_wait3A_91 = arith.constant 0 : i32
      %dma_wait3A_92 = tpu.memref_slice %arg8[%dma_wait3A_90, %dma_wait3A_91] : memref<256x128xf32, #tpu.memory_space<vmem>> -> memref<128x128xf32, #tpu.memory_space<vmem>>
      %dma_wait3A_93 = arith.constant 0 : i32
      %dma_wait3A_94 = tpu.memref_slice %arg5[%mul3A_2, %dma_wait3A_93] : memref<4096x128xf32, #tpu.memory_space<hbm>> -> memref<128x128xf32, #tpu.memory_space<hbm>>
      %dma_wait3A_95 = arith.constant 0 : i32
      %dma_wait3A_96 = tpu.memref_slice %arg5[%mul3A_2, %dma_wait3A_95] : memref<4096x128xf32, #tpu.memory_space<hbm>> -> memref<128x128xf32, #tpu.memory_space<hbm>>
      %dma_wait3A_97 = arith.constant 128 : i32
      %dma_wait3A_98 = arith.constant 0 : i32
      %dma_wait3A_99 = tpu.memref_slice %arg8[%dma_wait3A_97, %dma_wait3A_98] : memref<256x128xf32, #tpu.memory_space<vmem>> -> memref<128x128xf32, #tpu.memory_space<vmem>>
      tpu.wait_dma2 semaphore(%run_scoped3A : memref<!tpu.dma_semaphore, #tpu.memory_space<semaphore_mem>>) src(%dma_wait3A_99 : memref<128x128xf32, #tpu.memory_space<vmem>>) dst(%dma_wait3A_96 : memref<128x128xf32, #tpu.memory_space<hbm>>)
      tpu.yield
    }) : () -> ()
    %dma_wait3A = arith.constant 0 : i32
    %dma_wait3A_71 = arith.constant 0 : i32
    %dma_wait3A_72 = tpu.memref_slice %arg8[%dma_wait3A, %dma_wait3A_71] : memref<256x128xf32, #tpu.memory_space<vmem>> -> memref<128x128xf32, #tpu.memory_space<vmem>>
    %dma_wait3A_73 = arith.constant 0 : i32
    %dma_wait3A_74 = tpu.memref_slice %arg4[%mul3A_2, %dma_wait3A_73] : memref<4096x128xf32, #tpu.memory_space<hbm>> -> memref<128x128xf32, #tpu.memory_space<hbm>>
    %dma_wait3A_75 = arith.constant 0 : i32
    %dma_wait3A_76 = tpu.memref_slice %arg4[%mul3A_2, %dma_wait3A_75] : memref<4096x128xf32, #tpu.memory_space<hbm>> -> memref<128x128xf32, #tpu.memory_space<hbm>>
    %dma_wait3A_77 = arith.constant 0 : i32
    %dma_wait3A_78 = arith.constant 0 : i32
    %dma_wait3A_79 = tpu.memref_slice %arg8[%dma_wait3A_77, %dma_wait3A_78] : memref<256x128xf32, #tpu.memory_space<vmem>> -> memref<128x128xf32, #tpu.memory_space<vmem>>
    tpu.wait_dma2 semaphore(%arg10 : memref<!tpu.dma_semaphore, #tpu.memory_space<semaphore_mem>>) src(%dma_wait3A_79 : memref<128x128xf32, #tpu.memory_space<vmem>>) dst(%dma_wait3A_76 : memref<128x128xf32, #tpu.memory_space<hbm>>)
    return
  }
}

module attributes {stable_mosaic.version = 14 : i64} {
  func.func @_tc_mlp_body(%arg0: i32, %arg1: memref<2048x128xf32, #tpu.memory_space<vmem>>, %arg2: memref<2048x128xf32, #tpu.memory_space<vmem>>, %arg3: memref<128x256xf32, #tpu.memory_space<vmem>>, %arg4: memref<1x256xf32, #tpu.memory_space<vmem>>, %arg5: memref<256x128xf32, #tpu.memory_space<vmem>>, %arg6: memref<1x128xf32, #tpu.memory_space<vmem>>, %arg7: memref<2048x128xf32, #tpu.memory_space<vmem>>) attributes {dimension_semantics = [#tpu.dimension_semantics<arbitrary>], iteration_bounds = array<i64: 2>, scalar_prefetch = 0 : i64, scratch_operands = 0 : i64, tpu.core_type = #tpu.core_type<tc>, window_params = [{transform_indices = @transform_0, window_bounds = array<i64: 2048, 128>}, {transform_indices = @transform_1, window_bounds = array<i64: 2048, 128>}, {pipeline_mode = #tpu.pipeline_mode<synchronous>, transform_indices = @transform_2, window_bounds = array<i64: 128, 256>}, {pipeline_mode = #tpu.pipeline_mode<synchronous>, transform_indices = @transform_3, window_bounds = array<i64: 1, 256>}, {pipeline_mode = #tpu.pipeline_mode<synchronous>, transform_indices = @transform_4, window_bounds = array<i64: 256, 128>}, {pipeline_mode = #tpu.pipeline_mode<synchronous>, transform_indices = @transform_5, window_bounds = array<i64: 1, 128>}, {transform_indices = @transform_6, window_bounds = array<i64: 2048, 128>}]} {
    %get3A = arith.constant 0 : index
    %get3A_0 = arith.constant 0 : index
    %get3A_1 = vector.load %arg3[%get3A, %get3A_0] : memref<128x256xf32, #tpu.memory_space<vmem>>, vector<128x256xf32>
    %get3A_2 = arith.constant 0 : index
    %get3A_3 = arith.constant 0 : index
    %get3A_4 = vector.load %arg4[%get3A_2, %get3A_3] : memref<1x256xf32, #tpu.memory_space<vmem>>, vector<1x256xf32>
    %get3A_5 = arith.constant 0 : index
    %get3A_6 = arith.constant 0 : index
    %get3A_7 = vector.load %arg5[%get3A_5, %get3A_6] : memref<256x128xf32, #tpu.memory_space<vmem>>, vector<256x128xf32>
    %get3A_8 = arith.constant 0 : index
    %get3A_9 = arith.constant 0 : index
    %get3A_10 = vector.load %arg6[%get3A_8, %get3A_9] : memref<1x128xf32, #tpu.memory_space<vmem>>, vector<1x128xf32>
    %get3A_11 = arith.constant 0 : index
    %get3A_12 = arith.constant 0 : index
    %get3A_13 = vector.load %arg1[%get3A_11, %get3A_12] : memref<2048x128xf32, #tpu.memory_space<vmem>>, vector<2048x128xf32>
    %dot_general3A = arith.constant dense<0.000000e+00> : vector<2048x256xf32>
    %dot_general3A_14 = tpu.matmul %get3A_13, %get3A_1, %dot_general3A {dimension_numbers = #tpu.dot_dimension_numbers<[1], [0], [0], [1], [0, 0, 1, 1], [], []>, transpose_lhs_hint = false} : vector<2048x128xf32>, vector<128x256xf32>, vector<2048x256xf32> -> vector<2048x256xf32>
    %add3A = vector.broadcast %get3A_4 : vector<1x256xf32> to vector<2048x256xf32>
    %add3A_15 = arith.addf %dot_general3A_14, %add3A : vector<2048x256xf32>
    %mul3A = arith.constant 5.000000e-01 : f32
    %mul3A_16 = vector.broadcast %mul3A : f32 to vector<2048x256xf32>
    %mul3A_17 = arith.mulf %mul3A_16, %add3A_15 : vector<2048x256xf32>
    %mul3A_18 = arith.constant 0.707106769 : f32
    %mul3A_19 = vector.broadcast %mul3A_18 : f32 to vector<2048x256xf32>
    %mul3A_20 = arith.mulf %add3A_15, %mul3A_19 : vector<2048x256xf32>
    %erf3A = math.erf %mul3A_20 : vector<2048x256xf32>
    %add3A_21 = arith.constant 1.000000e+00 : f32
    %add3A_22 = vector.broadcast %add3A_21 : f32 to vector<2048x256xf32>
    %add3A_23 = arith.addf %add3A_22, %erf3A : vector<2048x256xf32>
    %mul3A_24 = arith.mulf %mul3A_17, %add3A_23 : vector<2048x256xf32>
    %dot_general3A_25 = arith.constant dense<0.000000e+00> : vector<2048x128xf32>
    %dot_general3A_26 = tpu.matmul %mul3A_24, %get3A_7, %dot_general3A_25 {dimension_numbers = #tpu.dot_dimension_numbers<[1], [0], [0], [1], [0, 0, 1, 1], [], []>, transpose_lhs_hint = false} : vector<2048x256xf32>, vector<256x128xf32>, vector<2048x128xf32> -> vector<2048x128xf32>
    %get3A_27 = arith.constant 0 : index
    %get3A_28 = arith.constant 0 : index
    %get3A_29 = vector.load %arg2[%get3A_27, %get3A_28] : memref<2048x128xf32, #tpu.memory_space<vmem>>, vector<2048x128xf32>
    %dot_general3A_30 = arith.constant dense<0.000000e+00> : vector<2048x256xf32>
    %dot_general3A_31 = tpu.matmul %get3A_29, %get3A_1, %dot_general3A_30 {dimension_numbers = #tpu.dot_dimension_numbers<[1], [0], [0], [1], [0, 0, 1, 1], [], []>, transpose_lhs_hint = false} : vector<2048x128xf32>, vector<128x256xf32>, vector<2048x256xf32> -> vector<2048x256xf32>
    %add3A_32 = vector.broadcast %get3A_4 : vector<1x256xf32> to vector<2048x256xf32>
    %add3A_33 = arith.addf %dot_general3A_31, %add3A_32 : vector<2048x256xf32>
    %mul3A_34 = arith.constant 5.000000e-01 : f32
    %mul3A_35 = vector.broadcast %mul3A_34 : f32 to vector<2048x256xf32>
    %mul3A_36 = arith.mulf %mul3A_35, %add3A_33 : vector<2048x256xf32>
    %mul3A_37 = arith.constant 0.707106769 : f32
    %mul3A_38 = vector.broadcast %mul3A_37 : f32 to vector<2048x256xf32>
    %mul3A_39 = arith.mulf %add3A_33, %mul3A_38 : vector<2048x256xf32>
    %erf3A_40 = math.erf %mul3A_39 : vector<2048x256xf32>
    %add3A_41 = arith.constant 1.000000e+00 : f32
    %add3A_42 = vector.broadcast %add3A_41 : f32 to vector<2048x256xf32>
    %add3A_43 = arith.addf %add3A_42, %erf3A_40 : vector<2048x256xf32>
    %mul3A_44 = arith.mulf %mul3A_36, %add3A_43 : vector<2048x256xf32>
    %dot_general3A_45 = arith.constant dense<0.000000e+00> : vector<2048x128xf32>
    %dot_general3A_46 = tpu.matmul %mul3A_44, %get3A_7, %dot_general3A_45 {dimension_numbers = #tpu.dot_dimension_numbers<[1], [0], [0], [1], [0, 0, 1, 1], [], []>, transpose_lhs_hint = false} : vector<2048x256xf32>, vector<256x128xf32>, vector<2048x128xf32> -> vector<2048x128xf32>
    %add3A_47 = arith.addf %dot_general3A_26, %dot_general3A_46 : vector<2048x128xf32>
    %mul3A_48 = arith.constant 2.000000e+00 : f32
    %mul3A_49 = vector.broadcast %mul3A_48 : f32 to vector<1x128xf32>
    %mul3A_50 = arith.mulf %mul3A_49, %get3A_10 : vector<1x128xf32>
    %add3A_51 = vector.broadcast %mul3A_50 : vector<1x128xf32> to vector<2048x128xf32>
    %add3A_52 = arith.addf %add3A_47, %add3A_51 : vector<2048x128xf32>
    %swap3A = arith.constant 0 : index
    %swap3A_53 = arith.constant 0 : index
    %swap3A_54 = vector.load %arg7[%swap3A, %swap3A_53] : memref<2048x128xf32, #tpu.memory_space<vmem>>, vector<2048x128xf32>
    tpu.vector_store %arg7[%swap3A, %swap3A_53], %add3A_52 {strides = array<i32>} : memref<2048x128xf32, #tpu.memory_space<vmem>>, vector<2048x128xf32>,
    return
  }
  func.func @transform_0(%arg0: i32) -> (i32, i32) {
    %c0_i32 = arith.constant 0 : i32
    %c0_i32_0 = arith.constant 0 : i32
    return %arg0, %c0_i32 : i32, i32
  }
  func.func @transform_1(%arg0: i32) -> (i32, i32) {
    %c0_i32 = arith.constant 0 : i32
    %c0_i32_0 = arith.constant 0 : i32
    return %arg0, %c0_i32 : i32, i32
  }
  func.func @transform_2(%arg0: i32) -> (i32, i32) {
    %c0_i32 = arith.constant 0 : i32
    %c0_i32_0 = arith.constant 0 : i32
    %c0_i32_1 = arith.constant 0 : i32
    return %c0_i32, %c0_i32_0 : i32, i32
  }
  func.func @transform_3(%arg0: i32) -> (i32, i32) {
    %c0_i32 = arith.constant 0 : i32
    %c0_i32_0 = arith.constant 0 : i32
    %c0_i32_1 = arith.constant 0 : i32
    return %c0_i32, %c0_i32_0 : i32, i32
  }
  func.func @transform_4(%arg0: i32) -> (i32, i32) {
    %c0_i32 = arith.constant 0 : i32
    %c0_i32_0 = arith.constant 0 : i32
    %c0_i32_1 = arith.constant 0 : i32
    return %c0_i32, %c0_i32_0 : i32, i32
  }
  func.func @transform_5(%arg0: i32) -> (i32, i32) {
    %c0_i32 = arith.constant 0 : i32
    %c0_i32_0 = arith.constant 0 : i32
    %c0_i32_1 = arith.constant 0 : i32
    return %c0_i32, %c0_i32_0 : i32, i32
  }
  func.func @transform_6(%arg0: i32) -> (i32, i32) {
    %c0_i32 = arith.constant 0 : i32
    %c0_i32_0 = arith.constant 0 : i32
    return %arg0, %c0_i32 : i32, i32
  }
}

</mosaic_0001>

<sc_bundles>
// kernel: kernel.4.cloned.1.call-start
scs
__scs_entry_jumppad:
0x0: {  	(pc) =	sbr.rel $0x88, $3  }
0x1: {  	(tag) =	ssettag $0x0;
	lr =	simm.s32 $0x1  }
0x2: {  	[smem:$0x3F9A] =	sst lr;
	_ =	strace $0xD0000000  }
0x3: {  	_ = 	snop  }
0x4: {  	_ = 	snop  }
0x5: {  	_ = 	snop  }
0x6: {  	_ = 	snop  }
0x7: {  	_ = 	snop  }
__scs_overlays_trampoline_lowered:
0x8: {  	[smem:$0x3FA9] =	sst s0  }
0x9: {  	[smem:$0x3FAA] =	sst s1  }
0xa: {  	[smem:$0x3FAB] =	sst s2  }
0xb: {  	[smem:$0x3FAC] =	sst s3  }
0xc: {  	[smem:$0x3FAD] =	sst s4  }
0xd: {  	[smem:$0x3FAE] =	sst s5  }
0xe: {  	[smem:$0x3FAF] =	sst s6  }
0xf: {  	[smem:$0x3FB0] =	sst s7  }
0x10: {  	[smem:$0x3FB1] =	sst s8  }
0x11: {  	[smem:$0x3FB2] =	sst s9;
	s0 =	simm.s32 @!p0 $0x0  }
0x12: {  	s1 =	sld [smem:$0x3F98];
	s0 =	simm.s32 @p0 $0x1  }
0x13: {  	[smem:$0x3FB3] =	sst s0;
	s0 =	simm.s32 @!p1 $0x0  }
0x14: {  	s2 =	sld [smem:$0x3F97];
	s0 =	simm.s32 @p1 $0x1  }
0x15: {  	[smem:$0x3FB4] =	sst s0;
	s0 =	simm.s32 @!p2 $0x0  }
0x16: {  	s3 =	sld [smem:$0x3FDB];
	s0 =	simm.s32 @p2 $0x1  }
0x17: {  	s4 =	simm.s32 $0x1BF5;
	[smem:$0x3FB6] =	sst s0  }
0x18: {  	s0 =	sld [smem:$0x3F99];
	_ =	swait.ge [sflag:s4], $0x0  }
0x19: {  	s7 =	sld [smem:$0x3F9A]  }
0x1a: {  	s8 =	sadd.s32 $0xFFFFE003, lr  }
0x1b: {  	s9 =	sadd.s32 $0xFFFFFEF7, lr;
	s5 =	simm.s32 $0xFFFFFFFF;
	p2 =	slt.u32 s8, $0xFFFFF086  }
0x1c: {  	p1 =	slt.u32 s9, $0xF7A;
	s5 =	simm.s32 @!p2 $0x0  }
0x1d: {  	s5 =	simm.s32 @p1 $0x1;
	p0 =	seq.s32 s7, s2  }
0x1e: {  	s7 =	smul.u32 @!p0 $0xF7A, s2;
	p2 =	seq.s32 @!p0 s5, $0x0  }
0x1f: {  	s9 =	smul.u32 $0xF7A, s1;
	s8 =	simm.s32 @!p0 $0x1BF5;
	p2 =	por !p2, p0  }
0x20: {  	[sflag:s8] =	ssyncset.s32 @!p0 $0xFFFFF086;
	s6 =	sadd.s32 @!p0 s3, s7;
	s7 =	simm.s32 @!p0 $0x108  }
0x21: {  	s3 =	sadd.s32 s3, s9;
	s6 =	sadd.s32 @!p0 $0x88, s6;
	s7 =	simm.s32 @p2 $0x1082  }
0x22: {  	[simem:s7], [sflag:s8] =	dma.local @!p0 [hbm:s6], $0xF7A  }
0x23: {  	s9 =	sor.u32 $0xD0000000, s2;
	s6 =	simm.s32 $0x108;
	_ =	swait.ge @!p0 [sflag:s8], $0x0  }
0x24: {  	s3 =	sadd.s32 $0x88, s3;
	s6 =	simm.s32 @!p1 $0x1082;
	[sflag:s4] =	ssyncset.s32 $0xFFFFF086  }
0x25: {  	[simem:s6], [sflag:s4] =	dma.local [hbm:s3], $0xF7A  }
0x26: {  	[smem:$0x3F9A] =	sst s1;
	(tag) =	ssettag s2;
	_ =	strace s9  }
0x27: {  	s1 =	sld [smem:$0x3FAA]  }
0x28: {  	s2 =	sld [smem:$0x3FAB]  }
0x29: {  	s4 =	sld [smem:$0x3FAD]  }
0x2a: {  	p0 =	seq.s32 s5, $0x0;
	s5 =	sld [smem:$0x3FAE]  }
0x2b: {  	s6 =	sld [smem:$0x3FAF]  }
0x2c: {  	s7 =	sld [smem:$0x3FB0]  }
0x2d: {  	s3 =	simm.s32 $0x108;
	s8 =	sld [smem:$0x3FB1]  }
0x2e: {  	s3 =	simm.s32 @!p0 $0x1082;
	s9 =	sld [smem:$0x3FB2]  }
0x2f: {  	lr =	sadd.s32 s0, s3;
	s0 =	sld [smem:$0x3FA9]  }
0x30: {  	s3 =	sld [smem:$0x3FAC]  }
0x31: {  	[smem:$0x3FB5] =	sst s10  }
0x32: {  	s10 =	sld [smem:$0x3FB3];
	_ =	sdelay $0x3  }
0x33: {  	p0 =	seq.s32 s10, $0x1;
	s10 =	sld [smem:$0x3FB5];
	_ =	sdelay $0x3  }
0x34: {  	[smem:$0x3FB5] =	sst s10  }
0x35: {  	s10 =	sld [smem:$0x3FB4];
	_ =	sdelay $0x3  }
0x36: {  	p1 =	seq.s32 s10, $0x1;
	s10 =	sld [smem:$0x3FB5];
	_ =	sdelay $0x3  }
0x37: {  	[smem:$0x3FB5] =	sst s10  }
0x38: {  	s10 =	sld [smem:$0x3FB6]  }
0x39: {  	_ = 	snop;
	(pc) =	sbr.ind lr, $3  }
0x3a: {  	_ = 	snop  }
0x3b: {  	_ = 	snop  }
0x3c: {  	p2 =	seq.s32 s10, $0x1;
	s10 =	sld [smem:$0x3FB5]  }
0x3d: {  	_ =	shalt  }
0x3e: {  	_ =	shalt  }
0x3f: {  	_ =	shalt  }
0x40: {  	_ =	shalt  }
0x41: {  	_ =	shalt  }
0x42: {  	_ =	shalt  }
0x43: {  	_ =	shalt  }
0x44: {  	_ =	shalt  }
0x45: {  	_ =	shalt  }
0x46: {  	_ =	shalt  }
0x47: {  	_ =	shalt  }
0x48: {  	_ =	shalt  }
0x49: {  	_ =	shalt  }
0x4a: {  	_ =	shalt  }
0x4b: {  	_ =	shalt  }
0x4c: {  	_ =	shalt  }
0x4d: {  	_ =	shalt  }
0x4e: {  	_ =	shalt  }
0x4f: {  	_ =	shalt  }
0x50: {  	_ =	shalt  }
0x51: {  	_ =	shalt  }
0x52: {  	_ =	shalt  }
0x53: {  	_ =	shalt  }
0x54: {  	_ =	shalt  }
0x55: {  	_ =	shalt  }
0x56: {  	_ =	shalt  }
0x57: {  	_ =	shalt  }
0x58: {  	_ =	shalt  }
0x59: {  	_ =	shalt  }
0x5a: {  	_ =	shalt  }
0x5b: {  	_ =	shalt  }
0x5c: {  	_ =	shalt  }
0x5d: {  	_ =	shalt  }
0x5e: {  	_ =	shalt  }
0x5f: {  	_ =	shalt  }
0x60: {  	_ =	shalt  }
0x61: {  	_ =	shalt  }
0x62: {  	_ =	shalt  }
0x63: {  	_ =	shalt  }
0x64: {  	_ =	shalt  }
0x65: {  	_ =	shalt  }
0x66: {  	_ =	shalt  }
0x67: {  	_ =	shalt  }
0x68: {  	_ =	shalt  }
0x69: {  	_ =	shalt  }
0x6a: {  	_ =	shalt  }
0x6b: {  	_ =	shalt  }
0x6c: {  	_ =	shalt  }
0x6d: {  	_ =	shalt  }
0x6e: {  	_ =	shalt  }
0x6f: {  	_ =	shalt  }
0x70: {  	_ =	shalt  }
0x71: {  	_ =	shalt  }
0x72: {  	_ =	shalt  }
0x73: {  	_ =	shalt  }
0x74: {  	_ =	shalt  }
0x75: {  	_ =	shalt  }
0x76: {  	_ =	shalt  }
0x77: {  	_ =	shalt  }
0x78: {  	_ =	shalt  }
0x79: {  	_ =	shalt  }
0x7a: {  	_ =	shalt  }
0x7b: {  	_ =	shalt  }
0x7c: {  	_ =	shalt  }
0x7d: {  	_ =	shalt  }
0x7e: {  	_ =	shalt  }
0x7f: {  	_ =	shalt  }
0x80: {  	_ =	shalt  }
0x81: {  	_ =	shalt  }
0x82: {  	_ =	shalt  }
0x83: {  	_ =	shalt  }
0x84: {  	_ =	shalt  }
0x85: {  	_ =	shalt  }
0x86: {  	_ =	shalt  }
0x87: {  	_ =	shalt  }
.Lfunc_end0:
.L_simem_size_0:
called_computation_lowered:
.L_overlay_start_0:
0x88: {  	s2 =	sld [smem:$0x3FD9]  }
0x89: {  	s3 =	sld [smem:$0x3FFE];
	_ =	sdelay $0x1  }
0x8a: {  	s1 =	srdreg.scid  }
0x8b: {  	s0 =	sand.u32 $0x1, s1  }
0x8c: {  	s15 =	sshll.u32 s0, $0xA;
	s2 =	sadd.s32 s3, s2  }
0x8d: {  	s2 =	sadd.s32 s2, s15  }
0x8e: {  	[smem:$0x3FC1] =	sst s2  }
0x8f: {  	_ = 	snop  }
0x90: {  	s2 =	sld [smem:$0x3FD0];
	_ =	sdelay $0x2  }
0x91: {  	s4 =	simm.s32 $0xA;
	s5 =	simm.s32 $0x10;
	s16 =	sld [smem:$0x3FC7]  }
0x92: {  	[smem:s5], [sflag:s4] =	dma.local [hbm:s2], $0x1  }
0x93: {  	_ =	swait.eq [sflag:s4], $0x1  }
0x94: {  	s17 =	sld [smem:$0x10];
	[sflag:s4] =	ssyncset.done $0x0  }
0x95: {  	s18 =	sld [smem:$0x11];
	[sflag:s4] =	ssyncadd.s32 $0xFFFFFFFF  }
0x96: {  	s19 =	sld [smem:$0x12];
	(tm) =	ssettm $0x1  }
0x97: {  	s6 =	sld [smem:$0x3FFB];
	_ =	sdelay $0x3  }
0x98: {  	_ =	strace s6  }
0x99: {  	s6 =	sld [smem:$0x3FFC];
	_ =	sdelay $0x3  }
0x9a: {  	_ =	strace s6  }
0x9b: {  	s6 =	sld [smem:$0x3FFD];
	_ =	sdelay $0x3  }
0x9c: {  	_ =	strace s6  }
0x9d: {  	_ =	strace $0x8FFFFFFF  }
0x9e: {  	s20 =	sld [smem:$0x3FDB];
	_ =	sdelay $0x1  }
0x9f: {  	s7 =	simm.s32 $_scs_section_size  }
0xa0: {  	s8 =	simm.s32 $_size__tile_overlayer_lowered;
	s9 =	simm.s32 $_tile_overlayer_lowered  }
0xa1: {  	s23 =	simm.s32 $0x1BFF;
	s22 =	sshll.u32 s9, $0x1;
	s6 =	sadd.s32 s7, s20  }
0xa2: {  	s10 =	simm.s32 $0x0;
	s21 =	sshll.u32 s8, $0x1;
	s8 =	sadd.s32 s22, s6  }
0xa3: {  	[timem:s10], [sflag:s23] =	dma.local [hbm:s8], s21  }
0xa4: {  	_ =	swait.ge [sflag:s23], s21  }
0xa5: {  	s7 =	ssub.s32 $0x0, s21;
	[sflag:s23] =	ssyncset.done $0x0  }
0xa6: {  	[sflag:s23] =	ssyncadd.s32 s7;
	_ =	sdelay $0x1  }
0xa7: {  	s24 =	simm.s32 $0x1B8B  }
0xa8: {  	_ =	swait.ge [sflag:s24], $0x1  }
0xa9: {  	[sflag:s24] =	ssyncset.done $0x0  }
0xaa: {  	s25 =	simm.s32 $0x1B8E;
	[sflag:s24] =	ssyncadd.s32 $0xFFFFFFFF  }
0xab: {  	s26 =	simm.s32 $execute0_lowered;
	[smem:$0x3FD2] =	sst s25  }
0xac: {  	s7 =	sshll.u32 s26, $0x1;
	_ =	strace $0x80000046;
	[dreg:$0x1] =	wrdreg $0xFFFFFFFF  }
0xad: {  	s28 =	simm.s32 $_size_execute0_lowered;
	s6 =	sadd.s32 s6, s7;
	[dreg:$0x0] =	wrdreg $0x0  }
0xae: {  	s7 =	sshll.u32 s28, $0x1;
	[dreg:$0x2] =	wrdreg s6  }
0xaf: {  	[dreg:$0x3] =	wrdreg s7  }
0xb0: {  	[dreg:$0x4] =	wrdreg $0xC0  }
0xb1: {  	_ =	task [dreg:s10], $0x5FFFF  }
0xb2: {  	[dreg:$0x1] =	wrdreg $0xFFFFFFFF  }
0xb3: {  	[dreg:$0x0] =	wrdreg $0x60  }
0xb4: {  	[dreg:$0x2] =	wrdreg s17  }
0xb5: {  	[dreg:$0x3] =	wrdreg s16  }
0xb6: {  	[dreg:$0x4] =	wrdreg s18  }
0xb7: {  	[dreg:$0x5] =	wrdreg s19  }
0xb8: {  	[dreg:$0x6] =	wrdreg $0x9  }
0xb9: {  	_ =	task.clear_ibuf [dreg:s10], $0x7FFFF;
	_ =	strace $0x90000046  }
0xba: {  	s29 =	simm.s32 $0x9;
	_ =	strace $0x80000048  }
0xbb: {  	_ =	swait.ge [sflag:s29], $0x1  }
0xbc: {  	[sflag:s29] =	ssyncadd.s32 $0xFFFFFFFF  }
0xbd: {  	_ =	strace $0x90000048  }
0xbe: {  	_ =	sfence  }
0xbf: {  	s30 =	sld [smem:$0x0];
	_ =	sdelay $0x2  }
0xc0: {  	s31 =	sshll.u32 s1, $0xD;
	s1 =	sshrl.u32 s1, $0x2  }
0xc1: {  	s3 =	sand.u32 $0x4000, s31;
	s1 =	sadd.s32 s1, s30  }
0xc2: {  	s0 =	sor.u32 s3, s0;
	s1 =	sshll.u32 s1, $0x11  }
0xc3: {  	s0 =	sor.u32 s1, s0  }
0xc4: {  	s0 =	sadd.s32 $0x8F2B, s0  }
0xc5: {  	[sflag:s0] =	ssyncadd.remote.s32 $0x1  }
0xc6: {  	_ =	sfence.sel $0xFFFF  }
0xc7: {  	[dreg:$0x0] =	wrdreg $0xFFFFFFFF;
	(pc) =	sbr.abs _section_cstart, $3  }
0xc8: {  	[dreg:$0x1] =	wrdreg $0xFFFFFFFF  }
0xc9: {  	_ =	task.clear_ibuf [dreg:s10], $0x2FFFF;
	_ =	strace $0x9FFFFFFF  }
0xca: {  	(tm) =	ssettm $0x7FFFFFFF  }
0xcb: {  	_ =	shalt  }
tec
execute0_lowered:
.L_overlay_start_1:
0x0: {  	(tag) =	ssettag $0x1  }
0x1: {  	s0 =	rddreg [dreg:$0x0]  }
0x2: {  	s1 =	rddreg [dreg:$0x1]  }
0x3: {  	s6 =	rddreg [dreg:$0x2]  }
0x4: {  	s7 =	rddreg [dreg:$0x3]  }
0x5: {  	s4 =	srdreg.scid;
	s2 =	stileid.u32;
	s3 =	simm.s32 $0x0  }
0x6: {  	s10 =	simm.s32 $0x2000;
	s11 =	simm.s32 $0x64;
	s12 =	simm.s32 $0x4000  }
0x7: {  	s13 =	simm.s32 $0x80;
	s14 =	simm.s32 $0x7400;
	s15 =	simm.s32 $0x100  }
0x8: {  	s16 =	simm.s32 $0xA800;
	s17 =	simm.s32 $0x180;
	s18 =	simm.s32 $0xDC00  }
0x9: {  	s19 =	simm.s32 $0x1;
	s20 =	simm.s32 $0x2;
	s21 =	simm.s32 $0x3  }
0xa: {  	s22 =	simm.s32 $0x4;
	s23 =	simm.s32 $0x15000;
	s24 =	simm.s32 $0x5  }
0xb: {  	s25 =	simm.s32 $0x0;
	s4 =	sand.u32 $0x1, s4;
	s5 =	sshll.u32 s2, $0x1  }
.Ltmp0:
0xc: {  	[smem:$0x7FF] =	sst s3;
	s8 =	ssub.s32 $0x2, s4;
	(pc) =	sbr.rel .LBB2_1-.Ltmp0, $4  }
0xd: {  	s5 =	sor.u32 s4, s5;
	_ =	strace $0x80000047;
	s30 =	sshrl.u32 s8, $0x1  }
0xe: {  	s9 =	sshll.u32 s5, $0xA;
	s31 =	sshll.u32 s5, $0xB;
	s8 =	ssub.s32 s8, s30  }
0xf: {  	s4 =	sadd.s32 s0, s9;
	s6 =	sadd.s32 s6, s31;
	s7 =	sadd.s32 s7, s31  }
0x10: {  	s9 =	simm.s32 $0x6;
	s5 =	sadd.s32 $0x8000, s4;
	s8 =	smax.u32 s8, $0x1  }
.LBB2_12:
0x11: {  	[hbm4b:s7+s3] =	stream.linear.scatter [tilespmem:s23], [sflag:$0x6], $0x4000, $0x38;
	[tilespmem:$0x19000] =	vst v63  }
0x12: {  	s25 =	sadd.s32 $0x1, s25  }
0x13: {  	_ =	swait.ge [sflag:s9], $0x4000;
	p0 =	sne.s32 s25, s8  }
.Ltmp1:
0x14: {  	[sflag:s9] =	ssyncset.done $0x0;
	(pc) =	sbr.rel @!p0 .LBB2_13-.Ltmp1, $4  }
0x15: {  	[sflag:s9] =	ssyncadd.s32 $0xFFFFC000  }
0x16: {  	_ =	swait.ge [sflag:s24], $0x4000  }
0x17: {  	[sflag:s24] =	ssyncset.done $0x0  }
0x18: {  	[sflag:s24] =	ssyncadd.s32 $0xFFFFC000  }
.LBB2_1:
0x19: {  	[tilespmem:s3], [sflag:$0x6] =	stream.linear.gather [hbm4b:s4+s3], $0x2000, $0x38;
	[tilespmem:$0x19000] =	vst v63  }
0x1a: {  	_ =	swait.ge [sflag:s9], $0x2000  }
0x1b: {  	[sflag:s9] =	ssyncset.done $0x0  }
0x1c: {  	[sflag:s9] =	ssyncadd.s32 $0xFFFFE000  }
0x1d: {  	[tilespmem:s10], [sflag:$0x6] =	stream.linear.gather [hbm4b:s5+s3], $0x2000, $0x38;
	[tilespmem:$0x19000] =	vst v63  }
0x1e: {  	_ =	swait.ge [sflag:s9], $0x2000  }
0x1f: {  	[sflag:s9] =	ssyncset.done $0x0  }
0x20: {  	[sflag:s9] =	ssyncadd.s32 $0xFFFFE000  }
0x21: {  	[tilespmem:s12], [sflag:$0x1] =	stream.indirect.gather [hbm4b:s1+s11], $0x80, s3, s11, $0xb8;
	[tilespmem:$0x19000] =	vst v63  }
0x22: {  	_ = 	snop  }
0x23: {  	[tilespmem:s14], [sflag:$0x2] =	stream.indirect.gather [hbm4b:s1+s11], $0x80, s13, s11, $0xb8;
	[tilespmem:$0x19000] =	vst v63  }
0x24: {  	_ = 	snop  }
0x25: {  	[tilespmem:s16], [sflag:$0x3] =	stream.indirect.gather [hbm4b:s1+s11], $0x80, s15, s11, $0xb8;
	[tilespmem:$0x19000] =	vst v63  }
0x26: {  	s26 =	simm.s32 $0x0  }
0x27: {  	[tilespmem:s18], [sflag:$0x4] =	stream.indirect.gather [hbm4b:s1+s11], $0x80, s17, s11, $0xb8;
	[tilespmem:$0x19000] =	vst v63  }
.LBB2_2:
0x28: {  	_ =	swait.ge [sflag:s19], $0x3200  }
0x29: {  	[sflag:s19] =	ssyncset.done $0x0  }
0x2a: {  	s0 =	simm.s32 $0x40;
	[sflag:s19] =	ssyncadd.s32 $0xFFFFCE00  }
0x2b: {  	v0 =	vld [tilespmem:s0+$0x5930]  }
0x2c: {  	v1 =	vld [tilespmem:s0+$0x3FC0]  }
0x2d: {  	v2 =	vld [tilespmem:s0+$0x3FD0]  }
0x2e: {  	v3 =	vld [tilespmem:s0+$0x3FE0]  }
0x2f: {  	v4 =	vld [tilespmem:s0+$0x3FF0]  }
0x30: {  	v5 =	vld [tilespmem:s0+$0x4000]  }
0x31: {  	v8 =	vld [tilespmem:s0+$0x4010]  }
0x32: {  	v10 =	vld [tilespmem:s0+$0x4020]  }
0x33: {  	v12 =	vld [tilespmem:s0+$0x4030]  }
0x34: {  	v7 =	vimm.f32 $0.0e+00;
	v14 =	vld [tilespmem:s0+$0x58C0]  }
0x35: {  	v16 =	vld [tilespmem:s0+$0x58D0];
	v0 =	vadd.f32 v0, v7  }
0x36: {  	v13 =	vadd.f32 v1, v7;
	v11 =	vadd.f32 v2, v7  }
0x37: {  	v20 =	vld [tilespmem:s0+$0x58E0];
	v9 =	vadd.f32 v3, v7;
	v6 =	vadd.f32 v4, v7  }
0x38: {  	v19 =	vld [tilespmem:s0+$0x58F0];
	v4 =	vadd.f32 v5, v7;
	v3 =	vadd.f32 v8, v7  }
0x39: {  	v18 =	vld [tilespmem:s0+$0x5900];
	v2 =	vadd.f32 v10, v7;
	v1 =	vadd.f32 v12, v7  }
0x3a: {  	v17 =	vld [tilespmem:s0+$0x5910];
	v15 =	vadd.f32 v14, v7;
	v14 =	vadd.f32 v16, v7;
	v12 =	vimm.f32 $0.0e+00  }
0x3b: {  	s28 =	simm.s32 $0xC0;
	s29 =	simm.s32 $0x500;
	v16 =	vld [tilespmem:s0+$0x5920];
	v10 =	vimm.f32 $0.0e+00;
	v8 =	vimm.f32 $0.0e+00;
	v5 =	vimm.f32 $0.0e+00  }
.LBB2_3:
0x3c: {  	p0 =	sne.s32 s29, $0x6300;
	v21 =	vld [tilespmem:s28+$0x5930];
	v7 =	vadd.f32 v20, v7  }
0x3d: {  	v20 =	vld [tilespmem:s28+$0x3FC0];
	v12 =	vadd.f32 v19, v12  }
0x3e: {  	v19 =	vld [tilespmem:s28+$0x3FD0];
	v10 =	vadd.f32 v18, v10  }
0x3f: {  	v18 =	vld [tilespmem:s28+$0x3FE0];
	v8 =	vadd.f32 v17, v8  }
0x40: {  	v17 =	vld [tilespmem:s28+$0x3FF0];
	v5 =	vadd.f32 v16, v5  }
0x41: {  	v16 =	vld [tilespmem:s28+$0x4000];
	v0 =	vadd.f32 v21, v0  }
0x42: {  	v13 =	vadd.f32 v20, v13;
	v20 =	vld [tilespmem:s28+$0x4010]  }
0x43: {  	v11 =	vadd.f32 v19, v11;
	v19 =	vld [tilespmem:s28+$0x4020]  }
0x44: {  	v9 =	vadd.f32 v18, v9;
	v18 =	vld [tilespmem:s28+$0x4030]  }
0x45: {  	v6 =	vadd.f32 v17, v6;
	v17 =	vld [tilespmem:s28+$0x58C0]  }
0x46: {  	v4 =	vadd.f32 v16, v4;
	v16 =	vld [tilespmem:s28+$0x58D0]  }
.Ltmp2:
0x47: {  	v3 =	vadd.f32 v20, v3;
	v20 =	vld [tilespmem:s28+$0x58E0];
	(pc) =	sbr.rel @p0 .LBB2_3-.Ltmp2, $4  }
0x48: {  	v2 =	vadd.f32 v19, v2;
	v19 =	vld [tilespmem:s28+$0x58F0]  }
0x49: {  	v1 =	vadd.f32 v18, v1;
	v18 =	vld [tilespmem:s28+$0x5900]  }
0x4a: {  	v15 =	vadd.f32 v17, v15;
	v17 =	vld [tilespmem:s28+$0x5910]  }
0x4b: {  	v14 =	vadd.f32 v16, v14;
	v16 =	vld [tilespmem:s28+$0x5920];
	s28 =	sshra.s32 s29, $0x2;
	s29 =	sadd.s32 $0x200, s29  }
0x4c: {  	v21 =	vld [tilespmem:s28+$0x5930]  }
0x4d: {  	v22 =	vld [tilespmem:s28+$0x3FC0]  }
0x4e: {  	v23 =	vld [tilespmem:s28+$0x3FD0]  }
0x4f: {  	v24 =	vld [tilespmem:s28+$0x3FE0]  }
0x50: {  	v25 =	vld [tilespmem:s28+$0x3FF0]  }
0x51: {  	v26 =	vld [tilespmem:s28+$0x4000]  }
0x52: {  	v27 =	vld [tilespmem:s28+$0x4010]  }
0x53: {  	v28 =	vld [tilespmem:s28+$0x4020]  }
0x54: {  	v29 =	vld [tilespmem:s28+$0x58C0]  }
0x55: {  	v30 =	vld [tilespmem:s28+$0x4030]  }
0x56: {  	v31 =	vld [tilespmem:s28+$0x58D0]  }
0x57: {  	v32 =	vld [tilespmem:s28+$0x58E0]  }
0x58: {  	v63 =	vld [tilespmem:s28+$0x5900];
	v13 =	vadd.f32 v22, v13  }
0x59: {  	v7 =	vadd.f32 v20, v7;
	v20 =	vld [tilespmem:s28+$0x5920];
	v15 =	vadd.f32 v29, v15  }
0x5a: {  	s0 =	sshll.u32 s26, $0xA;
	v22 =	vld [tilespmem:s28+$0x58F0];
	v11 =	vadd.f32 v23, v11;
	v13 =	vmul.f32 $1.999999960e-02, v13  }
0x5b: {  	v23 =	vld [tilespmem:s28+$0x5910];
	s28 =	sand.u32 $0x3FFFFC00, s0;
	v9 =	vadd.f32 v24, v9;
	v15 =	vmul.f32 $1.999999960e-02, v15  }
0x5c: {  	v7 =	vadd.f32 v32, v7;
	v11 =	vmul.f32 $1.999999960e-02, v11;
	[tilespmem:s28+$0x11000] =	vst v13  }
0x5d: {  	v6 =	vadd.f32 v25, v6;
	v9 =	vmul.f32 $1.999999960e-02, v9;
	[tilespmem:s28+$0x11080] =	vst v15  }
0x5e: {  	v4 =	vadd.f32 v26, v4;
	v7 =	vmul.f32 $1.999999960e-02, v7;
	[tilespmem:s28+$0x11010] =	vst v11  }
0x5f: {  	v3 =	vadd.f32 v27, v3;
	v6 =	vmul.f32 $1.999999960e-02, v6;
	[tilespmem:s28+$0x11020] =	vst v9  }
0x60: {  	v2 =	vadd.f32 v28, v2;
	v4 =	vmul.f32 $1.999999960e-02, v4;
	[tilespmem:s28+$0x110A0] =	vst v7  }
0x61: {  	v1 =	vadd.f32 v30, v1;
	v3 =	vmul.f32 $1.999999960e-02, v3;
	[tilespmem:s28+$0x11030] =	vst v6  }
0x62: {  	v5 =	vadd.f32 v16, v5;
	v0 =	vadd.f32 v21, v0;
	v2 =	vmul.f32 $1.999999960e-02, v2;
	[tilespmem:s28+$0x11040] =	vst v4  }
0x63: {  	v12 =	vadd.f32 v19, v12;
	v14 =	vadd.f32 v31, v14;
	v1 =	vmul.f32 $1.999999960e-02, v1;
	[tilespmem:s28+$0x11050] =	vst v3  }
0x64: {  	v8 =	vadd.f32 v17, v8;
	v0 =	vmul.f32 $1.999999960e-02, v0;
	v4 =	vadd.f32 v20, v5;
	[tilespmem:s28+$0x11060] =	vst v2  }
0x65: {  	v10 =	vadd.f32 v18, v10;
	v13 =	vmul.f32 $1.999999960e-02, v14;
	[tilespmem:s28+$0x11070] =	vst v1;
	v11 =	vadd.f32 v22, v12  }
0x66: {  	[tilespmem:s28+$0x110F0] =	vst v0;
	v6 =	vadd.f32 v23, v8;
	v3 =	vmul.f32 $1.999999960e-02, v4  }
0x67: {  	v9 =	vadd.f32 v63, v10;
	[tilespmem:s28+$0x11090] =	vst v13;
	v7 =	vmul.f32 $1.999999960e-02, v11  }
0x68: {  	v5 =	vmul.f32 $1.999999960e-02, v6;
	[tilespmem:s28+$0x110E0] =	vst v3  }
0x69: {  	s29 =	sshll.u32 s26, $0xB;
	p0 =	seq.s32 s26, $0x1F;
	[tilespmem:s28+$0x110B0] =	vst v7;
	v7 =	vmul.f32 $1.999999960e-02, v9  }
0x6a: {  	s30 =	sshrl.u32 @!p0 s29, $0x2;
	[tilespmem:s28+$0x110D0] =	vst v5  }
0x6b: {  	s31 =	simm.s32 @!p0 $0x64;
	s2 =	simm.s32 @!p0 $0x4000;
	s0 =	sadd.s32 @!p0 $0x200, s30;
	[tilespmem:s28+$0x110C0] =	vst v7  }
0x6c: {  	[tilespmem:s2], [sflag:$0x1] =	stream.indirect.gather @!p0 [hbm4b:s1+s31], $0x80, s0, s31, $0xb8;
	[tilespmem:$0x19000] =	vst v63  }
0x6d: {  	_ =	swait.ge [sflag:s20], $0x3200  }
0x6e: {  	[sflag:s20] =	ssyncset.done $0x0  }
0x6f: {  	s2 =	simm.s32 $0x0;
	[sflag:s20] =	ssyncadd.s32 $0xFFFFCE00  }
0x70: {  	v0 =	vld [tilespmem:s2+$0x8D70]  }
0x71: {  	v1 =	vld [tilespmem:s2+$0x7400]  }
0x72: {  	v2 =	vld [tilespmem:s2+$0x7410]  }
0x73: {  	v3 =	vld [tilespmem:s2+$0x7420]  }
0x74: {  	v4 =	vld [tilespmem:s2+$0x7430]  }
0x75: {  	v5 =	vld [tilespmem:s2+$0x7440]  }
0x76: {  	v8 =	vld [tilespmem:s2+$0x7450]  }
0x77: {  	v10 =	vld [tilespmem:s2+$0x7460]  }
0x78: {  	v12 =	vld [tilespmem:s2+$0x7470]  }
0x79: {  	v7 =	vimm.f32 $0.0e+00;
	v14 =	vld [tilespmem:s2+$0x8D00]  }
0x7a: {  	v16 =	vld [tilespmem:s2+$0x8D10];
	v0 =	vadd.f32 v0, v7  }
0x7b: {  	v13 =	vadd.f32 v1, v7;
	v11 =	vadd.f32 v2, v7  }
0x7c: {  	v20 =	vld [tilespmem:s2+$0x8D20];
	v9 =	vadd.f32 v3, v7;
	v6 =	vadd.f32 v4, v7  }
0x7d: {  	v19 =	vld [tilespmem:s2+$0x8D30];
	v4 =	vadd.f32 v5, v7;
	v3 =	vadd.f32 v8, v7  }
0x7e: {  	v18 =	vld [tilespmem:s2+$0x8D40];
	v2 =	vadd.f32 v10, v7;
	v1 =	vadd.f32 v12, v7  }
0x7f: {  	v17 =	vld [tilespmem:s2+$0x8D50];
	v15 =	vadd.f32 v14, v7;
	v14 =	vadd.f32 v16, v7;
	v12 =	vimm.f32 $0.0e+00  }
0x80: {  	s31 =	simm.s32 $0x80;
	s0 =	simm.s32 $0x400;
	v16 =	vld [tilespmem:s2+$0x8D60];
	v10 =	vimm.f32 $0.0e+00;
	v8 =	vimm.f32 $0.0e+00;
	v5 =	vimm.f32 $0.0e+00  }
.LBB2_5:
0x81: {  	p1 =	sne.s32 s0, $0x6200;
	v21 =	vld [tilespmem:s31+$0x8D70];
	v7 =	vadd.f32 v20, v7  }
0x82: {  	v20 =	vld [tilespmem:s31+$0x7400];
	v12 =	vadd.f32 v19, v12  }
0x83: {  	v19 =	vld [tilespmem:s31+$0x7410];
	v10 =	vadd.f32 v18, v10  }
0x84: {  	v18 =	vld [tilespmem:s31+$0x7420];
	v8 =	vadd.f32 v17, v8  }
0x85: {  	v17 =	vld [tilespmem:s31+$0x7430];
	v5 =	vadd.f32 v16, v5  }
0x86: {  	v16 =	vld [tilespmem:s31+$0x7440];
	v0 =	vadd.f32 v21, v0  }
0x87: {  	v13 =	vadd.f32 v20, v13;
	v20 =	vld [tilespmem:s31+$0x7450]  }
0x88: {  	v11 =	vadd.f32 v19, v11;
	v19 =	vld [tilespmem:s31+$0x7460]  }
0x89: {  	v9 =	vadd.f32 v18, v9;
	v18 =	vld [tilespmem:s31+$0x7470]  }
0x8a: {  	v6 =	vadd.f32 v17, v6;
	v17 =	vld [tilespmem:s31+$0x8D00]  }
0x8b: {  	v4 =	vadd.f32 v16, v4;
	v16 =	vld [tilespmem:s31+$0x8D10]  }
.Ltmp3:
0x8c: {  	v3 =	vadd.f32 v20, v3;
	v20 =	vld [tilespmem:s31+$0x8D20];
	(pc) =	sbr.rel @p1 .LBB2_5-.Ltmp3, $4  }
0x8d: {  	v2 =	vadd.f32 v19, v2;
	v19 =	vld [tilespmem:s31+$0x8D30]  }
0x8e: {  	v1 =	vadd.f32 v18, v1;
	v18 =	vld [tilespmem:s31+$0x8D40]  }
0x8f: {  	v15 =	vadd.f32 v17, v15;
	v17 =	vld [tilespmem:s31+$0x8D50]  }
0x90: {  	v14 =	vadd.f32 v16, v14;
	v16 =	vld [tilespmem:s31+$0x8D60];
	s31 =	sshra.s32 s0, $0x2;
	s0 =	sadd.s32 $0x200, s0  }
0x91: {  	v21 =	vld [tilespmem:s31+$0x8D70]  }
0x92: {  	v22 =	vld [tilespmem:s31+$0x7400]  }
0x93: {  	v23 =	vld [tilespmem:s31+$0x7410]  }
0x94: {  	v24 =	vld [tilespmem:s31+$0x7420]  }
0x95: {  	v25 =	vld [tilespmem:s31+$0x7430]  }
0x96: {  	v26 =	vld [tilespmem:s31+$0x7440]  }
0x97: {  	v27 =	vld [tilespmem:s31+$0x7450]  }
0x98: {  	v29 =	vld [tilespmem:s31+$0x8D00]  }
0x99: {  	v28 =	vld [tilespmem:s31+$0x7460]  }
0x9a: {  	v30 =	vld [tilespmem:s31+$0x7470]  }
0x9b: {  	v32 =	vld [tilespmem:s31+$0x8D20]  }
0x9c: {  	v31 =	vld [tilespmem:s31+$0x8D10];
	v13 =	vadd.f32 v22, v13  }
0x9d: {  	v63 =	vld [tilespmem:s31+$0x8D40];
	v15 =	vadd.f32 v29, v15  }
0x9e: {  	v7 =	vadd.f32 v20, v7;
	v20 =	vld [tilespmem:s31+$0x8D60];
	v11 =	vadd.f32 v23, v11;
	v13 =	vmul.f32 $1.999999960e-02, v13  }
0x9f: {  	v22 =	vld [tilespmem:s31+$0x8D30];
	v9 =	vadd.f32 v24, v9;
	v15 =	vmul.f32 $1.999999960e-02, v15  }
0xa0: {  	v23 =	vld [tilespmem:s31+$0x8D50];
	v7 =	vadd.f32 v32, v7;
	v11 =	vmul.f32 $1.999999960e-02, v11;
	[tilespmem:s28+$0x11100] =	vst v13  }
0xa1: {  	v6 =	vadd.f32 v25, v6;
	v9 =	vmul.f32 $1.999999960e-02, v9;
	[tilespmem:s28+$0x11180] =	vst v15  }
0xa2: {  	v4 =	vadd.f32 v26, v4;
	v7 =	vmul.f32 $1.999999960e-02, v7;
	[tilespmem:s28+$0x11110] =	vst v11  }
0xa3: {  	v3 =	vadd.f32 v27, v3;
	v6 =	vmul.f32 $1.999999960e-02, v6;
	[tilespmem:s28+$0x11120] =	vst v9  }
0xa4: {  	v2 =	vadd.f32 v28, v2;
	v4 =	vmul.f32 $1.999999960e-02, v4;
	[tilespmem:s28+$0x111A0] =	vst v7  }
0xa5: {  	v1 =	vadd.f32 v30, v1;
	v3 =	vmul.f32 $1.999999960e-02, v3;
	[tilespmem:s28+$0x11130] =	vst v6  }
0xa6: {  	v5 =	vadd.f32 v16, v5;
	v0 =	vadd.f32 v21, v0;
	v2 =	vmul.f32 $1.999999960e-02, v2;
	[tilespmem:s28+$0x11140] =	vst v4  }
0xa7: {  	v12 =	vadd.f32 v19, v12;
	v14 =	vadd.f32 v31, v14;
	v1 =	vmul.f32 $1.999999960e-02, v1;
	[tilespmem:s28+$0x11150] =	vst v3  }
0xa8: {  	v8 =	vadd.f32 v17, v8;
	v0 =	vmul.f32 $1.999999960e-02, v0;
	v4 =	vadd.f32 v20, v5;
	[tilespmem:s28+$0x11160] =	vst v2  }
0xa9: {  	v10 =	vadd.f32 v18, v10;
	v13 =	vmul.f32 $1.999999960e-02, v14;
	[tilespmem:s28+$0x11170] =	vst v1;
	v11 =	vadd.f32 v22, v12  }
0xaa: {  	[tilespmem:s28+$0x111F0] =	vst v0;
	v6 =	vadd.f32 v23, v8;
	v3 =	vmul.f32 $1.999999960e-02, v4  }
0xab: {  	v9 =	vadd.f32 v63, v10;
	[tilespmem:s28+$0x11190] =	vst v13;
	v7 =	vmul.f32 $1.999999960e-02, v11  }
0xac: {  	v5 =	vmul.f32 $1.999999960e-02, v6;
	[tilespmem:s28+$0x111E0] =	vst v3  }
0xad: {  	[tilespmem:s28+$0x111B0] =	vst v7;
	v7 =	vmul.f32 $1.999999960e-02, v9  }
0xae: {  	[tilespmem:s28+$0x111D0] =	vst v5  }
0xaf: {  	s0 =	sadd.s32 @!p0 $0x280, s30;
	s2 =	simm.s32 @!p0 $0x64;
	s31 =	simm.s32 @!p0 $0x7400;
	[tilespmem:s28+$0x111C0] =	vst v7  }
0xb0: {  	[tilespmem:s31], [sflag:$0x2] =	stream.indirect.gather @!p0 [hbm4b:s1+s2], $0x80, s0, s2, $0xb8;
	[tilespmem:$0x19000] =	vst v63  }
0xb1: {  	_ =	swait.ge [sflag:s21], $0x3200  }
0xb2: {  	[sflag:s21] =	ssyncset.done $0x0  }
0xb3: {  	s2 =	simm.s32 $0x0;
	[sflag:s21] =	ssyncadd.s32 $0xFFFFCE00  }
0xb4: {  	v0 =	vld [tilespmem:s2+$0xC170]  }
0xb5: {  	v1 =	vld [tilespmem:s2+$0xA800]  }
0xb6: {  	v2 =	vld [tilespmem:s2+$0xA810]  }
0xb7: {  	v3 =	vld [tilespmem:s2+$0xA820]  }
0xb8: {  	v4 =	vld [tilespmem:s2+$0xA830]  }
0xb9: {  	v5 =	vld [tilespmem:s2+$0xA840]  }
0xba: {  	v8 =	vld [tilespmem:s2+$0xA850]  }
0xbb: {  	v10 =	vld [tilespmem:s2+$0xA860]  }
0xbc: {  	v12 =	vld [tilespmem:s2+$0xA870]  }
0xbd: {  	v7 =	vimm.f32 $0.0e+00;
	v14 =	vld [tilespmem:s2+$0xC100]  }
0xbe: {  	v16 =	vld [tilespmem:s2+$0xC110];
	v0 =	vadd.f32 v0, v7  }
0xbf: {  	v13 =	vadd.f32 v1, v7;
	v11 =	vadd.f32 v2, v7  }
0xc0: {  	v20 =	vld [tilespmem:s2+$0xC120];
	v9 =	vadd.f32 v3, v7;
	v6 =	vadd.f32 v4, v7  }
0xc1: {  	v19 =	vld [tilespmem:s2+$0xC130];
	v4 =	vadd.f32 v5, v7;
	v3 =	vadd.f32 v8, v7  }
0xc2: {  	v18 =	vld [tilespmem:s2+$0xC140];
	v2 =	vadd.f32 v10, v7;
	v1 =	vadd.f32 v12, v7  }
0xc3: {  	v17 =	vld [tilespmem:s2+$0xC150];
	v15 =	vadd.f32 v14, v7;
	v14 =	vadd.f32 v16, v7;
	v12 =	vimm.f32 $0.0e+00  }
0xc4: {  	s31 =	simm.s32 $0x80;
	s0 =	simm.s32 $0x400;
	v16 =	vld [tilespmem:s2+$0xC160];
	v10 =	vimm.f32 $0.0e+00;
	v8 =	vimm.f32 $0.0e+00;
	v5 =	vimm.f32 $0.0e+00  }
.LBB2_7:
0xc5: {  	p1 =	sne.s32 s0, $0x6200;
	v21 =	vld [tilespmem:s31+$0xC170];
	v7 =	vadd.f32 v20, v7  }
0xc6: {  	v20 =	vld [tilespmem:s31+$0xA800];
	v12 =	vadd.f32 v19, v12  }
0xc7: {  	v19 =	vld [tilespmem:s31+$0xA810];
	v10 =	vadd.f32 v18, v10  }
0xc8: {  	v18 =	vld [tilespmem:s31+$0xA820];
	v8 =	vadd.f32 v17, v8  }
0xc9: {  	v17 =	vld [tilespmem:s31+$0xA830];
	v5 =	vadd.f32 v16, v5  }
0xca: {  	v16 =	vld [tilespmem:s31+$0xA840];
	v0 =	vadd.f32 v21, v0  }
0xcb: {  	v13 =	vadd.f32 v20, v13;
	v20 =	vld [tilespmem:s31+$0xA850]  }
0xcc: {  	v11 =	vadd.f32 v19, v11;
	v19 =	vld [tilespmem:s31+$0xA860]  }
0xcd: {  	v9 =	vadd.f32 v18, v9;
	v18 =	vld [tilespmem:s31+$0xA870]  }
0xce: {  	v6 =	vadd.f32 v17, v6;
	v17 =	vld [tilespmem:s31+$0xC100]  }
0xcf: {  	v4 =	vadd.f32 v16, v4;
	v16 =	vld [tilespmem:s31+$0xC110]  }
.Ltmp4:
0xd0: {  	v3 =	vadd.f32 v20, v3;
	v20 =	vld [tilespmem:s31+$0xC120];
	(pc) =	sbr.rel @p1 .LBB2_7-.Ltmp4, $4  }
0xd1: {  	v2 =	vadd.f32 v19, v2;
	v19 =	vld [tilespmem:s31+$0xC130]  }
0xd2: {  	v1 =	vadd.f32 v18, v1;
	v18 =	vld [tilespmem:s31+$0xC140]  }
0xd3: {  	v15 =	vadd.f32 v17, v15;
	v17 =	vld [tilespmem:s31+$0xC150]  }
0xd4: {  	v14 =	vadd.f32 v16, v14;
	v16 =	vld [tilespmem:s31+$0xC160];
	s31 =	sshra.s32 s0, $0x2;
	s0 =	sadd.s32 $0x200, s0  }
0xd5: {  	v21 =	vld [tilespmem:s31+$0xC170]  }
0xd6: {  	v22 =	vld [tilespmem:s31+$0xA800]  }
0xd7: {  	v23 =	vld [tilespmem:s31+$0xA810]  }
0xd8: {  	v24 =	vld [tilespmem:s31+$0xA820]  }
0xd9: {  	v25 =	vld [tilespmem:s31+$0xA830]  }
0xda: {  	v26 =	vld [tilespmem:s31+$0xA840]  }
0xdb: {  	v27 =	vld [tilespmem:s31+$0xA850]  }
0xdc: {  	v29 =	vld [tilespmem:s31+$0xC100]  }
0xdd: {  	v28 =	vld [tilespmem:s31+$0xA860]  }
0xde: {  	v30 =	vld [tilespmem:s31+$0xA870]  }
0xdf: {  	v32 =	vld [tilespmem:s31+$0xC120]  }
0xe0: {  	v31 =	vld [tilespmem:s31+$0xC110];
	v13 =	vadd.f32 v22, v13  }
0xe1: {  	v63 =	vld [tilespmem:s31+$0xC140];
	v15 =	vadd.f32 v29, v15  }
0xe2: {  	v7 =	vadd.f32 v20, v7;
	v20 =	vld [tilespmem:s31+$0xC160];
	v11 =	vadd.f32 v23, v11;
	v13 =	vmul.f32 $1.999999960e-02, v13  }
0xe3: {  	v22 =	vld [tilespmem:s31+$0xC130];
	v9 =	vadd.f32 v24, v9;
	v15 =	vmul.f32 $1.999999960e-02, v15  }
0xe4: {  	v23 =	vld [tilespmem:s31+$0xC150];
	v7 =	vadd.f32 v32, v7;
	v11 =	vmul.f32 $1.999999960e-02, v11;
	[tilespmem:s28+$0x11200] =	vst v13  }
0xe5: {  	v6 =	vadd.f32 v25, v6;
	v9 =	vmul.f32 $1.999999960e-02, v9;
	[tilespmem:s28+$0x11280] =	vst v15  }
0xe6: {  	v4 =	vadd.f32 v26, v4;
	v7 =	vmul.f32 $1.999999960e-02, v7;
	[tilespmem:s28+$0x11210] =	vst v11  }
0xe7: {  	v3 =	vadd.f32 v27, v3;
	v6 =	vmul.f32 $1.999999960e-02, v6;
	[tilespmem:s28+$0x11220] =	vst v9  }
0xe8: {  	v2 =	vadd.f32 v28, v2;
	v4 =	vmul.f32 $1.999999960e-02, v4;
	[tilespmem:s28+$0x112A0] =	vst v7  }
0xe9: {  	v1 =	vadd.f32 v30, v1;
	v3 =	vmul.f32 $1.999999960e-02, v3;
	[tilespmem:s28+$0x11230] =	vst v6  }
0xea: {  	v5 =	vadd.f32 v16, v5;
	v0 =	vadd.f32 v21, v0;
	v2 =	vmul.f32 $1.999999960e-02, v2;
	[tilespmem:s28+$0x11240] =	vst v4  }
0xeb: {  	v12 =	vadd.f32 v19, v12;
	v14 =	vadd.f32 v31, v14;
	v1 =	vmul.f32 $1.999999960e-02, v1;
	[tilespmem:s28+$0x11250] =	vst v3  }
0xec: {  	v8 =	vadd.f32 v17, v8;
	v0 =	vmul.f32 $1.999999960e-02, v0;
	v4 =	vadd.f32 v20, v5;
	[tilespmem:s28+$0x11260] =	vst v2  }
0xed: {  	v10 =	vadd.f32 v18, v10;
	v13 =	vmul.f32 $1.999999960e-02, v14;
	[tilespmem:s28+$0x11270] =	vst v1;
	v11 =	vadd.f32 v22, v12  }
0xee: {  	[tilespmem:s28+$0x112F0] =	vst v0;
	v6 =	vadd.f32 v23, v8;
	v3 =	vmul.f32 $1.999999960e-02, v4  }
0xef: {  	v9 =	vadd.f32 v63, v10;
	[tilespmem:s28+$0x11290] =	vst v13;
	v7 =	vmul.f32 $1.999999960e-02, v11  }
0xf0: {  	v5 =	vmul.f32 $1.999999960e-02, v6;
	[tilespmem:s28+$0x112E0] =	vst v3  }
0xf1: {  	[tilespmem:s28+$0x112B0] =	vst v7;
	v7 =	vmul.f32 $1.999999960e-02, v9  }
0xf2: {  	[tilespmem:s28+$0x112D0] =	vst v5  }
0xf3: {  	s0 =	sadd.s32 @!p0 $0x300, s30;
	s2 =	simm.s32 @!p0 $0x64;
	s30 =	simm.s32 @!p0 $0xA800;
	[tilespmem:s28+$0x112C0] =	vst v7  }
0xf4: {  	[tilespmem:s30], [sflag:$0x3] =	stream.indirect.gather @!p0 [hbm4b:s1+s2], $0x80, s0, s2, $0xb8;
	[tilespmem:$0x19000] =	vst v63  }
0xf5: {  	_ =	swait.ge [sflag:s22], $0x3200  }
0xf6: {  	[sflag:s22] =	ssyncset.done $0x0  }
0xf7: {  	s31 =	simm.s32 $0x0;
	[sflag:s22] =	ssyncadd.s32 $0xFFFFCE00  }
0xf8: {  	v0 =	vld [tilespmem:s31+$0xF570]  }
0xf9: {  	v1 =	vld [tilespmem:s31+$0xDC00]  }
0xfa: {  	v2 =	vld [tilespmem:s31+$0xDC10]  }
0xfb: {  	v3 =	vld [tilespmem:s31+$0xDC20]  }
0xfc: {  	v4 =	vld [tilespmem:s31+$0xDC30]  }
0xfd: {  	v5 =	vld [tilespmem:s31+$0xDC40]  }
0xfe: {  	v8 =	vld [tilespmem:s31+$0xDC50]  }
0xff: {  	v10 =	vld [tilespmem:s31+$0xDC60]  }
0x100: {  	v12 =	vld [tilespmem:s31+$0xDC70]  }
0x101: {  	v7 =	vimm.f32 $0.0e+00;
	v14 =	vld [tilespmem:s31+$0xF500]  }
0x102: {  	v16 =	vld [tilespmem:s31+$0xF510];
	v0 =	vadd.f32 v0, v7  }
0x103: {  	v13 =	vadd.f32 v1, v7;
	v11 =	vadd.f32 v2, v7  }
0x104: {  	v20 =	vld [tilespmem:s31+$0xF520];
	v9 =	vadd.f32 v3, v7;
	v6 =	vadd.f32 v4, v7  }
0x105: {  	v19 =	vld [tilespmem:s31+$0xF530];
	v4 =	vadd.f32 v5, v7;
	v3 =	vadd.f32 v8, v7  }
0x106: {  	v18 =	vld [tilespmem:s31+$0xF540];
	v2 =	vadd.f32 v10, v7;
	v1 =	vadd.f32 v12, v7  }
0x107: {  	v17 =	vld [tilespmem:s31+$0xF550];
	v15 =	vadd.f32 v14, v7;
	v14 =	vadd.f32 v16, v7;
	v12 =	vimm.f32 $0.0e+00  }
0x108: {  	s30 =	simm.s32 $0x80;
	s0 =	simm.s32 $0x400;
	v16 =	vld [tilespmem:s31+$0xF560];
	v10 =	vimm.f32 $0.0e+00;
	v8 =	vimm.f32 $0.0e+00;
	v5 =	vimm.f32 $0.0e+00  }
.LBB2_9:
0x109: {  	p1 =	sne.s32 s0, $0x6200;
	v21 =	vld [tilespmem:s30+$0xF570];
	v7 =	vadd.f32 v20, v7  }
0x10a: {  	v20 =	vld [tilespmem:s30+$0xDC00];
	v12 =	vadd.f32 v19, v12  }
0x10b: {  	v19 =	vld [tilespmem:s30+$0xDC10];
	v10 =	vadd.f32 v18, v10  }
0x10c: {  	v18 =	vld [tilespmem:s30+$0xDC20];
	v8 =	vadd.f32 v17, v8  }
0x10d: {  	v17 =	vld [tilespmem:s30+$0xDC30];
	v5 =	vadd.f32 v16, v5  }
0x10e: {  	v16 =	vld [tilespmem:s30+$0xDC40];
	v0 =	vadd.f32 v21, v0  }
0x10f: {  	v13 =	vadd.f32 v20, v13;
	v20 =	vld [tilespmem:s30+$0xDC50]  }
0x110: {  	v11 =	vadd.f32 v19, v11;
	v19 =	vld [tilespmem:s30+$0xDC60]  }
0x111: {  	v9 =	vadd.f32 v18, v9;
	v18 =	vld [tilespmem:s30+$0xDC70]  }
0x112: {  	v6 =	vadd.f32 v17, v6;
	v17 =	vld [tilespmem:s30+$0xF500]  }
0x113: {  	v4 =	vadd.f32 v16, v4;
	v16 =	vld [tilespmem:s30+$0xF510]  }
.Ltmp5:
0x114: {  	v3 =	vadd.f32 v20, v3;
	v20 =	vld [tilespmem:s30+$0xF520];
	(pc) =	sbr.rel @p1 .LBB2_9-.Ltmp5, $4  }
0x115: {  	v2 =	vadd.f32 v19, v2;
	v19 =	vld [tilespmem:s30+$0xF530]  }
0x116: {  	v1 =	vadd.f32 v18, v1;
	v18 =	vld [tilespmem:s30+$0xF540]  }
0x117: {  	v15 =	vadd.f32 v17, v15;
	v17 =	vld [tilespmem:s30+$0xF550]  }
0x118: {  	v14 =	vadd.f32 v16, v14;
	v16 =	vld [tilespmem:s30+$0xF560];
	s30 =	sshra.s32 s0, $0x2;
	s0 =	sadd.s32 $0x200, s0  }
0x119: {  	v21 =	vld [tilespmem:s30+$0xF570]  }
0x11a: {  	v22 =	vld [tilespmem:s30+$0xDC00]  }
0x11b: {  	v23 =	vld [tilespmem:s30+$0xDC10]  }
0x11c: {  	v24 =	vld [tilespmem:s30+$0xDC20]  }
0x11d: {  	v25 =	vld [tilespmem:s30+$0xDC30]  }
0x11e: {  	v26 =	vld [tilespmem:s30+$0xDC40]  }
0x11f: {  	v27 =	vld [tilespmem:s30+$0xDC50]  }
0x120: {  	v29 =	vld [tilespmem:s30+$0xF500]  }
0x121: {  	v28 =	vld [tilespmem:s30+$0xDC60]  }
0x122: {  	v31 =	vld [tilespmem:s30+$0xF510]  }
0x123: {  	v30 =	vld [tilespmem:s30+$0xDC70]  }
0x124: {  	v32 =	vld [tilespmem:s30+$0xF520];
	v13 =	vadd.f32 v22, v13  }
0x125: {  	v51 =	vld [tilespmem:s30+$0xF530];
	v15 =	vadd.f32 v29, v15  }
0x126: {  	v52 =	vld [tilespmem:s30+$0xF540];
	v11 =	vadd.f32 v23, v11;
	v13 =	vmul.f32 $1.999999960e-02, v13  }
0x127: {  	v53 =	vld [tilespmem:s30+$0xF550];
	v7 =	vadd.f32 v20, v7;
	v14 =	vadd.f32 v31, v14;
	v15 =	vmul.f32 $1.999999960e-02, v15  }
0x128: {  	v54 =	vld [tilespmem:s30+$0xF560];
	v9 =	vadd.f32 v24, v9;
	v11 =	vmul.f32 $1.999999960e-02, v11;
	[tilespmem:s28+$0x11300] =	vst v13  }
0x129: {  	v12 =	vadd.f32 v19, v12;
	v7 =	vadd.f32 v32, v7;
	v55 =	vmul.f32 $1.999999960e-02, v14;
	[tilespmem:s28+$0x11380] =	vst v15  }
0x12a: {  	v6 =	vadd.f32 v25, v6;
	v9 =	vmul.f32 $1.999999960e-02, v9;
	[tilespmem:s28+$0x11310] =	vst v11  }
0x12b: {  	v10 =	vadd.f32 v18, v10;
	v56 =	vadd.f32 v51, v12;
	v7 =	vmul.f32 $1.999999960e-02, v7;
	[tilespmem:s28+$0x11390] =	vst v55  }
0x12c: {  	v4 =	vadd.f32 v26, v4;
	v6 =	vmul.f32 $1.999999960e-02, v6;
	[tilespmem:s28+$0x11320] =	vst v9  }
0x12d: {  	v8 =	vadd.f32 v17, v8;
	v57 =	vadd.f32 v52, v10;
	v58 =	vmul.f32 $1.999999960e-02, v56;
	[tilespmem:s28+$0x113A0] =	vst v7  }
0x12e: {  	v3 =	vadd.f32 v27, v3;
	v4 =	vmul.f32 $1.999999960e-02, v4;
	[tilespmem:s28+$0x11330] =	vst v6  }
0x12f: {  	v59 =	vadd.f32 v53, v8;
	v60 =	vmul.f32 $1.999999960e-02, v57;
	[tilespmem:s28+$0x113B0] =	vst v58  }
0x130: {  	v2 =	vadd.f32 v28, v2;
	v3 =	vmul.f32 $1.999999960e-02, v3;
	[tilespmem:s28+$0x11340] =	vst v4  }
0x131: {  	v5 =	vadd.f32 v16, v5;
	v1 =	vadd.f32 v30, v1;
	v62 =	vmul.f32 $1.999999960e-02, v59;
	[tilespmem:s28+$0x113C0] =	vst v60  }
0x132: {  	v0 =	vadd.f32 v21, v0;
	v2 =	vmul.f32 $1.999999960e-02, v2;
	[tilespmem:s28+$0x11350] =	vst v3  }
.Ltmp6:
0x133: {  	v61 =	vadd.f32 v54, v5;
	v1 =	vmul.f32 $1.999999960e-02, v1;
	[tilespmem:s28+$0x113D0] =	vst v62;
	(pc) =	sbr.rel @p0 .LBB2_12-.Ltmp6, $4  }
0x134: {  	v0 =	vmul.f32 $1.999999960e-02, v0;
	[tilespmem:s28+$0x11360] =	vst v2  }
0x135: {  	v63 =	vmul.f32 $1.999999960e-02, v61;
	[tilespmem:s28+$0x11370] =	vst v1  }
0x136: {  	[tilespmem:s28+$0x113F0] =	vst v0  }
0x137: {  	[tilespmem:s28+$0x113E0] =	vst v63  }
.Ltmp7:
0x138: {  	s0 =	sshrl.u32 s29, $0x2;
	(pc) =	sbr.rel .LBB2_2-.Ltmp7, $4  }
0x139: {  	p0 =	sne.s32 s26, $0xF;
	s0 =	sadd.s32 $0x380, s0  }
0x13a: {  	[tilespmem:s18], [sflag:$0x4] =	stream.indirect.gather [hbm4b:s1+s11], $0x80, s0, s11, $0xb8;
	[tilespmem:$0x19000] =	vst v63  }
0x13b: {  	s26 =	sadd.s32 $0x1, s26;
	s2 =	simm.s32 @!p0 $0x11000;
	s0 =	simm.s32 @!p0 $0x0  }
0x13c: {  	[hbm4b:s6+s0] =	stream.linear.scatter @!p0 [tilespmem:s2], [sflag:$0x5], $0x4000, $0x38;
	[tilespmem:$0x19000] =	vst v63  }
.LBB2_13:
0x13d: {  	_ =	sfence.sel $0x180000  }
0x13e: {  	[bflag:$0x0] =	sbarrier.arrive $0xFFFF  }
0x13f: {  	_ =	strace $0x90000047  }
0x140: {  	s0 =	stileid.u32;
	[bflag:$0x2] =	sbarrier.arrive $0xFFFF  }
0x141: {  	p0 =	sne.s32 s0, $0x0;
	s0 =	rddreg [dreg:$0x4]  }
0x142: {  	s0 =	sadd.s32 @!p0 $0x100000, s0  }
0x143: {  	[sflag:s0] =	ssyncadd.tile.s32 @!p0 $0x1;
	_ =	shalt  }
.Lfunc_end2:
_tile_overlayer_lowered:
.L_overlay_start_2:
0x144: {  	(tag) =	ssettag $0x2  }
0x145: {  	s0 =	rddreg [dreg:$0x0];
	s2 =	stileid.u32  }
0x146: {  	s1 =	rddreg [dreg:$0x1];
	p0 =	sne.s32 s2, $0x0  }
0x147: {  	s3 =	rddreg [dreg:$0x2];
	[bflag:$0x3] =	sbarrier.arrive $0xFFFF;
	s2 =	simm.s32 @!p0 $0x1C06  }
0x148: {  	[timem:s3], [sflag:s2] =	dma.local @!p0 [hbm:s0], s1  }
0x149: {  	s0 =	simm.s32 @!p0 $0x6  }
0x14a: {  	_ =	swait.ge @!p0 [sflag:s0], s1  }
0x14b: {  	s1 =	ssub.s32 @!p0 $0x0, s1;
	[sflag:s0] =	ssyncset.done @!p0 $0x0  }
0x14c: {  	[sflag:s0] =	ssyncadd.s32 @!p0 s1  }
0x14d: {  	[bflag:$0x3] =	sbarrier.arrive $0xFFFF  }
0x14e: {  	_ =	shalt  }

</sc_bundles>
